<compile_context>
chip_gen: v7x
topology: tpu7x:2x2x1
jax: 0.10.2.dev20260603
libtpu: 0.0.44.dev20260713+nightly
codegen_flags: <defaults>
</compile_context>

<pallas_src>
import functools

import jax
import jax.numpy as jnp
from jax import lax
from jax.experimental import pallas as pl
from jax.experimental.pallas import tpu as pltpu
from jax.experimental.pallas import tpu_sc as plsc

_N = 10000
_E = 320000
_DL = 64
_NC = 2
_NS = 16
_NW = _NC * _NS
_LN = 128
_K = 2
_CH = _K * _LN
_E2 = 327680
_NCHUNK = _E2 // (_NW * _CH)
_ROWS_W = _E2 // (_NW * _LN)
_NPAD = 10240
_SP = _NPAD // _NS
_FAST_CID = 0
_RW_FAST = 80
_RW_SLOW = 80
_IDXROWS = 16 * _RW_FAST + 15 * _RW_SLOW + _RW_FAST

_f32 = jnp.float32


def _elu(v):
    return jnp.where(v > 0, v, jnp.exp(jnp.minimum(v, 0.0)) - 1.0)


def _enc_body(x_ref, w0, b0, w1, b1, w2, b2, wa, wb, h_ref, a_ref, b_ref):
    a = _elu(jnp.dot(x_ref[...], w0[...], preferred_element_type=_f32) + b0[...])
    a = _elu(jnp.dot(a, w1[...], preferred_element_type=_f32) + b1[...])
    h = _elu(jnp.dot(a, w2[...], preferred_element_type=_f32) + b2[...])
    h_ref[...] = h
    a_ref[...] = jnp.dot(h, wa[...], preferred_element_type=_f32)
    b_ref[...] = jnp.dot(h, wb[...], preferred_element_type=_f32)


def _encoder(x, w0, b0, w1, b1, w2, b2, wa, wb):
    blk = 1000
    full = lambda s: pl.BlockSpec(s, lambda i: tuple(0 for _ in s))
    return pl.pallas_call(
        _enc_body,
        grid=(_N // blk,),
        in_specs=[
            pl.BlockSpec((blk, 128), lambda i: (i, 0)),
            full((128, 128)), full((1, 128)),
            full((128, 128)), full((1, 128)),
            full((128, _DL)), full((1, _DL)),
            full((_DL, 128)), full((_DL, 128)),
        ],
        out_specs=[
            pl.BlockSpec((blk, _DL), lambda i: (i, 0)),
            pl.BlockSpec((blk, 128), lambda i: (i, 0)),
            pl.BlockSpec((blk, 128), lambda i: (i, 0)),
        ],
        out_shape=[
            jax.ShapeDtypeStruct((_N, _DL), _f32),
            jax.ShapeDtypeStruct((_N, 128), _f32),
            jax.ShapeDtypeStruct((_N, 128), _f32),
        ],
    )(x, w0, b0, w1, b1, w2, b2, wa, wb)


_mesh = plsc.VectorSubcoreMesh(core_axis_name="c", subcore_axis_name="s")


def _make_gather(rw):

    @functools.partial(
        pl.kernel,
        out_type=jax.ShapeDtypeStruct((rw * _NW * _LN, 128), _f32),
        mesh=_mesh,
        scratch_types=[
            pltpu.VMEM((rw, _LN), jnp.int32),
            pltpu.VMEM((rw, _LN), jnp.int32),
            pltpu.VMEM((4, _LN, 128), _f32),
            pltpu.SemaphoreType.DMA, pltpu.SemaphoreType.DMA,
            pltpu.SemaphoreType.DMA, pltpu.SemaphoreType.DMA,
            pltpu.SemaphoreType.DMA, pltpu.SemaphoreType.DMA,
            pltpu.SemaphoreType.DMA, pltpu.SemaphoreType.DMA,
        ],
    )
    def gk(a_hbm, b_hbm, src_hbm, dst_hbm,
           pre_hbm,
           idx_s, idx_d, buf, g0, g1, g2, g3, w0, w1, w2, w3):
        cid = lax.axis_index("c")
        sid = lax.axis_index("s")
        r0 = (cid * _NS + sid) * rw
        gsem = (g0, g1, g2, g3)
        wsem = (w0, w1, w2, w3)

        pltpu.sync_copy(src_hbm.at[pl.ds(r0, rw)], idx_s)
        pltpu.sync_copy(dst_hbm.at[pl.ds(r0, rw)], idx_d)

        def fire_a(t, b):
            pltpu.async_copy(a_hbm.at[idx_d.at[t]], buf.at[b], gsem[b])

        def fire_b(t, b):
            pltpu.async_copy(b_hbm.at[idx_s.at[t]], buf.at[b], gsem[b],
                             add=True)

        def wait_g(b):
            pltpu.make_async_copy(a_hbm.at[pl.ds(0, _LN)], buf.at[b],
                                  gsem[b]).wait()

        def fire_w(t, b):
            e = (r0 + t) * _LN
            pltpu.async_copy(buf.at[b], pre_hbm.at[pl.ds(e, _LN)], wsem[b])

        def wait_w(b):
            pltpu.make_async_copy(buf.at[b], pre_hbm.at[pl.ds(0, _LN)],
                                  wsem[b]).wait()

        fire_a(0, 0)
        fire_a(1, 1)

        @pl.loop(0, rw, step=4)
        def _(t):
            for j in range(4):
                k = j
                kp = (j + 2) % 4
                row = t + j
                wait_g(k)
                fire_b(row, k)

                @pl.when(jnp.logical_and(row + 2 < rw, row >= 2))
                def _():
                    wait_w(kp)

                @pl.when(row + 2 < rw)
                def _():
                    fire_a(row + 2, kp)
                wait_g(k)
                fire_w(row, k)

        for k in range(4):
            wait_w(k)

    return gk


_gather_half = _make_gather(_ROWS_W // 2)


def _edge_body(base, pre_ref, ea_ref, w0c, b0, w1p, b1p, m_ref):
    i = pl.program_id(0)
    blk = pre_ref.shape[0]
    pre = (pre_ref[...]
           + jnp.dot(ea_ref[...], w0c[...], preferred_element_type=_f32)
           + b0[...])
    m2 = jnp.dot(_elu(pre), w1p[...], preferred_element_type=_f32) + b1p[...]
    eid = base + i * blk + lax.broadcasted_iota(jnp.int32, (blk, 1), 0)
    m_ref[...] = jnp.where(eid < _E, m2, 0.0)


def _edge_mlp(pre0, ea, w0c, b0, w1p, b1p, base):
    blk = 4096
    n = pre0.shape[0]
    full = lambda s: pl.BlockSpec(s, lambda i: tuple(0 for _ in s))
    return pl.pallas_call(
        functools.partial(_edge_body, base),
        grid=(n // blk,),
        in_specs=[
            pl.BlockSpec((blk, 128), lambda i: (i, 0)),
            pl.BlockSpec((blk, 16), lambda i: (i, 0)),
            full((16, 128)), full((1, 128)),
            full((128, 128)), full((1, 128)),
        ],
        out_specs=pl.BlockSpec((blk, 128), lambda i: (i, 0)),
        out_shape=jax.ShapeDtypeStruct((n, 128), _f32),
    )(pre0, ea, w0c, b0, w1p, b1p)


def _make_scatter(rw):

    @functools.partial(
        pl.kernel,
        out_type=jax.ShapeDtypeStruct((_NC, _NPAD, 128), _f32),
        mesh=_mesh,
        scratch_types=[
            pltpu.VMEM((rw, _LN), jnp.int32),
            pltpu.VMEM((2, _LN, 128), _f32),
            pltpu.VMEM_SHARED((_NPAD, 128), _f32),
            pltpu.SemaphoreType.DMA, pltpu.SemaphoreType.DMA,
        ],
    )
    def sk(m_hbm, dst_hbm, z_hbm, s_hbm, idx_d, m_v, acc_sh, r0s, r1s):
        cid = lax.axis_index("c")
        sid = lax.axis_index("s")
        wid = sid * _NC + cid
        r0 = wid * rw
        rsem = (r0s, r1s)

        pltpu.sync_copy(z_hbm.at[pl.ds(sid * _SP, _SP)],
                        acc_sh.at[pl.ds(sid * _SP, _SP)])
        pltpu.sync_copy(dst_hbm.at[pl.ds(r0, rw)], idx_d)
        plsc.subcore_barrier()

        def fire_r(t, b):
            pltpu.async_copy(m_hbm.at[pl.ds((r0 + t) * _LN, _LN)], m_v.at[b],
                             rsem[b])

        def wait_r(b):
            pltpu.make_async_copy(m_hbm.at[pl.ds(0, _LN)], m_v.at[b],
                                  rsem[b]).wait()

        fire_r(0, 0)

        @pl.loop(0, rw, step=2)
        def _(t):
            fire_r(t + 1, 1)
            wait_r(0)
            pltpu.sync_copy(m_v.at[0], acc_sh.at[idx_d.at[t]], add=True)

            @pl.when(t + 2 < rw)
            def _():
                fire_r(t + 2, 0)
            wait_r(1)
            pltpu.sync_copy(m_v.at[1], acc_sh.at[idx_d.at[t + 1]], add=True)

        plsc.subcore_barrier()
        pltpu.sync_copy(acc_sh.at[pl.ds(sid * _SP, _SP)],
                        s_hbm.at[cid, pl.ds(sid * _SP, _SP)])

    return sk


_scatter_half = _make_scatter(_ROWS_W // 2)


def _fin_body(h_ref, s_ref, s2_ref, gw0a, gw0b, gb0, gw1, gb1,
              dw0, db0, dw1, db1, dw2, db2, y_ref):
    s = s_ref[0] + s_ref[1] + s2_ref[0] + s2_ref[1]
    aggr = s[:, :_DL] / jnp.maximum(s[:, _DL:_DL + 1], 1.0)
    g = _elu(jnp.dot(h_ref[...], gw0a[...], preferred_element_type=_f32)
             + jnp.dot(aggr, gw0b[...], preferred_element_type=_f32)
             + gb0[...])
    g = _elu(jnp.dot(g, gw1[...], preferred_element_type=_f32) + gb1[...])
    d = _elu(jnp.dot(g, dw0[...], preferred_element_type=_f32) + db0[...])
    d = _elu(jnp.dot(d, dw1[...], preferred_element_type=_f32) + db1[...])
    y_ref[...] = jnp.dot(d, dw2[...], preferred_element_type=_f32) + db2[...]


def _final(h, s_p, s_p2, gw0a, gw0b, gb0, gw1, gb1,
           dw0, db0, dw1, db1, dw2, db2):
    blk = 1000
    full = lambda s: pl.BlockSpec(s, lambda i: tuple(0 for _ in s))
    return pl.pallas_call(
        _fin_body,
        grid=(_N // blk,),
        in_specs=[
            pl.BlockSpec((blk, _DL), lambda i: (i, 0)),
            pl.BlockSpec((_NC, blk, 128), lambda i: (0, i, 0)),
            pl.BlockSpec((_NC, blk, 128), lambda i: (0, i, 0)),
            full((_DL, 128)), full((_DL, 128)), full((1, 128)),
            full((128, _DL)), full((1, _DL)),
            full((_DL, 128)), full((1, 128)),
            full((128, 128)), full((1, 128)),
            full((128, 3)), full((1, 3)),
        ],
        out_specs=pl.BlockSpec((blk, 3), lambda i: (i, 0)),
        out_shape=jax.ShapeDtypeStruct((_N, 3), _f32),
    )(h, s_p, s_p2, gw0a, gw0b, gb0, gw1, gb1,
      dw0, db0, dw1, db1, dw2, db2)


def kernel(x, edge_index, edge_attr,
           enc_W0, enc_b0, enc_W1, enc_b1, enc_W2, enc_b2,
           phi_W0, phi_b0, phi_W1, phi_b1,
           gam_W0, gam_b0, gam_W1, gam_b1,
           dec_W0, dec_b0, dec_W1, dec_b1, dec_W2, dec_b2):
    ipad = _IDXROWS * _LN - _E
    src = jnp.concatenate([edge_index[0], jnp.zeros((ipad,), jnp.int32)])
    dst = jnp.concatenate([edge_index[1], jnp.zeros((ipad,), jnp.int32)])
    src2 = src.reshape(_IDXROWS, _LN)
    dst2 = dst.reshape(_IDXROWS, _LN)
    ea2 = jnp.concatenate([edge_attr, jnp.zeros((_E2 - _E, 16), _f32)],
                          axis=0)

    h, A, B = _encoder(x, enc_W0, enc_b0.reshape(1, -1),
                       enc_W1, enc_b1.reshape(1, -1),
                       enc_W2, enc_b2.reshape(1, -1),
                       phi_W0[:_DL], phi_W0[_DL:2 * _DL])

    w1p = jnp.concatenate([phi_W1, jnp.zeros((128, 128 - _DL), _f32)], axis=1)
    b1p = jnp.concatenate(
        [phi_b1, jnp.ones((1,), _f32), jnp.zeros((128 - _DL - 1,), _f32)])
    w0c = phi_W0[2 * _DL:]
    b0r = phi_b0.reshape(1, -1)
    b1r = b1p.reshape(1, -1)
    z = jnp.zeros((_NPAD, 128), _f32)

    eh = _E2 // 2
    rh = _IDXROWS // 2
    pre_b = _gather_half(A, B, src2[rh:], dst2[rh:])
    pre_a = _gather_half(A, B, src2[:rh], dst2[:rh])
    m_b = _edge_mlp(pre_b, ea2[eh:], w0c, b0r, w1p, b1r, eh)
    s_pb = _scatter_half(m_b, dst2[rh:], z)
    m_a = _edge_mlp(pre_a, ea2[:eh], w0c, b0r, w1p, b1r, 0)
    s_pa = _scatter_half(m_a, dst2[:rh], z)

    return _final(h, s_pa, s_pb,
                  gam_W0[:_DL], gam_W0[_DL:], gam_b0.reshape(1, -1),
                  gam_W1, gam_b1.reshape(1, -1),
                  dec_W0, dec_b0.reshape(1, -1),
                  dec_W1, dec_b1.reshape(1, -1),
                  dec_W2, dec_b2.reshape(1, -1))

# --- scband reference (transcript-rebuilt; emitter-appended) ---
"""Pipeline reference for scband-gns-6854767805035 (READ-ONLY COPY).

The authoritative reference and input builder live on the scoring server;
editing this copy changes nothing except your own understanding.
"""

import jax, jax.numpy as jnp
import numpy as np

N = 10000
E = 320000
D_IN = 128
D_LAT = 64
D_HID = 128
D_EDGE = 16
D_OUT = 3


def _lin(key, fan_in, fan_out):
    k1, k2 = jax.random.split(key)
    W = jax.random.normal(k1, (fan_in, fan_out), dtype=jnp.float32) / np.sqrt(fan_in)
    b = jax.random.normal(k2, (fan_out,), dtype=jnp.float32) * 0.01
    return W, b


def setup_inputs(seed: int = 0):
    key = jax.random.key(seed)
    ks = jax.random.split(key, 13)
    inp = {}
    inp['x'] = jax.random.normal(ks[0], (N, D_IN), dtype=jnp.float32)
    inp['edge_index'] = jax.random.randint(ks[1], (2, E), 0, N, dtype=jnp.int32)
    inp['edge_attr'] = jax.random.normal(ks[2], (E, D_EDGE), dtype=jnp.float32)
    inp['enc_W0'], inp['enc_b0'] = _lin(ks[3], D_IN, D_HID)
    inp['enc_W1'], inp['enc_b1'] = _lin(ks[4], D_HID, D_HID)
    inp['enc_W2'], inp['enc_b2'] = _lin(ks[5], D_HID, D_LAT)
    inp['phi_W0'], inp['phi_b0'] = _lin(ks[6], 2 * D_LAT + D_EDGE, D_HID)
    inp['phi_W1'], inp['phi_b1'] = _lin(ks[7], D_HID, D_LAT)
    inp['gam_W0'], inp['gam_b0'] = _lin(ks[8], 2 * D_LAT, D_HID)
    inp['gam_W1'], inp['gam_b1'] = _lin(ks[9], D_HID, D_LAT)
    inp['dec_W0'], inp['dec_b0'] = _lin(ks[10], D_LAT, D_HID)
    inp['dec_W1'], inp['dec_b1'] = _lin(ks[11], D_HID, D_HID)
    inp['dec_W2'], inp['dec_b2'] = _lin(ks[12], D_HID, D_OUT)
    return inp


def reference(x, edge_index, edge_attr, enc_W0, enc_b0, enc_W1, enc_b1, enc_W2, enc_b2, phi_W0, phi_b0, phi_W1, phi_b1, gam_W0, gam_b0, gam_W1, gam_b1, dec_W0, dec_b0, dec_W1, dec_b1, dec_W2, dec_b2):
    elu = jax.nn.elu
    # Encoder MLP (2 hidden layers, ELU, dropout p=0 is a no-op)
    h = elu(x @ enc_W0 + enc_b0)
    h = elu(h @ enc_W1 + enc_b1)
    h = h @ enc_W2 + enc_b2
    h = elu(h)
    # MessagePassingLayer with aggr='mean' (PyG flow source_to_target)
    src = edge_index[0]
    dst = edge_index[1]
    x_i = h[dst]
    x_j = h[src]
    m_in = jnp.concatenate([x_i, x_j, edge_attr], axis=1)
    m = elu(m_in @ phi_W0 + phi_b0) @ phi_W1 + phi_b1
    s = jax.ops.segment_sum(m, dst, num_segments=N)
    cnt = jax.ops.segment_sum(jnp.ones((E, 1), dtype=m.dtype), dst, num_segments=N)
    aggr = s / jnp.clip(cnt, 1.0, None)
    # update: gamma(cat([x, aggr_out]))
    u_in = jnp.concatenate([h, aggr], axis=1)
    h = elu(u_in @ gam_W0 + gam_b0) @ gam_W1 + gam_b1
    h = elu(h)
    # Decoder MLP
    y = elu(h @ dec_W0 + dec_b0)
    y = elu(y @ dec_W1 + dec_b1)
    y = y @ dec_W2 + dec_b2
    return y

if __name__ == "__main__":
    import jax
    _d = setup_inputs()
    print(jax.jit(kernel)(*tuple(_d.values())))

</pallas_src>

<mosaic_0001>
#map = affine_map<(d0, d1) -> (0, 0)>
#map1 = affine_map<(d0, d1) -> (0, 0, 0)>
module attributes {stable_mosaic.version = 14 : i64} {
  func.func @sk(%arg0: i32, %arg1: i32, %arg2: memref<163840x128xf32, #tpu.memory_space<hbm>>, %arg3: memref<1280x128xi32, #tpu.memory_space<hbm>>, %arg4: memref<10240x128xf32, #tpu.memory_space<hbm>>, %arg5: memref<2x10240x128xf32, #tpu.memory_space<hbm>>, %arg6: memref<40x128xi32, #tpu.memory_space<vmem>>, %arg7: memref<2x128x128xf32, #tpu.memory_space<vmem>>, %arg8: memref<10240x128xf32, #tpu.memory_space<vmem_shared>>, %arg9: memref<!tpu.dma_semaphore, #tpu.memory_space<semaphore_mem>>, %arg10: memref<!tpu.dma_semaphore, #tpu.memory_space<semaphore_mem>>) attributes {dimension_semantics = [#tpu.dimension_semantics<core_parallel>, #tpu.dimension_semantics<subcore_parallel>], iteration_bounds = array<i64: 2, 16>, scalar_prefetch = 0 : i64, scratch_operands = 5 : i64, tpu.core_type = #tpu.core_type<sc_vector_subcore>, window_params = [{transform_indices = #map}, {transform_indices = #map}, {transform_indices = #map}, {transform_indices = #map1}]} {
    %mul3A = arith.constant 2 : i32
    %mul3A_0 = arith.muli %arg1, %mul3A : i32
    %add3A = arith.addi %mul3A_0, %arg0 : i32
    %mul3A_1 = arith.constant 40 : i32
    %mul3A_2 = arith.muli %add3A, %mul3A_1 : i32
    %mul3A_3 = arith.constant 640 : i32
    %mul3A_4 = arith.muli %arg1, %mul3A_3 : i32
    %mul3A_5 = arith.constant 640 : i32
    %mul3A_6 = arith.muli %arg1, %mul3A_5 : i32
    "tpu.region"() ({
      %run_scoped3A = tpu.sem_alloc : memref<!tpu.dma_semaphore, #tpu.memory_space<semaphore_mem>>
      %dma_start3A_32 = arith.constant 0 : i32
      %dma_start3A_33 = tpu.memref_slice %arg8[%mul3A_6, %dma_start3A_32] : memref<10240x128xf32, #tpu.memory_space<vmem_shared>> -> memref<640x128xf32, #tpu.memory_space<vmem_shared>>
      %dma_start3A_34 = arith.constant 0 : i32
      %dma_start3A_35 = tpu.memref_slice %arg4[%mul3A_4, %dma_start3A_34] : memref<10240x128xf32, #tpu.memory_space<hbm>> -> memref<640x128xf32, #tpu.memory_space<hbm>>
      tpu.enqueue_dma source(%dma_start3A_35 : memref<640x128xf32, #tpu.memory_space<hbm>>) target(%dma_start3A_33 : memref<640x128xf32, #tpu.memory_space<vmem_shared>>) target_semaphore(%run_scoped3A : memref<!tpu.dma_semaphore, #tpu.memory_space<semaphore_mem>>)
      %dma_wait3A = arith.constant 0 : i32
      %dma_wait3A_36 = tpu.memref_slice %arg8[%mul3A_6, %dma_wait3A] : memref<10240x128xf32, #tpu.memory_space<vmem_shared>> -> memref<640x128xf32, #tpu.memory_space<vmem_shared>>
      %dma_wait3A_37 = arith.constant 0 : i32
      %dma_wait3A_38 = tpu.memref_slice %arg4[%mul3A_4, %dma_wait3A_37] : memref<10240x128xf32, #tpu.memory_space<hbm>> -> memref<640x128xf32, #tpu.memory_space<hbm>>
      tpu.wait_dma2 semaphore(%run_scoped3A : memref<!tpu.dma_semaphore, #tpu.memory_space<semaphore_mem>>) src(%dma_wait3A_38 : memref<640x128xf32, #tpu.memory_space<hbm>>) dst(%dma_wait3A_36 : memref<640x128xf32, #tpu.memory_space<vmem_shared>>)
      tpu.yield
    }) : () -> ()
    "tpu.region"() ({
      %run_scoped3A = tpu.sem_alloc : memref<!tpu.dma_semaphore, #tpu.memory_space<semaphore_mem>>
      %dma_start3A_32 = arith.constant 0 : i32
      %dma_start3A_33 = tpu.memref_slice %arg3[%mul3A_2, %dma_start3A_32] : memref<1280x128xi32, #tpu.memory_space<hbm>> -> memref<40x128xi32, #tpu.memory_space<hbm>>
      %dma_start3A_34 = arith.constant 0 : i32
      %dma_start3A_35 = tpu.memref_slice %arg3[%mul3A_2, %dma_start3A_34] : memref<1280x128xi32, #tpu.memory_space<hbm>> -> memref<40x128xi32, #tpu.memory_space<hbm>>
      tpu.enqueue_dma source(%dma_start3A_35 : memref<40x128xi32, #tpu.memory_space<hbm>>) target(%arg6 : memref<40x128xi32, #tpu.memory_space<vmem>>) target_semaphore(%run_scoped3A : memref<!tpu.dma_semaphore, #tpu.memory_space<semaphore_mem>>)
      %dma_wait3A = arith.constant 0 : i32
      %dma_wait3A_36 = tpu.memref_slice %arg3[%mul3A_2, %dma_wait3A] : memref<1280x128xi32, #tpu.memory_space<hbm>> -> memref<40x128xi32, #tpu.memory_space<hbm>>
      %dma_wait3A_37 = arith.constant 0 : i32
      %dma_wait3A_38 = tpu.memref_slice %arg3[%mul3A_2, %dma_wait3A_37] : memref<1280x128xi32, #tpu.memory_space<hbm>> -> memref<40x128xi32, #tpu.memory_space<hbm>>
      tpu.wait_dma2 semaphore(%run_scoped3A : memref<!tpu.dma_semaphore, #tpu.memory_space<semaphore_mem>>) src(%dma_wait3A_38 : memref<40x128xi32, #tpu.memory_space<hbm>>) dst(%arg6 : memref<40x128xi32, #tpu.memory_space<vmem>>)
      tpu.yield
    }) : () -> ()
    %barrier3A = arith.constant 0 : index
    tpu.barrier barrier_id(%barrier3A)
    %add3A_7 = arith.constant 0 : i32
    %add3A_8 = arith.addi %mul3A_2, %add3A_7 : i32
    %mul3A_9 = arith.constant 128 : i32
    %mul3A_10 = arith.muli %add3A_8, %mul3A_9 : i32
    %dma_start3A = arith.constant 0 : i32
    %dma_start3A_11 = arith.constant 0 : i32
    %dma_start3A_12 = arith.constant 0 : i32
    %dma_start3A_13 = tpu.memref_slice %arg7[%dma_start3A, %dma_start3A_11, %dma_start3A_12] : memref<2x128x128xf32, #tpu.memory_space<vmem>> -> memref<1x128x128xf32, #tpu.memory_space<vmem>>
    %dma_start3A_14 = tpu.memref_squeeze %dma_start3A_13 : memref<1x128x128xf32, #tpu.memory_space<vmem>> -> memref<128x128xf32, #tpu.memory_space<vmem>>
    %dma_start3A_15 = arith.constant 0 : i32
    %dma_start3A_16 = tpu.memref_slice %arg2[%mul3A_10, %dma_start3A_15] : memref<163840x128xf32, #tpu.memory_space<hbm>> -> memref<128x128xf32, #tpu.memory_space<hbm>>
    %dma_start3A_17 = arith.constant 0 : i32
    %dma_start3A_18 = arith.constant 0 : i32
    %dma_start3A_19 = tpu.memref_slice %arg7[%dma_start3A, %dma_start3A_17, %dma_start3A_18] : memref<2x128x128xf32, #tpu.memory_space<vmem>> -> memref<1x128x128xf32, #tpu.memory_space<vmem>>
    %dma_start3A_20 = tpu.memref_squeeze %dma_start3A_19 : memref<1x128x128xf32, #tpu.memory_space<vmem>> -> memref<128x128xf32, #tpu.memory_space<vmem>>
    %dma_start3A_21 = arith.constant 0 : i32
    %dma_start3A_22 = tpu.memref_slice %arg2[%mul3A_10, %dma_start3A_21] : memref<163840x128xf32, #tpu.memory_space<hbm>> -> memref<128x128xf32, #tpu.memory_space<hbm>>
    tpu.enqueue_dma source(%dma_start3A_22 : memref<128x128xf32, #tpu.memory_space<hbm>>) target(%dma_start3A_20 : memref<128x128xf32, #tpu.memory_space<vmem>>) target_semaphore(%arg9 : memref<!tpu.dma_semaphore, #tpu.memory_space<semaphore_mem>>)
    %scan3A = arith.constant 0 : i32
    %scan3A_23 = arith.constant 20 : i32
    %scan3A_24 = arith.addi %scan3A, %scan3A_23 : i32
    %scan3A_25 = arith.constant 1 : i32
    scf.for %scan3A_32 = %scan3A to %scan3A_24 step %scan3A_25  : i32 {
      %mul3A_33 = arith.constant 2 : i32
      %mul3A_34 = arith.muli %scan3A_32, %mul3A_33 : i32
      %add3A_35 = arith.constant 0 : i32
      %add3A_36 = arith.addi %add3A_35, %mul3A_34 : i32
      %add3A_37 = arith.constant 1 : i32
      %add3A_38 = arith.addi %add3A_36, %add3A_37 : i32
      %add3A_39 = arith.addi %mul3A_2, %add3A_38 : i32
      %mul3A_40 = arith.constant 128 : i32
      %mul3A_41 = arith.muli %add3A_39, %mul3A_40 : i32
      %dma_start3A_42 = arith.constant 1 : i32
      %dma_start3A_43 = arith.constant 0 : i32
      %dma_start3A_44 = arith.constant 0 : i32
      %dma_start3A_45 = tpu.memref_slice %arg7[%dma_start3A_42, %dma_start3A_43, %dma_start3A_44] : memref<2x128x128xf32, #tpu.memory_space<vmem>> -> memref<1x128x128xf32, #tpu.memory_space<vmem>>
      %dma_start3A_46 = tpu.memref_squeeze %dma_start3A_45 : memref<1x128x128xf32, #tpu.memory_space<vmem>> -> memref<128x128xf32, #tpu.memory_space<vmem>>
      %dma_start3A_47 = arith.constant 0 : i32
      %dma_start3A_48 = tpu.memref_slice %arg2[%mul3A_41, %dma_start3A_47] : memref<163840x128xf32, #tpu.memory_space<hbm>> -> memref<128x128xf32, #tpu.memory_space<hbm>>
      %dma_start3A_49 = arith.constant 0 : i32
      %dma_start3A_50 = arith.constant 0 : i32
      %dma_start3A_51 = tpu.memref_slice %arg7[%dma_start3A_42, %dma_start3A_49, %dma_start3A_50] : memref<2x128x128xf32, #tpu.memory_space<vmem>> -> memref<1x128x128xf32, #tpu.memory_space<vmem>>
      %dma_start3A_52 = tpu.memref_squeeze %dma_start3A_51 : memref<1x128x128xf32, #tpu.memory_space<vmem>> -> memref<128x128xf32, #tpu.memory_space<vmem>>
      %dma_start3A_53 = arith.constant 0 : i32
      %dma_start3A_54 = tpu.memref_slice %arg2[%mul3A_41, %dma_start3A_53] : memref<163840x128xf32, #tpu.memory_space<hbm>> -> memref<128x128xf32, #tpu.memory_space<hbm>>
      tpu.enqueue_dma source(%dma_start3A_54 : memref<128x128xf32, #tpu.memory_space<hbm>>) target(%dma_start3A_52 : memref<128x128xf32, #tpu.memory_space<vmem>>) target_semaphore(%arg10 : memref<!tpu.dma_semaphore, #tpu.memory_space<semaphore_mem>>)
      %dma_wait3A = arith.constant 0 : i32
      %dma_wait3A_55 = arith.constant 0 : i32
      %dma_wait3A_56 = arith.constant 0 : i32
      %dma_wait3A_57 = tpu.memref_slice %arg7[%dma_wait3A, %dma_wait3A_55, %dma_wait3A_56] : memref<2x128x128xf32, #tpu.memory_space<vmem>> -> memref<1x128x128xf32, #tpu.memory_space<vmem>>
      %dma_wait3A_58 = tpu.memref_squeeze %dma_wait3A_57 : memref<1x128x128xf32, #tpu.memory_space<vmem>> -> memref<128x128xf32, #tpu.memory_space<vmem>>
      %dma_wait3A_59 = arith.constant 0 : i32
      %dma_wait3A_60 = arith.constant 0 : i32
      %dma_wait3A_61 = tpu.memref_slice %arg2[%dma_wait3A_59, %dma_wait3A_60] : memref<163840x128xf32, #tpu.memory_space<hbm>> -> memref<128x128xf32, #tpu.memory_space<hbm>>
      %dma_wait3A_62 = arith.constant 0 : i32
      %dma_wait3A_63 = arith.constant 0 : i32
      %dma_wait3A_64 = tpu.memref_slice %arg7[%dma_wait3A, %dma_wait3A_62, %dma_wait3A_63] : memref<2x128x128xf32, #tpu.memory_space<vmem>> -> memref<1x128x128xf32, #tpu.memory_space<vmem>>
      %dma_wait3A_65 = tpu.memref_squeeze %dma_wait3A_64 : memref<1x128x128xf32, #tpu.memory_space<vmem>> -> memref<128x128xf32, #tpu.memory_space<vmem>>
      %dma_wait3A_66 = arith.constant 0 : i32
      %dma_wait3A_67 = arith.constant 0 : i32
      %dma_wait3A_68 = tpu.memref_slice %arg2[%dma_wait3A_66, %dma_wait3A_67] : memref<163840x128xf32, #tpu.memory_space<hbm>> -> memref<128x128xf32, #tpu.memory_space<hbm>>
      tpu.wait_dma2 semaphore(%arg9 : memref<!tpu.dma_semaphore, #tpu.memory_space<semaphore_mem>>) src(%dma_wait3A_68 : memref<128x128xf32, #tpu.memory_space<hbm>>) dst(%dma_wait3A_65 : memref<128x128xf32, #tpu.memory_space<vmem>>)
      %run_scoped3A = arith.constant 0 : i32
      "tpu.region"() ({
        %run_scoped3A_91 = tpu.sem_alloc : memref<!tpu.dma_semaphore, #tpu.memory_space<semaphore_mem>>
        %dma_start3A_92 = arith.constant 0 : i32
        %dma_start3A_93 = arith.constant 0 : i32
        %dma_start3A_94 = tpu.memref_slice %arg7[%run_scoped3A, %dma_start3A_92, %dma_start3A_93] : memref<2x128x128xf32, #tpu.memory_space<vmem>> -> memref<1x128x128xf32, #tpu.memory_space<vmem>>
        %dma_start3A_95 = tpu.memref_squeeze %dma_start3A_94 : memref<1x128x128xf32, #tpu.memory_space<vmem>> -> memref<128x128xf32, #tpu.memory_space<vmem>>
        %dma_start3A_96 = arith.constant 0 : i32
        %dma_start3A_97 = tpu.memref_slice %arg6[%add3A_36, %dma_start3A_96] : memref<40x128xi32, #tpu.memory_space<vmem>> -> memref<1x128xi32, #tpu.memory_space<vmem>>
        %dma_start3A_98 = tpu.memref_squeeze %dma_start3A_97 : memref<1x128xi32, #tpu.memory_space<vmem>> -> memref<128xi32, #tpu.memory_space<vmem>>
        %dma_start3A_99 = arith.constant 0 : i32
        %dma_start3A_100 = arith.constant 0 : i32
        %dma_start3A_101 = tpu.memref_slice %arg8[%dma_start3A_99, %dma_start3A_100] : memref<10240x128xf32, #tpu.memory_space<vmem_shared>> -> memref<10240x128xf32, #tpu.memory_space<vmem_shared>>
        tpu.enqueue_indirect_dma source(%dma_start3A_95 : memref<128x128xf32, #tpu.memory_space<vmem>>) target(%dma_start3A_101 : memref<10240x128xf32, #tpu.memory_space<vmem_shared>>) offsets(%dma_start3A_98 : memref<128xi32, #tpu.memory_space<vmem>>) semaphore(%run_scoped3A_91 : memref<!tpu.dma_semaphore, #tpu.memory_space<semaphore_mem>>) {add = true}
        %dma_wait3A_102 = arith.constant 0 : i32
        %dma_wait3A_103 = arith.constant 0 : i32
        %dma_wait3A_104 = tpu.memref_slice %arg7[%run_scoped3A, %dma_wait3A_102, %dma_wait3A_103] : memref<2x128x128xf32, #tpu.memory_space<vmem>> -> memref<1x128x128xf32, #tpu.memory_space<vmem>>
        %dma_wait3A_105 = tpu.memref_squeeze %dma_wait3A_104 : memref<1x128x128xf32, #tpu.memory_space<vmem>> -> memref<128x128xf32, #tpu.memory_space<vmem>>
        %dma_wait3A_106 = arith.constant 0 : i32
        %dma_wait3A_107 = tpu.memref_slice %arg6[%add3A_36, %dma_wait3A_106] : memref<40x128xi32, #tpu.memory_space<vmem>> -> memref<1x128xi32, #tpu.memory_space<vmem>>
        %dma_wait3A_108 = tpu.memref_squeeze %dma_wait3A_107 : memref<1x128xi32, #tpu.memory_space<vmem>> -> memref<128xi32, #tpu.memory_space<vmem>>
        %dma_wait3A_109 = arith.constant 0 : i32
        %dma_wait3A_110 = arith.constant 0 : i32
        %dma_wait3A_111 = tpu.memref_slice %arg8[%dma_wait3A_109, %dma_wait3A_110] : memref<10240x128xf32, #tpu.memory_space<vmem_shared>> -> memref<10240x128xf32, #tpu.memory_space<vmem_shared>>
        tpu.wait_indirect_dma semaphore(%run_scoped3A_91 : memref<!tpu.dma_semaphore, #tpu.memory_space<semaphore_mem>>) src(%dma_wait3A_105 : memref<128x128xf32, #tpu.memory_space<vmem>>) dst(%dma_wait3A_111 : memref<10240x128xf32, #tpu.memory_space<vmem_shared>>)
        tpu.yield
      }) : () -> ()
      %add3A_69 = arith.constant 2 : i32
      %add3A_70 = arith.addi %add3A_36, %add3A_69 : i32
      %lt3A = arith.constant 40 : i32
      %lt3A_71 = arith.cmpi slt, %add3A_70, %lt3A : i32
      %convert_element_type3A = arith.extui %lt3A_71 : i1 to i32
      %cond3A = arith.constant 0 : i32
      %cond3A_72 = arith.cmpi ne, %convert_element_type3A, %cond3A : i32
      scf.if %cond3A_72 {
        %add3A_91 = arith.constant 2 : i32
        %add3A_92 = arith.addi %add3A_36, %add3A_91 : i32
        %add3A_93 = arith.addi %mul3A_2, %add3A_92 : i32
        %mul3A_94 = arith.constant 128 : i32
        %mul3A_95 = arith.muli %add3A_93, %mul3A_94 : i32
        %dma_start3A_96 = arith.constant 0 : i32
        %dma_start3A_97 = arith.constant 0 : i32
        %dma_start3A_98 = arith.constant 0 : i32
        %dma_start3A_99 = tpu.memref_slice %arg7[%dma_start3A_96, %dma_start3A_97, %dma_start3A_98] : memref<2x128x128xf32, #tpu.memory_space<vmem>> -> memref<1x128x128xf32, #tpu.memory_space<vmem>>
        %dma_start3A_100 = tpu.memref_squeeze %dma_start3A_99 : memref<1x128x128xf32, #tpu.memory_space<vmem>> -> memref<128x128xf32, #tpu.memory_space<vmem>>
        %dma_start3A_101 = arith.constant 0 : i32
        %dma_start3A_102 = tpu.memref_slice %arg2[%mul3A_95, %dma_start3A_101] : memref<163840x128xf32, #tpu.memory_space<hbm>> -> memref<128x128xf32, #tpu.memory_space<hbm>>
        %dma_start3A_103 = arith.constant 0 : i32
        %dma_start3A_104 = arith.constant 0 : i32
        %dma_start3A_105 = tpu.memref_slice %arg7[%dma_start3A_96, %dma_start3A_103, %dma_start3A_104] : memref<2x128x128xf32, #tpu.memory_space<vmem>> -> memref<1x128x128xf32, #tpu.memory_space<vmem>>
        %dma_start3A_106 = tpu.memref_squeeze %dma_start3A_105 : memref<1x128x128xf32, #tpu.memory_space<vmem>> -> memref<128x128xf32, #tpu.memory_space<vmem>>
        %dma_start3A_107 = arith.constant 0 : i32
        %dma_start3A_108 = tpu.memref_slice %arg2[%mul3A_95, %dma_start3A_107] : memref<163840x128xf32, #tpu.memory_space<hbm>> -> memref<128x128xf32, #tpu.memory_space<hbm>>
        tpu.enqueue_dma source(%dma_start3A_108 : memref<128x128xf32, #tpu.memory_space<hbm>>) target(%dma_start3A_106 : memref<128x128xf32, #tpu.memory_space<vmem>>) target_semaphore(%arg9 : memref<!tpu.dma_semaphore, #tpu.memory_space<semaphore_mem>>)
      } else {
      }
      %dma_wait3A_73 = arith.constant 1 : i32
      %dma_wait3A_74 = arith.constant 0 : i32
      %dma_wait3A_75 = arith.constant 0 : i32
      %dma_wait3A_76 = tpu.memref_slice %arg7[%dma_wait3A_73, %dma_wait3A_74, %dma_wait3A_75] : memref<2x128x128xf32, #tpu.memory_space<vmem>> -> memref<1x128x128xf32, #tpu.memory_space<vmem>>
      %dma_wait3A_77 = tpu.memref_squeeze %dma_wait3A_76 : memref<1x128x128xf32, #tpu.memory_space<vmem>> -> memref<128x128xf32, #tpu.memory_space<vmem>>
      %dma_wait3A_78 = arith.constant 0 : i32
      %dma_wait3A_79 = arith.constant 0 : i32
      %dma_wait3A_80 = tpu.memref_slice %arg2[%dma_wait3A_78, %dma_wait3A_79] : memref<163840x128xf32, #tpu.memory_space<hbm>> -> memref<128x128xf32, #tpu.memory_space<hbm>>
      %dma_wait3A_81 = arith.constant 0 : i32
      %dma_wait3A_82 = arith.constant 0 : i32
      %dma_wait3A_83 = tpu.memref_slice %arg7[%dma_wait3A_73, %dma_wait3A_81, %dma_wait3A_82] : memref<2x128x128xf32, #tpu.memory_space<vmem>> -> memref<1x128x128xf32, #tpu.memory_space<vmem>>
      %dma_wait3A_84 = tpu.memref_squeeze %dma_wait3A_83 : memref<1x128x128xf32, #tpu.memory_space<vmem>> -> memref<128x128xf32, #tpu.memory_space<vmem>>
      %dma_wait3A_85 = arith.constant 0 : i32
      %dma_wait3A_86 = arith.constant 0 : i32
      %dma_wait3A_87 = tpu.memref_slice %arg2[%dma_wait3A_85, %dma_wait3A_86] : memref<163840x128xf32, #tpu.memory_space<hbm>> -> memref<128x128xf32, #tpu.memory_space<hbm>>
      tpu.wait_dma2 semaphore(%arg10 : memref<!tpu.dma_semaphore, #tpu.memory_space<semaphore_mem>>) src(%dma_wait3A_87 : memref<128x128xf32, #tpu.memory_space<hbm>>) dst(%dma_wait3A_84 : memref<128x128xf32, #tpu.memory_space<vmem>>)
      %add3A_88 = arith.constant 1 : i32
      %add3A_89 = arith.addi %add3A_36, %add3A_88 : i32
      %run_scoped3A_90 = arith.constant 1 : i32
      "tpu.region"() ({
        %run_scoped3A_91 = tpu.sem_alloc : memref<!tpu.dma_semaphore, #tpu.memory_space<semaphore_mem>>
        %dma_start3A_92 = arith.constant 0 : i32
        %dma_start3A_93 = arith.constant 0 : i32
        %dma_start3A_94 = tpu.memref_slice %arg7[%run_scoped3A_90, %dma_start3A_92, %dma_start3A_93] : memref<2x128x128xf32, #tpu.memory_space<vmem>> -> memref<1x128x128xf32, #tpu.memory_space<vmem>>
        %dma_start3A_95 = tpu.memref_squeeze %dma_start3A_94 : memref<1x128x128xf32, #tpu.memory_space<vmem>> -> memref<128x128xf32, #tpu.memory_space<vmem>>
        %dma_start3A_96 = arith.constant 0 : i32
        %dma_start3A_97 = tpu.memref_slice %arg6[%add3A_89, %dma_start3A_96] : memref<40x128xi32, #tpu.memory_space<vmem>> -> memref<1x128xi32, #tpu.memory_space<vmem>>
        %dma_start3A_98 = tpu.memref_squeeze %dma_start3A_97 : memref<1x128xi32, #tpu.memory_space<vmem>> -> memref<128xi32, #tpu.memory_space<vmem>>
        %dma_start3A_99 = arith.constant 0 : i32
        %dma_start3A_100 = arith.constant 0 : i32
        %dma_start3A_101 = tpu.memref_slice %arg8[%dma_start3A_99, %dma_start3A_100] : memref<10240x128xf32, #tpu.memory_space<vmem_shared>> -> memref<10240x128xf32, #tpu.memory_space<vmem_shared>>
        tpu.enqueue_indirect_dma source(%dma_start3A_95 : memref<128x128xf32, #tpu.memory_space<vmem>>) target(%dma_start3A_101 : memref<10240x128xf32, #tpu.memory_space<vmem_shared>>) offsets(%dma_start3A_98 : memref<128xi32, #tpu.memory_space<vmem>>) semaphore(%run_scoped3A_91 : memref<!tpu.dma_semaphore, #tpu.memory_space<semaphore_mem>>) {add = true}
        %dma_wait3A_102 = arith.constant 0 : i32
        %dma_wait3A_103 = arith.constant 0 : i32
        %dma_wait3A_104 = tpu.memref_slice %arg7[%run_scoped3A_90, %dma_wait3A_102, %dma_wait3A_103] : memref<2x128x128xf32, #tpu.memory_space<vmem>> -> memref<1x128x128xf32, #tpu.memory_space<vmem>>
        %dma_wait3A_105 = tpu.memref_squeeze %dma_wait3A_104 : memref<1x128x128xf32, #tpu.memory_space<vmem>> -> memref<128x128xf32, #tpu.memory_space<vmem>>
        %dma_wait3A_106 = arith.constant 0 : i32
        %dma_wait3A_107 = tpu.memref_slice %arg6[%add3A_89, %dma_wait3A_106] : memref<40x128xi32, #tpu.memory_space<vmem>> -> memref<1x128xi32, #tpu.memory_space<vmem>>
        %dma_wait3A_108 = tpu.memref_squeeze %dma_wait3A_107 : memref<1x128xi32, #tpu.memory_space<vmem>> -> memref<128xi32, #tpu.memory_space<vmem>>
        %dma_wait3A_109 = arith.constant 0 : i32
        %dma_wait3A_110 = arith.constant 0 : i32
        %dma_wait3A_111 = tpu.memref_slice %arg8[%dma_wait3A_109, %dma_wait3A_110] : memref<10240x128xf32, #tpu.memory_space<vmem_shared>> -> memref<10240x128xf32, #tpu.memory_space<vmem_shared>>
        tpu.wait_indirect_dma semaphore(%run_scoped3A_91 : memref<!tpu.dma_semaphore, #tpu.memory_space<semaphore_mem>>) src(%dma_wait3A_105 : memref<128x128xf32, #tpu.memory_space<vmem>>) dst(%dma_wait3A_111 : memref<10240x128xf32, #tpu.memory_space<vmem_shared>>)
        tpu.yield
      }) : () -> ()
    }
    %scan3A_26 = arith.constant 20 : i32
    %barrier3A_27 = arith.constant 0 : index
    tpu.barrier barrier_id(%barrier3A_27)
    %mul3A_28 = arith.constant 640 : i32
    %mul3A_29 = arith.muli %arg1, %mul3A_28 : i32
    %mul3A_30 = arith.constant 640 : i32
    %mul3A_31 = arith.muli %arg1, %mul3A_30 : i32
    "tpu.region"() ({
      %run_scoped3A = tpu.sem_alloc : memref<!tpu.dma_semaphore, #tpu.memory_space<semaphore_mem>>
      %dma_start3A_32 = arith.constant 0 : i32
      %dma_start3A_33 = tpu.memref_slice %arg5[%arg0, %mul3A_31, %dma_start3A_32] : memref<2x10240x128xf32, #tpu.memory_space<hbm>> -> memref<1x640x128xf32, #tpu.memory_space<hbm>>
      %dma_start3A_34 = tpu.memref_squeeze %dma_start3A_33 : memref<1x640x128xf32, #tpu.memory_space<hbm>> -> memref<640x128xf32, #tpu.memory_space<hbm>>
      %dma_start3A_35 = arith.constant 0 : i32
      %dma_start3A_36 = tpu.memref_slice %arg8[%mul3A_29, %dma_start3A_35] : memref<10240x128xf32, #tpu.memory_space<vmem_shared>> -> memref<640x128xf32, #tpu.memory_space<vmem_shared>>
      tpu.enqueue_dma source(%dma_start3A_36 : memref<640x128xf32, #tpu.memory_space<vmem_shared>>) target(%dma_start3A_34 : memref<640x128xf32, #tpu.memory_space<hbm>>) target_semaphore(%run_scoped3A : memref<!tpu.dma_semaphore, #tpu.memory_space<semaphore_mem>>)
      %dma_wait3A = arith.constant 0 : i32
      %dma_wait3A_37 = tpu.memref_slice %arg5[%arg0, %mul3A_31, %dma_wait3A] : memref<2x10240x128xf32, #tpu.memory_space<hbm>> -> memref<1x640x128xf32, #tpu.memory_space<hbm>>
      %dma_wait3A_38 = tpu.memref_squeeze %dma_wait3A_37 : memref<1x640x128xf32, #tpu.memory_space<hbm>> -> memref<640x128xf32, #tpu.memory_space<hbm>>
      %dma_wait3A_39 = arith.constant 0 : i32
      %dma_wait3A_40 = tpu.memref_slice %arg8[%mul3A_29, %dma_wait3A_39] : memref<10240x128xf32, #tpu.memory_space<vmem_shared>> -> memref<640x128xf32, #tpu.memory_space<vmem_shared>>
      tpu.wait_dma2 semaphore(%run_scoped3A : memref<!tpu.dma_semaphore, #tpu.memory_space<semaphore_mem>>) src(%dma_wait3A_40 : memref<640x128xf32, #tpu.memory_space<vmem_shared>>) dst(%dma_wait3A_38 : memref<640x128xf32, #tpu.memory_space<hbm>>)
      tpu.yield
    }) : () -> ()
    return
  }
}

#map = affine_map<(d0, d1) -> (0, 0)>
module attributes {stable_mosaic.version = 14 : i64} {
  func.func @gk(%arg0: i32, %arg1: i32, %arg2: memref<10000x128xf32, #tpu.memory_space<hbm>>, %arg3: memref<10000x128xf32, #tpu.memory_space<hbm>>, %arg4: memref<1280x128xi32, #tpu.memory_space<hbm>>, %arg5: memref<1280x128xi32, #tpu.memory_space<hbm>>, %arg6: memref<163840x128xf32, #tpu.memory_space<hbm>>, %arg7: memref<40x128xi32, #tpu.memory_space<vmem>>, %arg8: memref<40x128xi32, #tpu.memory_space<vmem>>, %arg9: memref<4x128x128xf32, #tpu.memory_space<vmem>>, %arg10: memref<!tpu.dma_semaphore, #tpu.memory_space<semaphore_mem>>, %arg11: memref<!tpu.dma_semaphore, #tpu.memory_space<semaphore_mem>>, %arg12: memref<!tpu.dma_semaphore, #tpu.memory_space<semaphore_mem>>, %arg13: memref<!tpu.dma_semaphore, #tpu.memory_space<semaphore_mem>>, %arg14: memref<!tpu.dma_semaphore, #tpu.memory_space<semaphore_mem>>, %arg15: memref<!tpu.dma_semaphore, #tpu.memory_space<semaphore_mem>>, %arg16: memref<!tpu.dma_semaphore, #tpu.memory_space<semaphore_mem>>, %arg17: memref<!tpu.dma_semaphore, #tpu.memory_space<semaphore_mem>>) attributes {dimension_semantics = [#tpu.dimension_semantics<core_parallel>, #tpu.dimension_semantics<subcore_parallel>], iteration_bounds = array<i64: 2, 16>, scalar_prefetch = 0 : i64, scratch_operands = 11 : i64, tpu.core_type = #tpu.core_type<sc_vector_subcore>, window_params = [{transform_indices = #map}, {transform_indices = #map}, {transform_indices = #map}, {transform_indices = #map}, {transform_indices = #map}]} {
    %mul3A = arith.constant 16 : i32
    %mul3A_0 = arith.muli %arg0, %mul3A : i32
    %add3A = arith.addi %mul3A_0, %arg1 : i32
    %mul3A_1 = arith.constant 40 : i32
    %mul3A_2 = arith.muli %add3A, %mul3A_1 : i32
    "tpu.region"() ({
      %run_scoped3A = tpu.sem_alloc : memref<!tpu.dma_semaphore, #tpu.memory_space<semaphore_mem>>
      %dma_start3A_89 = arith.constant 0 : i32
      %dma_start3A_90 = tpu.memref_slice %arg4[%mul3A_2, %dma_start3A_89] : memref<1280x128xi32, #tpu.memory_space<hbm>> -> memref<40x128xi32, #tpu.memory_space<hbm>>
      %dma_start3A_91 = arith.constant 0 : i32
      %dma_start3A_92 = tpu.memref_slice %arg4[%mul3A_2, %dma_start3A_91] : memref<1280x128xi32, #tpu.memory_space<hbm>> -> memref<40x128xi32, #tpu.memory_space<hbm>>
      tpu.enqueue_dma source(%dma_start3A_92 : memref<40x128xi32, #tpu.memory_space<hbm>>) target(%arg7 : memref<40x128xi32, #tpu.memory_space<vmem>>) target_semaphore(%run_scoped3A : memref<!tpu.dma_semaphore, #tpu.memory_space<semaphore_mem>>)
      %dma_wait3A_93 = arith.constant 0 : i32
      %dma_wait3A_94 = tpu.memref_slice %arg4[%mul3A_2, %dma_wait3A_93] : memref<1280x128xi32, #tpu.memory_space<hbm>> -> memref<40x128xi32, #tpu.memory_space<hbm>>
      %dma_wait3A_95 = arith.constant 0 : i32
      %dma_wait3A_96 = tpu.memref_slice %arg4[%mul3A_2, %dma_wait3A_95] : memref<1280x128xi32, #tpu.memory_space<hbm>> -> memref<40x128xi32, #tpu.memory_space<hbm>>
      tpu.wait_dma2 semaphore(%run_scoped3A : memref<!tpu.dma_semaphore, #tpu.memory_space<semaphore_mem>>) src(%dma_wait3A_96 : memref<40x128xi32, #tpu.memory_space<hbm>>) dst(%arg7 : memref<40x128xi32, #tpu.memory_space<vmem>>)
      tpu.yield
    }) : () -> ()
    "tpu.region"() ({
      %run_scoped3A = tpu.sem_alloc : memref<!tpu.dma_semaphore, #tpu.memory_space<semaphore_mem>>
      %dma_start3A_89 = arith.constant 0 : i32
      %dma_start3A_90 = tpu.memref_slice %arg5[%mul3A_2, %dma_start3A_89] : memref<1280x128xi32, #tpu.memory_space<hbm>> -> memref<40x128xi32, #tpu.memory_space<hbm>>
      %dma_start3A_91 = arith.constant 0 : i32
      %dma_start3A_92 = tpu.memref_slice %arg5[%mul3A_2, %dma_start3A_91] : memref<1280x128xi32, #tpu.memory_space<hbm>> -> memref<40x128xi32, #tpu.memory_space<hbm>>
      tpu.enqueue_dma source(%dma_start3A_92 : memref<40x128xi32, #tpu.memory_space<hbm>>) target(%arg8 : memref<40x128xi32, #tpu.memory_space<vmem>>) target_semaphore(%run_scoped3A : memref<!tpu.dma_semaphore, #tpu.memory_space<semaphore_mem>>)
      %dma_wait3A_93 = arith.constant 0 : i32
      %dma_wait3A_94 = tpu.memref_slice %arg5[%mul3A_2, %dma_wait3A_93] : memref<1280x128xi32, #tpu.memory_space<hbm>> -> memref<40x128xi32, #tpu.memory_space<hbm>>
      %dma_wait3A_95 = arith.constant 0 : i32
      %dma_wait3A_96 = tpu.memref_slice %arg5[%mul3A_2, %dma_wait3A_95] : memref<1280x128xi32, #tpu.memory_space<hbm>> -> memref<40x128xi32, #tpu.memory_space<hbm>>
      tpu.wait_dma2 semaphore(%run_scoped3A : memref<!tpu.dma_semaphore, #tpu.memory_space<semaphore_mem>>) src(%dma_wait3A_96 : memref<40x128xi32, #tpu.memory_space<hbm>>) dst(%arg8 : memref<40x128xi32, #tpu.memory_space<vmem>>)
      tpu.yield
    }) : () -> ()
    %dma_start3A = arith.constant 0 : i32
    %dma_start3A_3 = arith.constant 0 : i32
    %dma_start3A_4 = arith.constant 0 : i32
    %dma_start3A_5 = arith.constant 0 : i32
    %dma_start3A_6 = tpu.memref_slice %arg9[%dma_start3A_3, %dma_start3A_4, %dma_start3A_5] : memref<4x128x128xf32, #tpu.memory_space<vmem>> -> memref<1x128x128xf32, #tpu.memory_space<vmem>>
    %dma_start3A_7 = tpu.memref_squeeze %dma_start3A_6 : memref<1x128x128xf32, #tpu.memory_space<vmem>> -> memref<128x128xf32, #tpu.memory_space<vmem>>
    %dma_start3A_8 = arith.constant 0 : i32
    %dma_start3A_9 = tpu.memref_slice %arg8[%dma_start3A, %dma_start3A_8] : memref<40x128xi32, #tpu.memory_space<vmem>> -> memref<1x128xi32, #tpu.memory_space<vmem>>
    %dma_start3A_10 = tpu.memref_squeeze %dma_start3A_9 : memref<1x128xi32, #tpu.memory_space<vmem>> -> memref<128xi32, #tpu.memory_space<vmem>>
    %dma_start3A_11 = arith.constant 0 : i32
    %dma_start3A_12 = arith.constant 0 : i32
    %dma_start3A_13 = tpu.memref_slice %arg2[%dma_start3A_11, %dma_start3A_12] : memref<10000x128xf32, #tpu.memory_space<hbm>> -> memref<10000x128xf32, #tpu.memory_space<hbm>>
    tpu.enqueue_indirect_dma source(%dma_start3A_13 : memref<10000x128xf32, #tpu.memory_space<hbm>>) target(%dma_start3A_7 : memref<128x128xf32, #tpu.memory_space<vmem>>) offsets(%dma_start3A_10 : memref<128xi32, #tpu.memory_space<vmem>>) semaphore(%arg10 : memref<!tpu.dma_semaphore, #tpu.memory_space<semaphore_mem>>)
    %dma_start3A_14 = arith.constant 1 : i32
    %dma_start3A_15 = arith.constant 1 : i32
    %dma_start3A_16 = arith.constant 0 : i32
    %dma_start3A_17 = arith.constant 0 : i32
    %dma_start3A_18 = tpu.memref_slice %arg9[%dma_start3A_15, %dma_start3A_16, %dma_start3A_17] : memref<4x128x128xf32, #tpu.memory_space<vmem>> -> memref<1x128x128xf32, #tpu.memory_space<vmem>>
    %dma_start3A_19 = tpu.memref_squeeze %dma_start3A_18 : memref<1x128x128xf32, #tpu.memory_space<vmem>> -> memref<128x128xf32, #tpu.memory_space<vmem>>
    %dma_start3A_20 = arith.constant 0 : i32
    %dma_start3A_21 = tpu.memref_slice %arg8[%dma_start3A_14, %dma_start3A_20] : memref<40x128xi32, #tpu.memory_space<vmem>> -> memref<1x128xi32, #tpu.memory_space<vmem>>
    %dma_start3A_22 = tpu.memref_squeeze %dma_start3A_21 : memref<1x128xi32, #tpu.memory_space<vmem>> -> memref<128xi32, #tpu.memory_space<vmem>>
    %dma_start3A_23 = arith.constant 0 : i32
    %dma_start3A_24 = arith.constant 0 : i32
    %dma_start3A_25 = tpu.memref_slice %arg2[%dma_start3A_23, %dma_start3A_24] : memref<10000x128xf32, #tpu.memory_space<hbm>> -> memref<10000x128xf32, #tpu.memory_space<hbm>>
    tpu.enqueue_indirect_dma source(%dma_start3A_25 : memref<10000x128xf32, #tpu.memory_space<hbm>>) target(%dma_start3A_19 : memref<128x128xf32, #tpu.memory_space<vmem>>) offsets(%dma_start3A_22 : memref<128xi32, #tpu.memory_space<vmem>>) semaphore(%arg11 : memref<!tpu.dma_semaphore, #tpu.memory_space<semaphore_mem>>)
    %scan3A = arith.constant 0 : i32
    %scan3A_26 = arith.constant 10 : i32
    %scan3A_27 = arith.addi %scan3A, %scan3A_26 : i32
    %scan3A_28 = arith.constant 1 : i32
    scf.for %scan3A_89 = %scan3A to %scan3A_27 step %scan3A_28  : i32 {
      %mul3A_90 = arith.constant 4 : i32
      %mul3A_91 = arith.muli %scan3A_89, %mul3A_90 : i32
      %add3A_92 = arith.constant 0 : i32
      %add3A_93 = arith.addi %add3A_92, %mul3A_91 : i32
      %add3A_94 = arith.constant 0 : i32
      %add3A_95 = arith.addi %add3A_93, %add3A_94 : i32
      %dma_wait3A_96 = arith.constant 0 : i32
      %dma_wait3A_97 = arith.constant 0 : i32
      %dma_wait3A_98 = arith.constant 0 : i32
      %dma_wait3A_99 = tpu.memref_slice %arg9[%dma_wait3A_96, %dma_wait3A_97, %dma_wait3A_98] : memref<4x128x128xf32, #tpu.memory_space<vmem>> -> memref<1x128x128xf32, #tpu.memory_space<vmem>>
      %dma_wait3A_100 = tpu.memref_squeeze %dma_wait3A_99 : memref<1x128x128xf32, #tpu.memory_space<vmem>> -> memref<128x128xf32, #tpu.memory_space<vmem>>
      %dma_wait3A_101 = arith.constant 0 : i32
      %dma_wait3A_102 = arith.constant 0 : i32
      %dma_wait3A_103 = tpu.memref_slice %arg2[%dma_wait3A_101, %dma_wait3A_102] : memref<10000x128xf32, #tpu.memory_space<hbm>> -> memref<128x128xf32, #tpu.memory_space<hbm>>
      %dma_wait3A_104 = arith.constant 0 : i32
      %dma_wait3A_105 = arith.constant 0 : i32
      %dma_wait3A_106 = tpu.memref_slice %arg9[%dma_wait3A_96, %dma_wait3A_104, %dma_wait3A_105] : memref<4x128x128xf32, #tpu.memory_space<vmem>> -> memref<1x128x128xf32, #tpu.memory_space<vmem>>
      %dma_wait3A_107 = tpu.memref_squeeze %dma_wait3A_106 : memref<1x128x128xf32, #tpu.memory_space<vmem>> -> memref<128x128xf32, #tpu.memory_space<vmem>>
      %dma_wait3A_108 = arith.constant 0 : i32
      %dma_wait3A_109 = arith.constant 0 : i32
      %dma_wait3A_110 = tpu.memref_slice %arg2[%dma_wait3A_108, %dma_wait3A_109] : memref<10000x128xf32, #tpu.memory_space<hbm>> -> memref<128x128xf32, #tpu.memory_space<hbm>>
      tpu.wait_dma2 semaphore(%arg10 : memref<!tpu.dma_semaphore, #tpu.memory_space<semaphore_mem>>) src(%dma_wait3A_110 : memref<128x128xf32, #tpu.memory_space<hbm>>) dst(%dma_wait3A_107 : memref<128x128xf32, #tpu.memory_space<vmem>>)
      %dma_start3A_111 = arith.constant 0 : i32
      %dma_start3A_112 = arith.constant 0 : i32
      %dma_start3A_113 = arith.constant 0 : i32
      %dma_start3A_114 = tpu.memref_slice %arg9[%dma_start3A_111, %dma_start3A_112, %dma_start3A_113] : memref<4x128x128xf32, #tpu.memory_space<vmem>> -> memref<1x128x128xf32, #tpu.memory_space<vmem>>
      %dma_start3A_115 = tpu.memref_squeeze %dma_start3A_114 : memref<1x128x128xf32, #tpu.memory_space<vmem>> -> memref<128x128xf32, #tpu.memory_space<vmem>>
      %dma_start3A_116 = arith.constant 0 : i32
      %dma_start3A_117 = tpu.memref_slice %arg7[%add3A_95, %dma_start3A_116] : memref<40x128xi32, #tpu.memory_space<vmem>> -> memref<1x128xi32, #tpu.memory_space<vmem>>
      %dma_start3A_118 = tpu.memref_squeeze %dma_start3A_117 : memref<1x128xi32, #tpu.memory_space<vmem>> -> memref<128xi32, #tpu.memory_space<vmem>>
      %dma_start3A_119 = arith.constant 0 : i32
      %dma_start3A_120 = arith.constant 0 : i32
      %dma_start3A_121 = tpu.memref_slice %arg3[%dma_start3A_119, %dma_start3A_120] : memref<10000x128xf32, #tpu.memory_space<hbm>> -> memref<10000x128xf32, #tpu.memory_space<hbm>>
      tpu.enqueue_indirect_dma source(%dma_start3A_121 : memref<10000x128xf32, #tpu.memory_space<hbm>>) target(%dma_start3A_115 : memref<128x128xf32, #tpu.memory_space<vmem>>) offsets(%dma_start3A_118 : memref<128xi32, #tpu.memory_space<vmem>>) semaphore(%arg10 : memref<!tpu.dma_semaphore, #tpu.memory_space<semaphore_mem>>) {add = true}
      %add3A_122 = arith.constant 2 : i32
      %add3A_123 = arith.addi %add3A_95, %add3A_122 : i32
      %lt3A = arith.constant 40 : i32
      %lt3A_124 = arith.cmpi slt, %add3A_123, %lt3A : i32
      %ge3A = arith.constant 2 : i32
      %ge3A_125 = arith.cmpi sge, %add3A_95, %ge3A : i32
      %and3A = arith.andi %lt3A_124, %ge3A_125 : i1
      %convert_element_type3A = arith.extui %and3A : i1 to i32
      %cond3A = arith.constant 0 : i32
      %cond3A_126 = arith.cmpi ne, %convert_element_type3A, %cond3A : i32
      scf.if %cond3A_126 {
        %dma_wait3A_393 = arith.constant 2 : i32
        %dma_wait3A_394 = arith.constant 0 : i32
        %dma_wait3A_395 = arith.constant 0 : i32
        %dma_wait3A_396 = tpu.memref_slice %arg9[%dma_wait3A_393, %dma_wait3A_394, %dma_wait3A_395] : memref<4x128x128xf32, #tpu.memory_space<vmem>> -> memref<1x128x128xf32, #tpu.memory_space<vmem>>
        %dma_wait3A_397 = tpu.memref_squeeze %dma_wait3A_396 : memref<1x128x128xf32, #tpu.memory_space<vmem>> -> memref<128x128xf32, #tpu.memory_space<vmem>>
        %dma_wait3A_398 = arith.constant 0 : i32
        %dma_wait3A_399 = arith.constant 0 : i32
        %dma_wait3A_400 = tpu.memref_slice %arg6[%dma_wait3A_398, %dma_wait3A_399] : memref<163840x128xf32, #tpu.memory_space<hbm>> -> memref<128x128xf32, #tpu.memory_space<hbm>>
        %dma_wait3A_401 = arith.constant 0 : i32
        %dma_wait3A_402 = arith.constant 0 : i32
        %dma_wait3A_403 = tpu.memref_slice %arg6[%dma_wait3A_401, %dma_wait3A_402] : memref<163840x128xf32, #tpu.memory_space<hbm>> -> memref<128x128xf32, #tpu.memory_space<hbm>>
        %dma_wait3A_404 = arith.constant 0 : i32
        %dma_wait3A_405 = arith.constant 0 : i32
        %dma_wait3A_406 = tpu.memref_slice %arg9[%dma_wait3A_393, %dma_wait3A_404, %dma_wait3A_405] : memref<4x128x128xf32, #tpu.memory_space<vmem>> -> memref<1x128x128xf32, #tpu.memory_space<vmem>>
        %dma_wait3A_407 = tpu.memref_squeeze %dma_wait3A_406 : memref<1x128x128xf32, #tpu.memory_space<vmem>> -> memref<128x128xf32, #tpu.memory_space<vmem>>
        tpu.wait_dma2 semaphore(%arg16 : memref<!tpu.dma_semaphore, #tpu.memory_space<semaphore_mem>>) src(%dma_wait3A_407 : memref<128x128xf32, #tpu.memory_space<vmem>>) dst(%dma_wait3A_403 : memref<128x128xf32, #tpu.memory_space<hbm>>)
      } else {
      }
      %add3A_127 = arith.constant 2 : i32
      %add3A_128 = arith.addi %add3A_95, %add3A_127 : i32
      %lt3A_129 = arith.constant 40 : i32
      %lt3A_130 = arith.cmpi slt, %add3A_128, %lt3A_129 : i32
      %convert_element_type3A_131 = arith.extui %lt3A_130 : i1 to i32
      %cond3A_132 = arith.constant 0 : i32
      %cond3A_133 = arith.cmpi ne, %convert_element_type3A_131, %cond3A_132 : i32
      scf.if %cond3A_133 {
        %add3A_393 = arith.constant 2 : i32
        %add3A_394 = arith.addi %add3A_95, %add3A_393 : i32
        %dma_start3A_395 = arith.constant 2 : i32
        %dma_start3A_396 = arith.constant 0 : i32
        %dma_start3A_397 = arith.constant 0 : i32
        %dma_start3A_398 = tpu.memref_slice %arg9[%dma_start3A_395, %dma_start3A_396, %dma_start3A_397] : memref<4x128x128xf32, #tpu.memory_space<vmem>> -> memref<1x128x128xf32, #tpu.memory_space<vmem>>
        %dma_start3A_399 = tpu.memref_squeeze %dma_start3A_398 : memref<1x128x128xf32, #tpu.memory_space<vmem>> -> memref<128x128xf32, #tpu.memory_space<vmem>>
        %dma_start3A_400 = arith.constant 0 : i32
        %dma_start3A_401 = tpu.memref_slice %arg8[%add3A_394, %dma_start3A_400] : memref<40x128xi32, #tpu.memory_space<vmem>> -> memref<1x128xi32, #tpu.memory_space<vmem>>
        %dma_start3A_402 = tpu.memref_squeeze %dma_start3A_401 : memref<1x128xi32, #tpu.memory_space<vmem>> -> memref<128xi32, #tpu.memory_space<vmem>>
        %dma_start3A_403 = arith.constant 0 : i32
        %dma_start3A_404 = arith.constant 0 : i32
        %dma_start3A_405 = tpu.memref_slice %arg2[%dma_start3A_403, %dma_start3A_404] : memref<10000x128xf32, #tpu.memory_space<hbm>> -> memref<10000x128xf32, #tpu.memory_space<hbm>>
        tpu.enqueue_indirect_dma source(%dma_start3A_405 : memref<10000x128xf32, #tpu.memory_space<hbm>>) target(%dma_start3A_399 : memref<128x128xf32, #tpu.memory_space<vmem>>) offsets(%dma_start3A_402 : memref<128xi32, #tpu.memory_space<vmem>>) semaphore(%arg12 : memref<!tpu.dma_semaphore, #tpu.memory_space<semaphore_mem>>)
      } else {
      }
      %dma_wait3A_134 = arith.constant 0 : i32
      %dma_wait3A_135 = arith.constant 0 : i32
      %dma_wait3A_136 = arith.constant 0 : i32
      %dma_wait3A_137 = tpu.memref_slice %arg9[%dma_wait3A_134, %dma_wait3A_135, %dma_wait3A_136] : memref<4x128x128xf32, #tpu.memory_space<vmem>> -> memref<1x128x128xf32, #tpu.memory_space<vmem>>
      %dma_wait3A_138 = tpu.memref_squeeze %dma_wait3A_137 : memref<1x128x128xf32, #tpu.memory_space<vmem>> -> memref<128x128xf32, #tpu.memory_space<vmem>>
      %dma_wait3A_139 = arith.constant 0 : i32
      %dma_wait3A_140 = arith.constant 0 : i32
      %dma_wait3A_141 = tpu.memref_slice %arg2[%dma_wait3A_139, %dma_wait3A_140] : memref<10000x128xf32, #tpu.memory_space<hbm>> -> memref<128x128xf32, #tpu.memory_space<hbm>>
      %dma_wait3A_142 = arith.constant 0 : i32
      %dma_wait3A_143 = arith.constant 0 : i32
      %dma_wait3A_144 = tpu.memref_slice %arg9[%dma_wait3A_134, %dma_wait3A_142, %dma_wait3A_143] : memref<4x128x128xf32, #tpu.memory_space<vmem>> -> memref<1x128x128xf32, #tpu.memory_space<vmem>>
      %dma_wait3A_145 = tpu.memref_squeeze %dma_wait3A_144 : memref<1x128x128xf32, #tpu.memory_space<vmem>> -> memref<128x128xf32, #tpu.memory_space<vmem>>
      %dma_wait3A_146 = arith.constant 0 : i32
      %dma_wait3A_147 = arith.constant 0 : i32
      %dma_wait3A_148 = tpu.memref_slice %arg2[%dma_wait3A_146, %dma_wait3A_147] : memref<10000x128xf32, #tpu.memory_space<hbm>> -> memref<128x128xf32, #tpu.memory_space<hbm>>
      tpu.wait_dma2 semaphore(%arg10 : memref<!tpu.dma_semaphore, #tpu.memory_space<semaphore_mem>>) src(%dma_wait3A_148 : memref<128x128xf32, #tpu.memory_space<hbm>>) dst(%dma_wait3A_145 : memref<128x128xf32, #tpu.memory_space<vmem>>)
      %add3A_149 = arith.addi %mul3A_2, %add3A_95 : i32
      %mul3A_150 = arith.constant 128 : i32
      %mul3A_151 = arith.muli %add3A_149, %mul3A_150 : i32
      %dma_start3A_152 = arith.constant 0 : i32
      %dma_start3A_153 = arith.constant 0 : i32
      %dma_start3A_154 = arith.constant 0 : i32
      %dma_start3A_155 = tpu.memref_slice %arg9[%dma_start3A_152, %dma_start3A_153, %dma_start3A_154] : memref<4x128x128xf32, #tpu.memory_space<vmem>> -> memref<1x128x128xf32, #tpu.memory_space<vmem>>
      %dma_start3A_156 = tpu.memref_squeeze %dma_start3A_155 : memref<1x128x128xf32, #tpu.memory_space<vmem>> -> memref<128x128xf32, #tpu.memory_space<vmem>>
      %dma_start3A_157 = arith.constant 0 : i32
      %dma_start3A_158 = tpu.memref_slice %arg6[%mul3A_151, %dma_start3A_157] : memref<163840x128xf32, #tpu.memory_space<hbm>> -> memref<128x128xf32, #tpu.memory_space<hbm>>
      %dma_start3A_159 = arith.constant 0 : i32
      %dma_start3A_160 = tpu.memref_slice %arg6[%mul3A_151, %dma_start3A_159] : memref<163840x128xf32, #tpu.memory_space<hbm>> -> memref<128x128xf32, #tpu.memory_space<hbm>>
      %dma_start3A_161 = arith.constant 0 : i32
      %dma_start3A_162 = arith.constant 0 : i32
      %dma_start3A_163 = tpu.memref_slice %arg9[%dma_start3A_152, %dma_start3A_161, %dma_start3A_162] : memref<4x128x128xf32, #tpu.memory_space<vmem>> -> memref<1x128x128xf32, #tpu.memory_space<vmem>>
      %dma_start3A_164 = tpu.memref_squeeze %dma_start3A_163 : memref<1x128x128xf32, #tpu.memory_space<vmem>> -> memref<128x128xf32, #tpu.memory_space<vmem>>
      tpu.enqueue_dma source(%dma_start3A_164 : memref<128x128xf32, #tpu.memory_space<vmem>>) target(%dma_start3A_160 : memref<128x128xf32, #tpu.memory_space<hbm>>) target_semaphore(%arg14 : memref<!tpu.dma_semaphore, #tpu.memory_space<semaphore_mem>>)
      %add3A_165 = arith.constant 1 : i32
      %add3A_166 = arith.addi %add3A_93, %add3A_165 : i32
      %dma_wait3A_167 = arith.constant 1 : i32
      %dma_wait3A_168 = arith.constant 0 : i32
      %dma_wait3A_169 = arith.constant 0 : i32
      %dma_wait3A_170 = tpu.memref_slice %arg9[%dma_wait3A_167, %dma_wait3A_168, %dma_wait3A_169] : memref<4x128x128xf32, #tpu.memory_space<vmem>> -> memref<1x128x128xf32, #tpu.memory_space<vmem>>
      %dma_wait3A_171 = tpu.memref_squeeze %dma_wait3A_170 : memref<1x128x128xf32, #tpu.memory_space<vmem>> -> memref<128x128xf32, #tpu.memory_space<vmem>>
      %dma_wait3A_172 = arith.constant 0 : i32
      %dma_wait3A_173 = arith.constant 0 : i32
      %dma_wait3A_174 = tpu.memref_slice %arg2[%dma_wait3A_172, %dma_wait3A_173] : memref<10000x128xf32, #tpu.memory_space<hbm>> -> memref<128x128xf32, #tpu.memory_space<hbm>>
      %dma_wait3A_175 = arith.constant 0 : i32
      %dma_wait3A_176 = arith.constant 0 : i32
      %dma_wait3A_177 = tpu.memref_slice %arg9[%dma_wait3A_167, %dma_wait3A_175, %dma_wait3A_176] : memref<4x128x128xf32, #tpu.memory_space<vmem>> -> memref<1x128x128xf32, #tpu.memory_space<vmem>>
      %dma_wait3A_178 = tpu.memref_squeeze %dma_wait3A_177 : memref<1x128x128xf32, #tpu.memory_space<vmem>> -> memref<128x128xf32, #tpu.memory_space<vmem>>
      %dma_wait3A_179 = arith.constant 0 : i32
      %dma_wait3A_180 = arith.constant 0 : i32
      %dma_wait3A_181 = tpu.memref_slice %arg2[%dma_wait3A_179, %dma_wait3A_180] : memref<10000x128xf32, #tpu.memory_space<hbm>> -> memref<128x128xf32, #tpu.memory_space<hbm>>
      tpu.wait_dma2 semaphore(%arg11 : memref<!tpu.dma_semaphore, #tpu.memory_space<semaphore_mem>>) src(%dma_wait3A_181 : memref<128x128xf32, #tpu.memory_space<hbm>>) dst(%dma_wait3A_178 : memref<128x128xf32, #tpu.memory_space<vmem>>)
      %dma_start3A_182 = arith.constant 1 : i32
      %dma_start3A_183 = arith.constant 0 : i32
      %dma_start3A_184 = arith.constant 0 : i32
      %dma_start3A_185 = tpu.memref_slice %arg9[%dma_start3A_182, %dma_start3A_183, %dma_start3A_184] : memref<4x128x128xf32, #tpu.memory_space<vmem>> -> memref<1x128x128xf32, #tpu.memory_space<vmem>>
      %dma_start3A_186 = tpu.memref_squeeze %dma_start3A_185 : memref<1x128x128xf32, #tpu.memory_space<vmem>> -> memref<128x128xf32, #tpu.memory_space<vmem>>
      %dma_start3A_187 = arith.constant 0 : i32
      %dma_start3A_188 = tpu.memref_slice %arg7[%add3A_166, %dma_start3A_187] : memref<40x128xi32, #tpu.memory_space<vmem>> -> memref<1x128xi32, #tpu.memory_space<vmem>>
      %dma_start3A_189 = tpu.memref_squeeze %dma_start3A_188 : memref<1x128xi32, #tpu.memory_space<vmem>> -> memref<128xi32, #tpu.memory_space<vmem>>
      %dma_start3A_190 = arith.constant 0 : i32
      %dma_start3A_191 = arith.constant 0 : i32
      %dma_start3A_192 = tpu.memref_slice %arg3[%dma_start3A_190, %dma_start3A_191] : memref<10000x128xf32, #tpu.memory_space<hbm>> -> memref<10000x128xf32, #tpu.memory_space<hbm>>
      tpu.enqueue_indirect_dma source(%dma_start3A_192 : memref<10000x128xf32, #tpu.memory_space<hbm>>) target(%dma_start3A_186 : memref<128x128xf32, #tpu.memory_space<vmem>>) offsets(%dma_start3A_189 : memref<128xi32, #tpu.memory_space<vmem>>) semaphore(%arg11 : memref<!tpu.dma_semaphore, #tpu.memory_space<semaphore_mem>>) {add = true}
      %add3A_193 = arith.constant 2 : i32
      %add3A_194 = arith.addi %add3A_166, %add3A_193 : i32
      %lt3A_195 = arith.constant 40 : i32
      %lt3A_196 = arith.cmpi slt, %add3A_194, %lt3A_195 : i32
      %ge3A_197 = arith.constant 2 : i32
      %ge3A_198 = arith.cmpi sge, %add3A_166, %ge3A_197 : i32
      %and3A_199 = arith.andi %lt3A_196, %ge3A_198 : i1
      %convert_element_type3A_200 = arith.extui %and3A_199 : i1 to i32
      %cond3A_201 = arith.constant 0 : i32
      %cond3A_202 = arith.cmpi ne, %convert_element_type3A_200, %cond3A_201 : i32
      scf.if %cond3A_202 {
        %dma_wait3A_393 = arith.constant 3 : i32
        %dma_wait3A_394 = arith.constant 0 : i32
        %dma_wait3A_395 = arith.constant 0 : i32
        %dma_wait3A_396 = tpu.memref_slice %arg9[%dma_wait3A_393, %dma_wait3A_394, %dma_wait3A_395] : memref<4x128x128xf32, #tpu.memory_space<vmem>> -> memref<1x128x128xf32, #tpu.memory_space<vmem>>
        %dma_wait3A_397 = tpu.memref_squeeze %dma_wait3A_396 : memref<1x128x128xf32, #tpu.memory_space<vmem>> -> memref<128x128xf32, #tpu.memory_space<vmem>>
        %dma_wait3A_398 = arith.constant 0 : i32
        %dma_wait3A_399 = arith.constant 0 : i32
        %dma_wait3A_400 = tpu.memref_slice %arg6[%dma_wait3A_398, %dma_wait3A_399] : memref<163840x128xf32, #tpu.memory_space<hbm>> -> memref<128x128xf32, #tpu.memory_space<hbm>>
        %dma_wait3A_401 = arith.constant 0 : i32
        %dma_wait3A_402 = arith.constant 0 : i32
        %dma_wait3A_403 = tpu.memref_slice %arg6[%dma_wait3A_401, %dma_wait3A_402] : memref<163840x128xf32, #tpu.memory_space<hbm>> -> memref<128x128xf32, #tpu.memory_space<hbm>>
        %dma_wait3A_404 = arith.constant 0 : i32
        %dma_wait3A_405 = arith.constant 0 : i32
        %dma_wait3A_406 = tpu.memref_slice %arg9[%dma_wait3A_393, %dma_wait3A_404, %dma_wait3A_405] : memref<4x128x128xf32, #tpu.memory_space<vmem>> -> memref<1x128x128xf32, #tpu.memory_space<vmem>>
        %dma_wait3A_407 = tpu.memref_squeeze %dma_wait3A_406 : memref<1x128x128xf32, #tpu.memory_space<vmem>> -> memref<128x128xf32, #tpu.memory_space<vmem>>
        tpu.wait_dma2 semaphore(%arg17 : memref<!tpu.dma_semaphore, #tpu.memory_space<semaphore_mem>>) src(%dma_wait3A_407 : memref<128x128xf32, #tpu.memory_space<vmem>>) dst(%dma_wait3A_403 : memref<128x128xf32, #tpu.memory_space<hbm>>)
      } else {
      }
      %add3A_203 = arith.constant 2 : i32
      %add3A_204 = arith.addi %add3A_166, %add3A_203 : i32
      %lt3A_205 = arith.constant 40 : i32
      %lt3A_206 = arith.cmpi slt, %add3A_204, %lt3A_205 : i32
      %convert_element_type3A_207 = arith.extui %lt3A_206 : i1 to i32
      %cond3A_208 = arith.constant 0 : i32
      %cond3A_209 = arith.cmpi ne, %convert_element_type3A_207, %cond3A_208 : i32
      scf.if %cond3A_209 {
        %add3A_393 = arith.constant 2 : i32
        %add3A_394 = arith.addi %add3A_166, %add3A_393 : i32
        %dma_start3A_395 = arith.constant 3 : i32
        %dma_start3A_396 = arith.constant 0 : i32
        %dma_start3A_397 = arith.constant 0 : i32
        %dma_start3A_398 = tpu.memref_slice %arg9[%dma_start3A_395, %dma_start3A_396, %dma_start3A_397] : memref<4x128x128xf32, #tpu.memory_space<vmem>> -> memref<1x128x128xf32, #tpu.memory_space<vmem>>
        %dma_start3A_399 = tpu.memref_squeeze %dma_start3A_398 : memref<1x128x128xf32, #tpu.memory_space<vmem>> -> memref<128x128xf32, #tpu.memory_space<vmem>>
        %dma_start3A_400 = arith.constant 0 : i32
        %dma_start3A_401 = tpu.memref_slice %arg8[%add3A_394, %dma_start3A_400] : memref<40x128xi32, #tpu.memory_space<vmem>> -> memref<1x128xi32, #tpu.memory_space<vmem>>
        %dma_start3A_402 = tpu.memref_squeeze %dma_start3A_401 : memref<1x128xi32, #tpu.memory_space<vmem>> -> memref<128xi32, #tpu.memory_space<vmem>>
        %dma_start3A_403 = arith.constant 0 : i32
        %dma_start3A_404 = arith.constant 0 : i32
        %dma_start3A_405 = tpu.memref_slice %arg2[%dma_start3A_403, %dma_start3A_404] : memref<10000x128xf32, #tpu.memory_space<hbm>> -> memref<10000x128xf32, #tpu.memory_space<hbm>>
        tpu.enqueue_indirect_dma source(%dma_start3A_405 : memref<10000x128xf32, #tpu.memory_space<hbm>>) target(%dma_start3A_399 : memref<128x128xf32, #tpu.memory_space<vmem>>) offsets(%dma_start3A_402 : memref<128xi32, #tpu.memory_space<vmem>>) semaphore(%arg13 : memref<!tpu.dma_semaphore, #tpu.memory_space<semaphore_mem>>)
      } else {
      }
      %dma_wait3A_210 = arith.constant 1 : i32
      %dma_wait3A_211 = arith.constant 0 : i32
      %dma_wait3A_212 = arith.constant 0 : i32
      %dma_wait3A_213 = tpu.memref_slice %arg9[%dma_wait3A_210, %dma_wait3A_211, %dma_wait3A_212] : memref<4x128x128xf32, #tpu.memory_space<vmem>> -> memref<1x128x128xf32, #tpu.memory_space<vmem>>
      %dma_wait3A_214 = tpu.memref_squeeze %dma_wait3A_213 : memref<1x128x128xf32, #tpu.memory_space<vmem>> -> memref<128x128xf32, #tpu.memory_space<vmem>>
      %dma_wait3A_215 = arith.constant 0 : i32
      %dma_wait3A_216 = arith.constant 0 : i32
      %dma_wait3A_217 = tpu.memref_slice %arg2[%dma_wait3A_215, %dma_wait3A_216] : memref<10000x128xf32, #tpu.memory_space<hbm>> -> memref<128x128xf32, #tpu.memory_space<hbm>>
      %dma_wait3A_218 = arith.constant 0 : i32
      %dma_wait3A_219 = arith.constant 0 : i32
      %dma_wait3A_220 = tpu.memref_slice %arg9[%dma_wait3A_210, %dma_wait3A_218, %dma_wait3A_219] : memref<4x128x128xf32, #tpu.memory_space<vmem>> -> memref<1x128x128xf32, #tpu.memory_space<vmem>>
      %dma_wait3A_221 = tpu.memref_squeeze %dma_wait3A_220 : memref<1x128x128xf32, #tpu.memory_space<vmem>> -> memref<128x128xf32, #tpu.memory_space<vmem>>
      %dma_wait3A_222 = arith.constant 0 : i32
      %dma_wait3A_223 = arith.constant 0 : i32
      %dma_wait3A_224 = tpu.memref_slice %arg2[%dma_wait3A_222, %dma_wait3A_223] : memref<10000x128xf32, #tpu.memory_space<hbm>> -> memref<128x128xf32, #tpu.memory_space<hbm>>
      tpu.wait_dma2 semaphore(%arg11 : memref<!tpu.dma_semaphore, #tpu.memory_space<semaphore_mem>>) src(%dma_wait3A_224 : memref<128x128xf32, #tpu.memory_space<hbm>>) dst(%dma_wait3A_221 : memref<128x128xf32, #tpu.memory_space<vmem>>)
      %add3A_225 = arith.addi %mul3A_2, %add3A_166 : i32
      %mul3A_226 = arith.constant 128 : i32
      %mul3A_227 = arith.muli %add3A_225, %mul3A_226 : i32
      %dma_start3A_228 = arith.constant 1 : i32
      %dma_start3A_229 = arith.constant 0 : i32
      %dma_start3A_230 = arith.constant 0 : i32
      %dma_start3A_231 = tpu.memref_slice %arg9[%dma_start3A_228, %dma_start3A_229, %dma_start3A_230] : memref<4x128x128xf32, #tpu.memory_space<vmem>> -> memref<1x128x128xf32, #tpu.memory_space<vmem>>
      %dma_start3A_232 = tpu.memref_squeeze %dma_start3A_231 : memref<1x128x128xf32, #tpu.memory_space<vmem>> -> memref<128x128xf32, #tpu.memory_space<vmem>>
      %dma_start3A_233 = arith.constant 0 : i32
      %dma_start3A_234 = tpu.memref_slice %arg6[%mul3A_227, %dma_start3A_233] : memref<163840x128xf32, #tpu.memory_space<hbm>> -> memref<128x128xf32, #tpu.memory_space<hbm>>
      %dma_start3A_235 = arith.constant 0 : i32
      %dma_start3A_236 = tpu.memref_slice %arg6[%mul3A_227, %dma_start3A_235] : memref<163840x128xf32, #tpu.memory_space<hbm>> -> memref<128x128xf32, #tpu.memory_space<hbm>>
      %dma_start3A_237 = arith.constant 0 : i32
      %dma_start3A_238 = arith.constant 0 : i32
      %dma_start3A_239 = tpu.memref_slice %arg9[%dma_start3A_228, %dma_start3A_237, %dma_start3A_238] : memref<4x128x128xf32, #tpu.memory_space<vmem>> -> memref<1x128x128xf32, #tpu.memory_space<vmem>>
      %dma_start3A_240 = tpu.memref_squeeze %dma_start3A_239 : memref<1x128x128xf32, #tpu.memory_space<vmem>> -> memref<128x128xf32, #tpu.memory_space<vmem>>
      tpu.enqueue_dma source(%dma_start3A_240 : memref<128x128xf32, #tpu.memory_space<vmem>>) target(%dma_start3A_236 : memref<128x128xf32, #tpu.memory_space<hbm>>) target_semaphore(%arg15 : memref<!tpu.dma_semaphore, #tpu.memory_space<semaphore_mem>>)
      %add3A_241 = arith.constant 2 : i32
      %add3A_242 = arith.addi %add3A_93, %add3A_241 : i32
      %dma_wait3A_243 = arith.constant 2 : i32
      %dma_wait3A_244 = arith.constant 0 : i32
      %dma_wait3A_245 = arith.constant 0 : i32
      %dma_wait3A_246 = tpu.memref_slice %arg9[%dma_wait3A_243, %dma_wait3A_244, %dma_wait3A_245] : memref<4x128x128xf32, #tpu.memory_space<vmem>> -> memref<1x128x128xf32, #tpu.memory_space<vmem>>
      %dma_wait3A_247 = tpu.memref_squeeze %dma_wait3A_246 : memref<1x128x128xf32, #tpu.memory_space<vmem>> -> memref<128x128xf32, #tpu.memory_space<vmem>>
      %dma_wait3A_248 = arith.constant 0 : i32
      %dma_wait3A_249 = arith.constant 0 : i32
      %dma_wait3A_250 = tpu.memref_slice %arg2[%dma_wait3A_248, %dma_wait3A_249] : memref<10000x128xf32, #tpu.memory_space<hbm>> -> memref<128x128xf32, #tpu.memory_space<hbm>>
      %dma_wait3A_251 = arith.constant 0 : i32
      %dma_wait3A_252 = arith.constant 0 : i32
      %dma_wait3A_253 = tpu.memref_slice %arg9[%dma_wait3A_243, %dma_wait3A_251, %dma_wait3A_252] : memref<4x128x128xf32, #tpu.memory_space<vmem>> -> memref<1x128x128xf32, #tpu.memory_space<vmem>>
      %dma_wait3A_254 = tpu.memref_squeeze %dma_wait3A_253 : memref<1x128x128xf32, #tpu.memory_space<vmem>> -> memref<128x128xf32, #tpu.memory_space<vmem>>
      %dma_wait3A_255 = arith.constant 0 : i32
      %dma_wait3A_256 = arith.constant 0 : i32
      %dma_wait3A_257 = tpu.memref_slice %arg2[%dma_wait3A_255, %dma_wait3A_256] : memref<10000x128xf32, #tpu.memory_space<hbm>> -> memref<128x128xf32, #tpu.memory_space<hbm>>
      tpu.wait_dma2 semaphore(%arg12 : memref<!tpu.dma_semaphore, #tpu.memory_space<semaphore_mem>>) src(%dma_wait3A_257 : memref<128x128xf32, #tpu.memory_space<hbm>>) dst(%dma_wait3A_254 : memref<128x128xf32, #tpu.memory_space<vmem>>)
      %dma_start3A_258 = arith.constant 2 : i32
      %dma_start3A_259 = arith.constant 0 : i32
      %dma_start3A_260 = arith.constant 0 : i32
      %dma_start3A_261 = tpu.memref_slice %arg9[%dma_start3A_258, %dma_start3A_259, %dma_start3A_260] : memref<4x128x128xf32, #tpu.memory_space<vmem>> -> memref<1x128x128xf32, #tpu.memory_space<vmem>>
      %dma_start3A_262 = tpu.memref_squeeze %dma_start3A_261 : memref<1x128x128xf32, #tpu.memory_space<vmem>> -> memref<128x128xf32, #tpu.memory_space<vmem>>
      %dma_start3A_263 = arith.constant 0 : i32
      %dma_start3A_264 = tpu.memref_slice %arg7[%add3A_242, %dma_start3A_263] : memref<40x128xi32, #tpu.memory_space<vmem>> -> memref<1x128xi32, #tpu.memory_space<vmem>>
      %dma_start3A_265 = tpu.memref_squeeze %dma_start3A_264 : memref<1x128xi32, #tpu.memory_space<vmem>> -> memref<128xi32, #tpu.memory_space<vmem>>
      %dma_start3A_266 = arith.constant 0 : i32
      %dma_start3A_267 = arith.constant 0 : i32
      %dma_start3A_268 = tpu.memref_slice %arg3[%dma_start3A_266, %dma_start3A_267] : memref<10000x128xf32, #tpu.memory_space<hbm>> -> memref<10000x128xf32, #tpu.memory_space<hbm>>
      tpu.enqueue_indirect_dma source(%dma_start3A_268 : memref<10000x128xf32, #tpu.memory_space<hbm>>) target(%dma_start3A_262 : memref<128x128xf32, #tpu.memory_space<vmem>>) offsets(%dma_start3A_265 : memref<128xi32, #tpu.memory_space<vmem>>) semaphore(%arg12 : memref<!tpu.dma_semaphore, #tpu.memory_space<semaphore_mem>>) {add = true}
      %add3A_269 = arith.constant 2 : i32
      %add3A_270 = arith.addi %add3A_242, %add3A_269 : i32
      %lt3A_271 = arith.constant 40 : i32
      %lt3A_272 = arith.cmpi slt, %add3A_270, %lt3A_271 : i32
      %ge3A_273 = arith.constant 2 : i32
      %ge3A_274 = arith.cmpi sge, %add3A_242, %ge3A_273 : i32
      %and3A_275 = arith.andi %lt3A_272, %ge3A_274 : i1
      %convert_element_type3A_276 = arith.extui %and3A_275 : i1 to i32
      %cond3A_277 = arith.constant 0 : i32
      %cond3A_278 = arith.cmpi ne, %convert_element_type3A_276, %cond3A_277 : i32
      scf.if %cond3A_278 {
        %dma_wait3A_393 = arith.constant 0 : i32
        %dma_wait3A_394 = arith.constant 0 : i32
        %dma_wait3A_395 = arith.constant 0 : i32
        %dma_wait3A_396 = tpu.memref_slice %arg9[%dma_wait3A_393, %dma_wait3A_394, %dma_wait3A_395] : memref<4x128x128xf32, #tpu.memory_space<vmem>> -> memref<1x128x128xf32, #tpu.memory_space<vmem>>
        %dma_wait3A_397 = tpu.memref_squeeze %dma_wait3A_396 : memref<1x128x128xf32, #tpu.memory_space<vmem>> -> memref<128x128xf32, #tpu.memory_space<vmem>>
        %dma_wait3A_398 = arith.constant 0 : i32
        %dma_wait3A_399 = arith.constant 0 : i32
        %dma_wait3A_400 = tpu.memref_slice %arg6[%dma_wait3A_398, %dma_wait3A_399] : memref<163840x128xf32, #tpu.memory_space<hbm>> -> memref<128x128xf32, #tpu.memory_space<hbm>>
        %dma_wait3A_401 = arith.constant 0 : i32
        %dma_wait3A_402 = arith.constant 0 : i32
        %dma_wait3A_403 = tpu.memref_slice %arg6[%dma_wait3A_401, %dma_wait3A_402] : memref<163840x128xf32, #tpu.memory_space<hbm>> -> memref<128x128xf32, #tpu.memory_space<hbm>>
        %dma_wait3A_404 = arith.constant 0 : i32
        %dma_wait3A_405 = arith.constant 0 : i32
        %dma_wait3A_406 = tpu.memref_slice %arg9[%dma_wait3A_393, %dma_wait3A_404, %dma_wait3A_405] : memref<4x128x128xf32, #tpu.memory_space<vmem>> -> memref<1x128x128xf32, #tpu.memory_space<vmem>>
        %dma_wait3A_407 = tpu.memref_squeeze %dma_wait3A_406 : memref<1x128x128xf32, #tpu.memory_space<vmem>> -> memref<128x128xf32, #tpu.memory_space<vmem>>
        tpu.wait_dma2 semaphore(%arg14 : memref<!tpu.dma_semaphore, #tpu.memory_space<semaphore_mem>>) src(%dma_wait3A_407 : memref<128x128xf32, #tpu.memory_space<vmem>>) dst(%dma_wait3A_403 : memref<128x128xf32, #tpu.memory_space<hbm>>)
      } else {
      }
      %add3A_279 = arith.constant 2 : i32
      %add3A_280 = arith.addi %add3A_242, %add3A_279 : i32
      %lt3A_281 = arith.constant 40 : i32
      %lt3A_282 = arith.cmpi slt, %add3A_280, %lt3A_281 : i32
      %convert_element_type3A_283 = arith.extui %lt3A_282 : i1 to i32
      %cond3A_284 = arith.constant 0 : i32
      %cond3A_285 = arith.cmpi ne, %convert_element_type3A_283, %cond3A_284 : i32
      scf.if %cond3A_285 {
        %add3A_393 = arith.constant 2 : i32
        %add3A_394 = arith.addi %add3A_242, %add3A_393 : i32
        %dma_start3A_395 = arith.constant 0 : i32
        %dma_start3A_396 = arith.constant 0 : i32
        %dma_start3A_397 = arith.constant 0 : i32
        %dma_start3A_398 = tpu.memref_slice %arg9[%dma_start3A_395, %dma_start3A_396, %dma_start3A_397] : memref<4x128x128xf32, #tpu.memory_space<vmem>> -> memref<1x128x128xf32, #tpu.memory_space<vmem>>
        %dma_start3A_399 = tpu.memref_squeeze %dma_start3A_398 : memref<1x128x128xf32, #tpu.memory_space<vmem>> -> memref<128x128xf32, #tpu.memory_space<vmem>>
        %dma_start3A_400 = arith.constant 0 : i32
        %dma_start3A_401 = tpu.memref_slice %arg8[%add3A_394, %dma_start3A_400] : memref<40x128xi32, #tpu.memory_space<vmem>> -> memref<1x128xi32, #tpu.memory_space<vmem>>
        %dma_start3A_402 = tpu.memref_squeeze %dma_start3A_401 : memref<1x128xi32, #tpu.memory_space<vmem>> -> memref<128xi32, #tpu.memory_space<vmem>>
        %dma_start3A_403 = arith.constant 0 : i32
        %dma_start3A_404 = arith.constant 0 : i32
        %dma_start3A_405 = tpu.memref_slice %arg2[%dma_start3A_403, %dma_start3A_404] : memref<10000x128xf32, #tpu.memory_space<hbm>> -> memref<10000x128xf32, #tpu.memory_space<hbm>>
        tpu.enqueue_indirect_dma source(%dma_start3A_405 : memref<10000x128xf32, #tpu.memory_space<hbm>>) target(%dma_start3A_399 : memref<128x128xf32, #tpu.memory_space<vmem>>) offsets(%dma_start3A_402 : memref<128xi32, #tpu.memory_space<vmem>>) semaphore(%arg10 : memref<!tpu.dma_semaphore, #tpu.memory_space<semaphore_mem>>)
      } else {
      }
      %dma_wait3A_286 = arith.constant 2 : i32
      %dma_wait3A_287 = arith.constant 0 : i32
      %dma_wait3A_288 = arith.constant 0 : i32
      %dma_wait3A_289 = tpu.memref_slice %arg9[%dma_wait3A_286, %dma_wait3A_287, %dma_wait3A_288] : memref<4x128x128xf32, #tpu.memory_space<vmem>> -> memref<1x128x128xf32, #tpu.memory_space<vmem>>
      %dma_wait3A_290 = tpu.memref_squeeze %dma_wait3A_289 : memref<1x128x128xf32, #tpu.memory_space<vmem>> -> memref<128x128xf32, #tpu.memory_space<vmem>>
      %dma_wait3A_291 = arith.constant 0 : i32
      %dma_wait3A_292 = arith.constant 0 : i32
      %dma_wait3A_293 = tpu.memref_slice %arg2[%dma_wait3A_291, %dma_wait3A_292] : memref<10000x128xf32, #tpu.memory_space<hbm>> -> memref<128x128xf32, #tpu.memory_space<hbm>>
      %dma_wait3A_294 = arith.constant 0 : i32
      %dma_wait3A_295 = arith.constant 0 : i32
      %dma_wait3A_296 = tpu.memref_slice %arg9[%dma_wait3A_286, %dma_wait3A_294, %dma_wait3A_295] : memref<4x128x128xf32, #tpu.memory_space<vmem>> -> memref<1x128x128xf32, #tpu.memory_space<vmem>>
      %dma_wait3A_297 = tpu.memref_squeeze %dma_wait3A_296 : memref<1x128x128xf32, #tpu.memory_space<vmem>> -> memref<128x128xf32, #tpu.memory_space<vmem>>
      %dma_wait3A_298 = arith.constant 0 : i32
      %dma_wait3A_299 = arith.constant 0 : i32
      %dma_wait3A_300 = tpu.memref_slice %arg2[%dma_wait3A_298, %dma_wait3A_299] : memref<10000x128xf32, #tpu.memory_space<hbm>> -> memref<128x128xf32, #tpu.memory_space<hbm>>
      tpu.wait_dma2 semaphore(%arg12 : memref<!tpu.dma_semaphore, #tpu.memory_space<semaphore_mem>>) src(%dma_wait3A_300 : memref<128x128xf32, #tpu.memory_space<hbm>>) dst(%dma_wait3A_297 : memref<128x128xf32, #tpu.memory_space<vmem>>)
      %add3A_301 = arith.addi %mul3A_2, %add3A_242 : i32
      %mul3A_302 = arith.constant 128 : i32
      %mul3A_303 = arith.muli %add3A_301, %mul3A_302 : i32
      %dma_start3A_304 = arith.constant 2 : i32
      %dma_start3A_305 = arith.constant 0 : i32
      %dma_start3A_306 = arith.constant 0 : i32
      %dma_start3A_307 = tpu.memref_slice %arg9[%dma_start3A_304, %dma_start3A_305, %dma_start3A_306] : memref<4x128x128xf32, #tpu.memory_space<vmem>> -> memref<1x128x128xf32, #tpu.memory_space<vmem>>
      %dma_start3A_308 = tpu.memref_squeeze %dma_start3A_307 : memref<1x128x128xf32, #tpu.memory_space<vmem>> -> memref<128x128xf32, #tpu.memory_space<vmem>>
      %dma_start3A_309 = arith.constant 0 : i32
      %dma_start3A_310 = tpu.memref_slice %arg6[%mul3A_303, %dma_start3A_309] : memref<163840x128xf32, #tpu.memory_space<hbm>> -> memref<128x128xf32, #tpu.memory_space<hbm>>
      %dma_start3A_311 = arith.constant 0 : i32
      %dma_start3A_312 = tpu.memref_slice %arg6[%mul3A_303, %dma_start3A_311] : memref<163840x128xf32, #tpu.memory_space<hbm>> -> memref<128x128xf32, #tpu.memory_space<hbm>>
      %dma_start3A_313 = arith.constant 0 : i32
      %dma_start3A_314 = arith.constant 0 : i32
      %dma_start3A_315 = tpu.memref_slice %arg9[%dma_start3A_304, %dma_start3A_313, %dma_start3A_314] : memref<4x128x128xf32, #tpu.memory_space<vmem>> -> memref<1x128x128xf32, #tpu.memory_space<vmem>>
      %dma_start3A_316 = tpu.memref_squeeze %dma_start3A_315 : memref<1x128x128xf32, #tpu.memory_space<vmem>> -> memref<128x128xf32, #tpu.memory_space<vmem>>
      tpu.enqueue_dma source(%dma_start3A_316 : memref<128x128xf32, #tpu.memory_space<vmem>>) target(%dma_start3A_312 : memref<128x128xf32, #tpu.memory_space<hbm>>) target_semaphore(%arg16 : memref<!tpu.dma_semaphore, #tpu.memory_space<semaphore_mem>>)
      %add3A_317 = arith.constant 3 : i32
      %add3A_318 = arith.addi %add3A_93, %add3A_317 : i32
      %dma_wait3A_319 = arith.constant 3 : i32
      %dma_wait3A_320 = arith.constant 0 : i32
      %dma_wait3A_321 = arith.constant 0 : i32
      %dma_wait3A_322 = tpu.memref_slice %arg9[%dma_wait3A_319, %dma_wait3A_320, %dma_wait3A_321] : memref<4x128x128xf32, #tpu.memory_space<vmem>> -> memref<1x128x128xf32, #tpu.memory_space<vmem>>
      %dma_wait3A_323 = tpu.memref_squeeze %dma_wait3A_322 : memref<1x128x128xf32, #tpu.memory_space<vmem>> -> memref<128x128xf32, #tpu.memory_space<vmem>>
      %dma_wait3A_324 = arith.constant 0 : i32
      %dma_wait3A_325 = arith.constant 0 : i32
      %dma_wait3A_326 = tpu.memref_slice %arg2[%dma_wait3A_324, %dma_wait3A_325] : memref<10000x128xf32, #tpu.memory_space<hbm>> -> memref<128x128xf32, #tpu.memory_space<hbm>>
      %dma_wait3A_327 = arith.constant 0 : i32
      %dma_wait3A_328 = arith.constant 0 : i32
      %dma_wait3A_329 = tpu.memref_slice %arg9[%dma_wait3A_319, %dma_wait3A_327, %dma_wait3A_328] : memref<4x128x128xf32, #tpu.memory_space<vmem>> -> memref<1x128x128xf32, #tpu.memory_space<vmem>>
      %dma_wait3A_330 = tpu.memref_squeeze %dma_wait3A_329 : memref<1x128x128xf32, #tpu.memory_space<vmem>> -> memref<128x128xf32, #tpu.memory_space<vmem>>
      %dma_wait3A_331 = arith.constant 0 : i32
      %dma_wait3A_332 = arith.constant 0 : i32
      %dma_wait3A_333 = tpu.memref_slice %arg2[%dma_wait3A_331, %dma_wait3A_332] : memref<10000x128xf32, #tpu.memory_space<hbm>> -> memref<128x128xf32, #tpu.memory_space<hbm>>
      tpu.wait_dma2 semaphore(%arg13 : memref<!tpu.dma_semaphore, #tpu.memory_space<semaphore_mem>>) src(%dma_wait3A_333 : memref<128x128xf32, #tpu.memory_space<hbm>>) dst(%dma_wait3A_330 : memref<128x128xf32, #tpu.memory_space<vmem>>)
      %dma_start3A_334 = arith.constant 3 : i32
      %dma_start3A_335 = arith.constant 0 : i32
      %dma_start3A_336 = arith.constant 0 : i32
      %dma_start3A_337 = tpu.memref_slice %arg9[%dma_start3A_334, %dma_start3A_335, %dma_start3A_336] : memref<4x128x128xf32, #tpu.memory_space<vmem>> -> memref<1x128x128xf32, #tpu.memory_space<vmem>>
      %dma_start3A_338 = tpu.memref_squeeze %dma_start3A_337 : memref<1x128x128xf32, #tpu.memory_space<vmem>> -> memref<128x128xf32, #tpu.memory_space<vmem>>
      %dma_start3A_339 = arith.constant 0 : i32
      %dma_start3A_340 = tpu.memref_slice %arg7[%add3A_318, %dma_start3A_339] : memref<40x128xi32, #tpu.memory_space<vmem>> -> memref<1x128xi32, #tpu.memory_space<vmem>>
      %dma_start3A_341 = tpu.memref_squeeze %dma_start3A_340 : memref<1x128xi32, #tpu.memory_space<vmem>> -> memref<128xi32, #tpu.memory_space<vmem>>
      %dma_start3A_342 = arith.constant 0 : i32
      %dma_start3A_343 = arith.constant 0 : i32
      %dma_start3A_344 = tpu.memref_slice %arg3[%dma_start3A_342, %dma_start3A_343] : memref<10000x128xf32, #tpu.memory_space<hbm>> -> memref<10000x128xf32, #tpu.memory_space<hbm>>
      tpu.enqueue_indirect_dma source(%dma_start3A_344 : memref<10000x128xf32, #tpu.memory_space<hbm>>) target(%dma_start3A_338 : memref<128x128xf32, #tpu.memory_space<vmem>>) offsets(%dma_start3A_341 : memref<128xi32, #tpu.memory_space<vmem>>) semaphore(%arg13 : memref<!tpu.dma_semaphore, #tpu.memory_space<semaphore_mem>>) {add = true}
      %add3A_345 = arith.constant 2 : i32
      %add3A_346 = arith.addi %add3A_318, %add3A_345 : i32
      %lt3A_347 = arith.constant 40 : i32
      %lt3A_348 = arith.cmpi slt, %add3A_346, %lt3A_347 : i32
      %ge3A_349 = arith.constant 2 : i32
      %ge3A_350 = arith.cmpi sge, %add3A_318, %ge3A_349 : i32
      %and3A_351 = arith.andi %lt3A_348, %ge3A_350 : i1
      %convert_element_type3A_352 = arith.extui %and3A_351 : i1 to i32
      %cond3A_353 = arith.constant 0 : i32
      %cond3A_354 = arith.cmpi ne, %convert_element_type3A_352, %cond3A_353 : i32
      scf.if %cond3A_354 {
        %dma_wait3A_393 = arith.constant 1 : i32
        %dma_wait3A_394 = arith.constant 0 : i32
        %dma_wait3A_395 = arith.constant 0 : i32
        %dma_wait3A_396 = tpu.memref_slice %arg9[%dma_wait3A_393, %dma_wait3A_394, %dma_wait3A_395] : memref<4x128x128xf32, #tpu.memory_space<vmem>> -> memref<1x128x128xf32, #tpu.memory_space<vmem>>
        %dma_wait3A_397 = tpu.memref_squeeze %dma_wait3A_396 : memref<1x128x128xf32, #tpu.memory_space<vmem>> -> memref<128x128xf32, #tpu.memory_space<vmem>>
        %dma_wait3A_398 = arith.constant 0 : i32
        %dma_wait3A_399 = arith.constant 0 : i32
        %dma_wait3A_400 = tpu.memref_slice %arg6[%dma_wait3A_398, %dma_wait3A_399] : memref<163840x128xf32, #tpu.memory_space<hbm>> -> memref<128x128xf32, #tpu.memory_space<hbm>>
        %dma_wait3A_401 = arith.constant 0 : i32
        %dma_wait3A_402 = arith.constant 0 : i32
        %dma_wait3A_403 = tpu.memref_slice %arg6[%dma_wait3A_401, %dma_wait3A_402] : memref<163840x128xf32, #tpu.memory_space<hbm>> -> memref<128x128xf32, #tpu.memory_space<hbm>>
        %dma_wait3A_404 = arith.constant 0 : i32
        %dma_wait3A_405 = arith.constant 0 : i32
        %dma_wait3A_406 = tpu.memref_slice %arg9[%dma_wait3A_393, %dma_wait3A_404, %dma_wait3A_405] : memref<4x128x128xf32, #tpu.memory_space<vmem>> -> memref<1x128x128xf32, #tpu.memory_space<vmem>>
        %dma_wait3A_407 = tpu.memref_squeeze %dma_wait3A_406 : memref<1x128x128xf32, #tpu.memory_space<vmem>> -> memref<128x128xf32, #tpu.memory_space<vmem>>
        tpu.wait_dma2 semaphore(%arg15 : memref<!tpu.dma_semaphore, #tpu.memory_space<semaphore_mem>>) src(%dma_wait3A_407 : memref<128x128xf32, #tpu.memory_space<vmem>>) dst(%dma_wait3A_403 : memref<128x128xf32, #tpu.memory_space<hbm>>)
      } else {
      }
      %add3A_355 = arith.constant 2 : i32
      %add3A_356 = arith.addi %add3A_318, %add3A_355 : i32
      %lt3A_357 = arith.constant 40 : i32
      %lt3A_358 = arith.cmpi slt, %add3A_356, %lt3A_357 : i32
      %convert_element_type3A_359 = arith.extui %lt3A_358 : i1 to i32
      %cond3A_360 = arith.constant 0 : i32
      %cond3A_361 = arith.cmpi ne, %convert_element_type3A_359, %cond3A_360 : i32
      scf.if %cond3A_361 {
        %add3A_393 = arith.constant 2 : i32
        %add3A_394 = arith.addi %add3A_318, %add3A_393 : i32
        %dma_start3A_395 = arith.constant 1 : i32
        %dma_start3A_396 = arith.constant 0 : i32
        %dma_start3A_397 = arith.constant 0 : i32
        %dma_start3A_398 = tpu.memref_slice %arg9[%dma_start3A_395, %dma_start3A_396, %dma_start3A_397] : memref<4x128x128xf32, #tpu.memory_space<vmem>> -> memref<1x128x128xf32, #tpu.memory_space<vmem>>
        %dma_start3A_399 = tpu.memref_squeeze %dma_start3A_398 : memref<1x128x128xf32, #tpu.memory_space<vmem>> -> memref<128x128xf32, #tpu.memory_space<vmem>>
        %dma_start3A_400 = arith.constant 0 : i32
        %dma_start3A_401 = tpu.memref_slice %arg8[%add3A_394, %dma_start3A_400] : memref<40x128xi32, #tpu.memory_space<vmem>> -> memref<1x128xi32, #tpu.memory_space<vmem>>
        %dma_start3A_402 = tpu.memref_squeeze %dma_start3A_401 : memref<1x128xi32, #tpu.memory_space<vmem>> -> memref<128xi32, #tpu.memory_space<vmem>>
        %dma_start3A_403 = arith.constant 0 : i32
        %dma_start3A_404 = arith.constant 0 : i32
        %dma_start3A_405 = tpu.memref_slice %arg2[%dma_start3A_403, %dma_start3A_404] : memref<10000x128xf32, #tpu.memory_space<hbm>> -> memref<10000x128xf32, #tpu.memory_space<hbm>>
        tpu.enqueue_indirect_dma source(%dma_start3A_405 : memref<10000x128xf32, #tpu.memory_space<hbm>>) target(%dma_start3A_399 : memref<128x128xf32, #tpu.memory_space<vmem>>) offsets(%dma_start3A_402 : memref<128xi32, #tpu.memory_space<vmem>>) semaphore(%arg11 : memref<!tpu.dma_semaphore, #tpu.memory_space<semaphore_mem>>)
      } else {
      }
      %dma_wait3A_362 = arith.constant 3 : i32
      %dma_wait3A_363 = arith.constant 0 : i32
      %dma_wait3A_364 = arith.constant 0 : i32
      %dma_wait3A_365 = tpu.memref_slice %arg9[%dma_wait3A_362, %dma_wait3A_363, %dma_wait3A_364] : memref<4x128x128xf32, #tpu.memory_space<vmem>> -> memref<1x128x128xf32, #tpu.memory_space<vmem>>
      %dma_wait3A_366 = tpu.memref_squeeze %dma_wait3A_365 : memref<1x128x128xf32, #tpu.memory_space<vmem>> -> memref<128x128xf32, #tpu.memory_space<vmem>>
      %dma_wait3A_367 = arith.constant 0 : i32
      %dma_wait3A_368 = arith.constant 0 : i32
      %dma_wait3A_369 = tpu.memref_slice %arg2[%dma_wait3A_367, %dma_wait3A_368] : memref<10000x128xf32, #tpu.memory_space<hbm>> -> memref<128x128xf32, #tpu.memory_space<hbm>>
      %dma_wait3A_370 = arith.constant 0 : i32
      %dma_wait3A_371 = arith.constant 0 : i32
      %dma_wait3A_372 = tpu.memref_slice %arg9[%dma_wait3A_362, %dma_wait3A_370, %dma_wait3A_371] : memref<4x128x128xf32, #tpu.memory_space<vmem>> -> memref<1x128x128xf32, #tpu.memory_space<vmem>>
      %dma_wait3A_373 = tpu.memref_squeeze %dma_wait3A_372 : memref<1x128x128xf32, #tpu.memory_space<vmem>> -> memref<128x128xf32, #tpu.memory_space<vmem>>
      %dma_wait3A_374 = arith.constant 0 : i32
      %dma_wait3A_375 = arith.constant 0 : i32
      %dma_wait3A_376 = tpu.memref_slice %arg2[%dma_wait3A_374, %dma_wait3A_375] : memref<10000x128xf32, #tpu.memory_space<hbm>> -> memref<128x128xf32, #tpu.memory_space<hbm>>
      tpu.wait_dma2 semaphore(%arg13 : memref<!tpu.dma_semaphore, #tpu.memory_space<semaphore_mem>>) src(%dma_wait3A_376 : memref<128x128xf32, #tpu.memory_space<hbm>>) dst(%dma_wait3A_373 : memref<128x128xf32, #tpu.memory_space<vmem>>)
      %add3A_377 = arith.addi %mul3A_2, %add3A_318 : i32
      %mul3A_378 = arith.constant 128 : i32
      %mul3A_379 = arith.muli %add3A_377, %mul3A_378 : i32
      %dma_start3A_380 = arith.constant 3 : i32
      %dma_start3A_381 = arith.constant 0 : i32
      %dma_start3A_382 = arith.constant 0 : i32
      %dma_start3A_383 = tpu.memref_slice %arg9[%dma_start3A_380, %dma_start3A_381, %dma_start3A_382] : memref<4x128x128xf32, #tpu.memory_space<vmem>> -> memref<1x128x128xf32, #tpu.memory_space<vmem>>
      %dma_start3A_384 = tpu.memref_squeeze %dma_start3A_383 : memref<1x128x128xf32, #tpu.memory_space<vmem>> -> memref<128x128xf32, #tpu.memory_space<vmem>>
      %dma_start3A_385 = arith.constant 0 : i32
      %dma_start3A_386 = tpu.memref_slice %arg6[%mul3A_379, %dma_start3A_385] : memref<163840x128xf32, #tpu.memory_space<hbm>> -> memref<128x128xf32, #tpu.memory_space<hbm>>
      %dma_start3A_387 = arith.constant 0 : i32
      %dma_start3A_388 = tpu.memref_slice %arg6[%mul3A_379, %dma_start3A_387] : memref<163840x128xf32, #tpu.memory_space<hbm>> -> memref<128x128xf32, #tpu.memory_space<hbm>>
      %dma_start3A_389 = arith.constant 0 : i32
      %dma_start3A_390 = arith.constant 0 : i32
      %dma_start3A_391 = tpu.memref_slice %arg9[%dma_start3A_380, %dma_start3A_389, %dma_start3A_390] : memref<4x128x128xf32, #tpu.memory_space<vmem>> -> memref<1x128x128xf32, #tpu.memory_space<vmem>>
      %dma_start3A_392 = tpu.memref_squeeze %dma_start3A_391 : memref<1x128x128xf32, #tpu.memory_space<vmem>> -> memref<128x128xf32, #tpu.memory_space<vmem>>
      tpu.enqueue_dma source(%dma_start3A_392 : memref<128x128xf32, #tpu.memory_space<vmem>>) target(%dma_start3A_388 : memref<128x128xf32, #tpu.memory_space<hbm>>) target_semaphore(%arg17 : memref<!tpu.dma_semaphore, #tpu.memory_space<semaphore_mem>>)
    }
    %scan3A_29 = arith.constant 10 : i32
    %dma_wait3A = arith.constant 0 : i32
    %dma_wait3A_30 = arith.constant 0 : i32
    %dma_wait3A_31 = arith.constant 0 : i32
    %dma_wait3A_32 = tpu.memref_slice %arg9[%dma_wait3A, %dma_wait3A_30, %dma_wait3A_31] : memref<4x128x128xf32, #tpu.memory_space<vmem>> -> memref<1x128x128xf32, #tpu.memory_space<vmem>>
    %dma_wait3A_33 = tpu.memref_squeeze %dma_wait3A_32 : memref<1x128x128xf32, #tpu.memory_space<vmem>> -> memref<128x128xf32, #tpu.memory_space<vmem>>
    %dma_wait3A_34 = arith.constant 0 : i32
    %dma_wait3A_35 = arith.constant 0 : i32
    %dma_wait3A_36 = tpu.memref_slice %arg6[%dma_wait3A_34, %dma_wait3A_35] : memref<163840x128xf32, #tpu.memory_space<hbm>> -> memref<128x128xf32, #tpu.memory_space<hbm>>
    %dma_wait3A_37 = arith.constant 0 : i32
    %dma_wait3A_38 = arith.constant 0 : i32
    %dma_wait3A_39 = tpu.memref_slice %arg6[%dma_wait3A_37, %dma_wait3A_38] : memref<163840x128xf32, #tpu.memory_space<hbm>> -> memref<128x128xf32, #tpu.memory_space<hbm>>
    %dma_wait3A_40 = arith.constant 0 : i32
    %dma_wait3A_41 = arith.constant 0 : i32
    %dma_wait3A_42 = tpu.memref_slice %arg9[%dma_wait3A, %dma_wait3A_40, %dma_wait3A_41] : memref<4x128x128xf32, #tpu.memory_space<vmem>> -> memref<1x128x128xf32, #tpu.memory_space<vmem>>
    %dma_wait3A_43 = tpu.memref_squeeze %dma_wait3A_42 : memref<1x128x128xf32, #tpu.memory_space<vmem>> -> memref<128x128xf32, #tpu.memory_space<vmem>>
    tpu.wait_dma2 semaphore(%arg14 : memref<!tpu.dma_semaphore, #tpu.memory_space<semaphore_mem>>) src(%dma_wait3A_43 : memref<128x128xf32, #tpu.memory_space<vmem>>) dst(%dma_wait3A_39 : memref<128x128xf32, #tpu.memory_space<hbm>>)
    %dma_wait3A_44 = arith.constant 1 : i32
    %dma_wait3A_45 = arith.constant 0 : i32
    %dma_wait3A_46 = arith.constant 0 : i32
    %dma_wait3A_47 = tpu.memref_slice %arg9[%dma_wait3A_44, %dma_wait3A_45, %dma_wait3A_46] : memref<4x128x128xf32, #tpu.memory_space<vmem>> -> memref<1x128x128xf32, #tpu.memory_space<vmem>>
    %dma_wait3A_48 = tpu.memref_squeeze %dma_wait3A_47 : memref<1x128x128xf32, #tpu.memory_space<vmem>> -> memref<128x128xf32, #tpu.memory_space<vmem>>
    %dma_wait3A_49 = arith.constant 0 : i32
    %dma_wait3A_50 = arith.constant 0 : i32
    %dma_wait3A_51 = tpu.memref_slice %arg6[%dma_wait3A_49, %dma_wait3A_50] : memref<163840x128xf32, #tpu.memory_space<hbm>> -> memref<128x128xf32, #tpu.memory_space<hbm>>
    %dma_wait3A_52 = arith.constant 0 : i32
    %dma_wait3A_53 = arith.constant 0 : i32
    %dma_wait3A_54 = tpu.memref_slice %arg6[%dma_wait3A_52, %dma_wait3A_53] : memref<163840x128xf32, #tpu.memory_space<hbm>> -> memref<128x128xf32, #tpu.memory_space<hbm>>
    %dma_wait3A_55 = arith.constant 0 : i32
    %dma_wait3A_56 = arith.constant 0 : i32
    %dma_wait3A_57 = tpu.memref_slice %arg9[%dma_wait3A_44, %dma_wait3A_55, %dma_wait3A_56] : memref<4x128x128xf32, #tpu.memory_space<vmem>> -> memref<1x128x128xf32, #tpu.memory_space<vmem>>
    %dma_wait3A_58 = tpu.memref_squeeze %dma_wait3A_57 : memref<1x128x128xf32, #tpu.memory_space<vmem>> -> memref<128x128xf32, #tpu.memory_space<vmem>>
    tpu.wait_dma2 semaphore(%arg15 : memref<!tpu.dma_semaphore, #tpu.memory_space<semaphore_mem>>) src(%dma_wait3A_58 : memref<128x128xf32, #tpu.memory_space<vmem>>) dst(%dma_wait3A_54 : memref<128x128xf32, #tpu.memory_space<hbm>>)
    %dma_wait3A_59 = arith.constant 2 : i32
    %dma_wait3A_60 = arith.constant 0 : i32
    %dma_wait3A_61 = arith.constant 0 : i32
    %dma_wait3A_62 = tpu.memref_slice %arg9[%dma_wait3A_59, %dma_wait3A_60, %dma_wait3A_61] : memref<4x128x128xf32, #tpu.memory_space<vmem>> -> memref<1x128x128xf32, #tpu.memory_space<vmem>>
    %dma_wait3A_63 = tpu.memref_squeeze %dma_wait3A_62 : memref<1x128x128xf32, #tpu.memory_space<vmem>> -> memref<128x128xf32, #tpu.memory_space<vmem>>
    %dma_wait3A_64 = arith.constant 0 : i32
    %dma_wait3A_65 = arith.constant 0 : i32
    %dma_wait3A_66 = tpu.memref_slice %arg6[%dma_wait3A_64, %dma_wait3A_65] : memref<163840x128xf32, #tpu.memory_space<hbm>> -> memref<128x128xf32, #tpu.memory_space<hbm>>
    %dma_wait3A_67 = arith.constant 0 : i32
    %dma_wait3A_68 = arith.constant 0 : i32
    %dma_wait3A_69 = tpu.memref_slice %arg6[%dma_wait3A_67, %dma_wait3A_68] : memref<163840x128xf32, #tpu.memory_space<hbm>> -> memref<128x128xf32, #tpu.memory_space<hbm>>
    %dma_wait3A_70 = arith.constant 0 : i32
    %dma_wait3A_71 = arith.constant 0 : i32
    %dma_wait3A_72 = tpu.memref_slice %arg9[%dma_wait3A_59, %dma_wait3A_70, %dma_wait3A_71] : memref<4x128x128xf32, #tpu.memory_space<vmem>> -> memref<1x128x128xf32, #tpu.memory_space<vmem>>
    %dma_wait3A_73 = tpu.memref_squeeze %dma_wait3A_72 : memref<1x128x128xf32, #tpu.memory_space<vmem>> -> memref<128x128xf32, #tpu.memory_space<vmem>>
    tpu.wait_dma2 semaphore(%arg16 : memref<!tpu.dma_semaphore, #tpu.memory_space<semaphore_mem>>) src(%dma_wait3A_73 : memref<128x128xf32, #tpu.memory_space<vmem>>) dst(%dma_wait3A_69 : memref<128x128xf32, #tpu.memory_space<hbm>>)
    %dma_wait3A_74 = arith.constant 3 : i32
    %dma_wait3A_75 = arith.constant 0 : i32
    %dma_wait3A_76 = arith.constant 0 : i32
    %dma_wait3A_77 = tpu.memref_slice %arg9[%dma_wait3A_74, %dma_wait3A_75, %dma_wait3A_76] : memref<4x128x128xf32, #tpu.memory_space<vmem>> -> memref<1x128x128xf32, #tpu.memory_space<vmem>>
    %dma_wait3A_78 = tpu.memref_squeeze %dma_wait3A_77 : memref<1x128x128xf32, #tpu.memory_space<vmem>> -> memref<128x128xf32, #tpu.memory_space<vmem>>
    %dma_wait3A_79 = arith.constant 0 : i32
    %dma_wait3A_80 = arith.constant 0 : i32
    %dma_wait3A_81 = tpu.memref_slice %arg6[%dma_wait3A_79, %dma_wait3A_80] : memref<163840x128xf32, #tpu.memory_space<hbm>> -> memref<128x128xf32, #tpu.memory_space<hbm>>
    %dma_wait3A_82 = arith.constant 0 : i32
    %dma_wait3A_83 = arith.constant 0 : i32
    %dma_wait3A_84 = tpu.memref_slice %arg6[%dma_wait3A_82, %dma_wait3A_83] : memref<163840x128xf32, #tpu.memory_space<hbm>> -> memref<128x128xf32, #tpu.memory_space<hbm>>
    %dma_wait3A_85 = arith.constant 0 : i32
    %dma_wait3A_86 = arith.constant 0 : i32
    %dma_wait3A_87 = tpu.memref_slice %arg9[%dma_wait3A_74, %dma_wait3A_85, %dma_wait3A_86] : memref<4x128x128xf32, #tpu.memory_space<vmem>> -> memref<1x128x128xf32, #tpu.memory_space<vmem>>
    %dma_wait3A_88 = tpu.memref_squeeze %dma_wait3A_87 : memref<1x128x128xf32, #tpu.memory_space<vmem>> -> memref<128x128xf32, #tpu.memory_space<vmem>>
    tpu.wait_dma2 semaphore(%arg17 : memref<!tpu.dma_semaphore, #tpu.memory_space<semaphore_mem>>) src(%dma_wait3A_88 : memref<128x128xf32, #tpu.memory_space<vmem>>) dst(%dma_wait3A_84 : memref<128x128xf32, #tpu.memory_space<hbm>>)
    return
  }
}

#map = affine_map<(d0, d1) -> (0, 0)>
module attributes {stable_mosaic.version = 14 : i64} {
  func.func @gk(%arg0: i32, %arg1: i32, %arg2: memref<10000x128xf32, #tpu.memory_space<hbm>>, %arg3: memref<10000x128xf32, #tpu.memory_space<hbm>>, %arg4: memref<1280x128xi32, #tpu.memory_space<hbm>>, %arg5: memref<1280x128xi32, #tpu.memory_space<hbm>>, %arg6: memref<163840x128xf32, #tpu.memory_space<hbm>>, %arg7: memref<40x128xi32, #tpu.memory_space<vmem>>, %arg8: memref<40x128xi32, #tpu.memory_space<vmem>>, %arg9: memref<4x128x128xf32, #tpu.memory_space<vmem>>, %arg10: memref<!tpu.dma_semaphore, #tpu.memory_space<semaphore_mem>>, %arg11: memref<!tpu.dma_semaphore, #tpu.memory_space<semaphore_mem>>, %arg12: memref<!tpu.dma_semaphore, #tpu.memory_space<semaphore_mem>>, %arg13: memref<!tpu.dma_semaphore, #tpu.memory_space<semaphore_mem>>, %arg14: memref<!tpu.dma_semaphore, #tpu.memory_space<semaphore_mem>>, %arg15: memref<!tpu.dma_semaphore, #tpu.memory_space<semaphore_mem>>, %arg16: memref<!tpu.dma_semaphore, #tpu.memory_space<semaphore_mem>>, %arg17: memref<!tpu.dma_semaphore, #tpu.memory_space<semaphore_mem>>) attributes {dimension_semantics = [#tpu.dimension_semantics<core_parallel>, #tpu.dimension_semantics<subcore_parallel>], iteration_bounds = array<i64: 2, 16>, scalar_prefetch = 0 : i64, scratch_operands = 11 : i64, tpu.core_type = #tpu.core_type<sc_vector_subcore>, window_params = [{transform_indices = #map}, {transform_indices = #map}, {transform_indices = #map}, {transform_indices = #map}, {transform_indices = #map}]} {
    %mul3A = arith.constant 16 : i32
    %mul3A_0 = arith.muli %arg0, %mul3A : i32
    %add3A = arith.addi %mul3A_0, %arg1 : i32
    %mul3A_1 = arith.constant 40 : i32
    %mul3A_2 = arith.muli %add3A, %mul3A_1 : i32
    "tpu.region"() ({
      %run_scoped3A = tpu.sem_alloc : memref<!tpu.dma_semaphore, #tpu.memory_space<semaphore_mem>>
      %dma_start3A_89 = arith.constant 0 : i32
      %dma_start3A_90 = tpu.memref_slice %arg4[%mul3A_2, %dma_start3A_89] : memref<1280x128xi32, #tpu.memory_space<hbm>> -> memref<40x128xi32, #tpu.memory_space<hbm>>
      %dma_start3A_91 = arith.constant 0 : i32
      %dma_start3A_92 = tpu.memref_slice %arg4[%mul3A_2, %dma_start3A_91] : memref<1280x128xi32, #tpu.memory_space<hbm>> -> memref<40x128xi32, #tpu.memory_space<hbm>>
      tpu.enqueue_dma source(%dma_start3A_92 : memref<40x128xi32, #tpu.memory_space<hbm>>) target(%arg7 : memref<40x128xi32, #tpu.memory_space<vmem>>) target_semaphore(%run_scoped3A : memref<!tpu.dma_semaphore, #tpu.memory_space<semaphore_mem>>)
      %dma_wait3A_93 = arith.constant 0 : i32
      %dma_wait3A_94 = tpu.memref_slice %arg4[%mul3A_2, %dma_wait3A_93] : memref<1280x128xi32, #tpu.memory_space<hbm>> -> memref<40x128xi32, #tpu.memory_space<hbm>>
      %dma_wait3A_95 = arith.constant 0 : i32
      %dma_wait3A_96 = tpu.memref_slice %arg4[%mul3A_2, %dma_wait3A_95] : memref<1280x128xi32, #tpu.memory_space<hbm>> -> memref<40x128xi32, #tpu.memory_space<hbm>>
      tpu.wait_dma2 semaphore(%run_scoped3A : memref<!tpu.dma_semaphore, #tpu.memory_space<semaphore_mem>>) src(%dma_wait3A_96 : memref<40x128xi32, #tpu.memory_space<hbm>>) dst(%arg7 : memref<40x128xi32, #tpu.memory_space<vmem>>)
      tpu.yield
    }) : () -> ()
    "tpu.region"() ({
      %run_scoped3A = tpu.sem_alloc : memref<!tpu.dma_semaphore, #tpu.memory_space<semaphore_mem>>
      %dma_start3A_89 = arith.constant 0 : i32
      %dma_start3A_90 = tpu.memref_slice %arg5[%mul3A_2, %dma_start3A_89] : memref<1280x128xi32, #tpu.memory_space<hbm>> -> memref<40x128xi32, #tpu.memory_space<hbm>>
      %dma_start3A_91 = arith.constant 0 : i32
      %dma_start3A_92 = tpu.memref_slice %arg5[%mul3A_2, %dma_start3A_91] : memref<1280x128xi32, #tpu.memory_space<hbm>> -> memref<40x128xi32, #tpu.memory_space<hbm>>
      tpu.enqueue_dma source(%dma_start3A_92 : memref<40x128xi32, #tpu.memory_space<hbm>>) target(%arg8 : memref<40x128xi32, #tpu.memory_space<vmem>>) target_semaphore(%run_scoped3A : memref<!tpu.dma_semaphore, #tpu.memory_space<semaphore_mem>>)
      %dma_wait3A_93 = arith.constant 0 : i32
      %dma_wait3A_94 = tpu.memref_slice %arg5[%mul3A_2, %dma_wait3A_93] : memref<1280x128xi32, #tpu.memory_space<hbm>> -> memref<40x128xi32, #tpu.memory_space<hbm>>
      %dma_wait3A_95 = arith.constant 0 : i32
      %dma_wait3A_96 = tpu.memref_slice %arg5[%mul3A_2, %dma_wait3A_95] : memref<1280x128xi32, #tpu.memory_space<hbm>> -> memref<40x128xi32, #tpu.memory_space<hbm>>
      tpu.wait_dma2 semaphore(%run_scoped3A : memref<!tpu.dma_semaphore, #tpu.memory_space<semaphore_mem>>) src(%dma_wait3A_96 : memref<40x128xi32, #tpu.memory_space<hbm>>) dst(%arg8 : memref<40x128xi32, #tpu.memory_space<vmem>>)
      tpu.yield
    }) : () -> ()
    %dma_start3A = arith.constant 0 : i32
    %dma_start3A_3 = arith.constant 0 : i32
    %dma_start3A_4 = arith.constant 0 : i32
    %dma_start3A_5 = arith.constant 0 : i32
    %dma_start3A_6 = tpu.memref_slice %arg9[%dma_start3A_3, %dma_start3A_4, %dma_start3A_5] : memref<4x128x128xf32, #tpu.memory_space<vmem>> -> memref<1x128x128xf32, #tpu.memory_space<vmem>>
    %dma_start3A_7 = tpu.memref_squeeze %dma_start3A_6 : memref<1x128x128xf32, #tpu.memory_space<vmem>> -> memref<128x128xf32, #tpu.memory_space<vmem>>
    %dma_start3A_8 = arith.constant 0 : i32
    %dma_start3A_9 = tpu.memref_slice %arg8[%dma_start3A, %dma_start3A_8] : memref<40x128xi32, #tpu.memory_space<vmem>> -> memref<1x128xi32, #tpu.memory_space<vmem>>
    %dma_start3A_10 = tpu.memref_squeeze %dma_start3A_9 : memref<1x128xi32, #tpu.memory_space<vmem>> -> memref<128xi32, #tpu.memory_space<vmem>>
    %dma_start3A_11 = arith.constant 0 : i32
    %dma_start3A_12 = arith.constant 0 : i32
    %dma_start3A_13 = tpu.memref_slice %arg2[%dma_start3A_11, %dma_start3A_12] : memref<10000x128xf32, #tpu.memory_space<hbm>> -> memref<10000x128xf32, #tpu.memory_space<hbm>>
    tpu.enqueue_indirect_dma source(%dma_start3A_13 : memref<10000x128xf32, #tpu.memory_space<hbm>>) target(%dma_start3A_7 : memref<128x128xf32, #tpu.memory_space<vmem>>) offsets(%dma_start3A_10 : memref<128xi32, #tpu.memory_space<vmem>>) semaphore(%arg10 : memref<!tpu.dma_semaphore, #tpu.memory_space<semaphore_mem>>)
    %dma_start3A_14 = arith.constant 1 : i32
    %dma_start3A_15 = arith.constant 1 : i32
    %dma_start3A_16 = arith.constant 0 : i32
    %dma_start3A_17 = arith.constant 0 : i32
    %dma_start3A_18 = tpu.memref_slice %arg9[%dma_start3A_15, %dma_start3A_16, %dma_start3A_17] : memref<4x128x128xf32, #tpu.memory_space<vmem>> -> memref<1x128x128xf32, #tpu.memory_space<vmem>>
    %dma_start3A_19 = tpu.memref_squeeze %dma_start3A_18 : memref<1x128x128xf32, #tpu.memory_space<vmem>> -> memref<128x128xf32, #tpu.memory_space<vmem>>
    %dma_start3A_20 = arith.constant 0 : i32
    %dma_start3A_21 = tpu.memref_slice %arg8[%dma_start3A_14, %dma_start3A_20] : memref<40x128xi32, #tpu.memory_space<vmem>> -> memref<1x128xi32, #tpu.memory_space<vmem>>
    %dma_start3A_22 = tpu.memref_squeeze %dma_start3A_21 : memref<1x128xi32, #tpu.memory_space<vmem>> -> memref<128xi32, #tpu.memory_space<vmem>>
    %dma_start3A_23 = arith.constant 0 : i32
    %dma_start3A_24 = arith.constant 0 : i32
    %dma_start3A_25 = tpu.memref_slice %arg2[%dma_start3A_23, %dma_start3A_24] : memref<10000x128xf32, #tpu.memory_space<hbm>> -> memref<10000x128xf32, #tpu.memory_space<hbm>>
    tpu.enqueue_indirect_dma source(%dma_start3A_25 : memref<10000x128xf32, #tpu.memory_space<hbm>>) target(%dma_start3A_19 : memref<128x128xf32, #tpu.memory_space<vmem>>) offsets(%dma_start3A_22 : memref<128xi32, #tpu.memory_space<vmem>>) semaphore(%arg11 : memref<!tpu.dma_semaphore, #tpu.memory_space<semaphore_mem>>)
    %scan3A = arith.constant 0 : i32
    %scan3A_26 = arith.constant 10 : i32
    %scan3A_27 = arith.addi %scan3A, %scan3A_26 : i32
    %scan3A_28 = arith.constant 1 : i32
    scf.for %scan3A_89 = %scan3A to %scan3A_27 step %scan3A_28  : i32 {
      %mul3A_90 = arith.constant 4 : i32
      %mul3A_91 = arith.muli %scan3A_89, %mul3A_90 : i32
      %add3A_92 = arith.constant 0 : i32
      %add3A_93 = arith.addi %add3A_92, %mul3A_91 : i32
      %add3A_94 = arith.constant 0 : i32
      %add3A_95 = arith.addi %add3A_93, %add3A_94 : i32
      %dma_wait3A_96 = arith.constant 0 : i32
      %dma_wait3A_97 = arith.constant 0 : i32
      %dma_wait3A_98 = arith.constant 0 : i32
      %dma_wait3A_99 = tpu.memref_slice %arg9[%dma_wait3A_96, %dma_wait3A_97, %dma_wait3A_98] : memref<4x128x128xf32, #tpu.memory_space<vmem>> -> memref<1x128x128xf32, #tpu.memory_space<vmem>>
      %dma_wait3A_100 = tpu.memref_squeeze %dma_wait3A_99 : memref<1x128x128xf32, #tpu.memory_space<vmem>> -> memref<128x128xf32, #tpu.memory_space<vmem>>
      %dma_wait3A_101 = arith.constant 0 : i32
      %dma_wait3A_102 = arith.constant 0 : i32
      %dma_wait3A_103 = tpu.memref_slice %arg2[%dma_wait3A_101, %dma_wait3A_102] : memref<10000x128xf32, #tpu.memory_space<hbm>> -> memref<128x128xf32, #tpu.memory_space<hbm>>
      %dma_wait3A_104 = arith.constant 0 : i32
      %dma_wait3A_105 = arith.constant 0 : i32
      %dma_wait3A_106 = tpu.memref_slice %arg9[%dma_wait3A_96, %dma_wait3A_104, %dma_wait3A_105] : memref<4x128x128xf32, #tpu.memory_space<vmem>> -> memref<1x128x128xf32, #tpu.memory_space<vmem>>
      %dma_wait3A_107 = tpu.memref_squeeze %dma_wait3A_106 : memref<1x128x128xf32, #tpu.memory_space<vmem>> -> memref<128x128xf32, #tpu.memory_space<vmem>>
      %dma_wait3A_108 = arith.constant 0 : i32
      %dma_wait3A_109 = arith.constant 0 : i32
      %dma_wait3A_110 = tpu.memref_slice %arg2[%dma_wait3A_108, %dma_wait3A_109] : memref<10000x128xf32, #tpu.memory_space<hbm>> -> memref<128x128xf32, #tpu.memory_space<hbm>>
      tpu.wait_dma2 semaphore(%arg10 : memref<!tpu.dma_semaphore, #tpu.memory_space<semaphore_mem>>) src(%dma_wait3A_110 : memref<128x128xf32, #tpu.memory_space<hbm>>) dst(%dma_wait3A_107 : memref<128x128xf32, #tpu.memory_space<vmem>>)
      %dma_start3A_111 = arith.constant 0 : i32
      %dma_start3A_112 = arith.constant 0 : i32
      %dma_start3A_113 = arith.constant 0 : i32
      %dma_start3A_114 = tpu.memref_slice %arg9[%dma_start3A_111, %dma_start3A_112, %dma_start3A_113] : memref<4x128x128xf32, #tpu.memory_space<vmem>> -> memref<1x128x128xf32, #tpu.memory_space<vmem>>
      %dma_start3A_115 = tpu.memref_squeeze %dma_start3A_114 : memref<1x128x128xf32, #tpu.memory_space<vmem>> -> memref<128x128xf32, #tpu.memory_space<vmem>>
      %dma_start3A_116 = arith.constant 0 : i32
      %dma_start3A_117 = tpu.memref_slice %arg7[%add3A_95, %dma_start3A_116] : memref<40x128xi32, #tpu.memory_space<vmem>> -> memref<1x128xi32, #tpu.memory_space<vmem>>
      %dma_start3A_118 = tpu.memref_squeeze %dma_start3A_117 : memref<1x128xi32, #tpu.memory_space<vmem>> -> memref<128xi32, #tpu.memory_space<vmem>>
      %dma_start3A_119 = arith.constant 0 : i32
      %dma_start3A_120 = arith.constant 0 : i32
      %dma_start3A_121 = tpu.memref_slice %arg3[%dma_start3A_119, %dma_start3A_120] : memref<10000x128xf32, #tpu.memory_space<hbm>> -> memref<10000x128xf32, #tpu.memory_space<hbm>>
      tpu.enqueue_indirect_dma source(%dma_start3A_121 : memref<10000x128xf32, #tpu.memory_space<hbm>>) target(%dma_start3A_115 : memref<128x128xf32, #tpu.memory_space<vmem>>) offsets(%dma_start3A_118 : memref<128xi32, #tpu.memory_space<vmem>>) semaphore(%arg10 : memref<!tpu.dma_semaphore, #tpu.memory_space<semaphore_mem>>) {add = true}
      %add3A_122 = arith.constant 2 : i32
      %add3A_123 = arith.addi %add3A_95, %add3A_122 : i32
      %lt3A = arith.constant 40 : i32
      %lt3A_124 = arith.cmpi slt, %add3A_123, %lt3A : i32
      %ge3A = arith.constant 2 : i32
      %ge3A_125 = arith.cmpi sge, %add3A_95, %ge3A : i32
      %and3A = arith.andi %lt3A_124, %ge3A_125 : i1
      %convert_element_type3A = arith.extui %and3A : i1 to i32
      %cond3A = arith.constant 0 : i32
      %cond3A_126 = arith.cmpi ne, %convert_element_type3A, %cond3A : i32
      scf.if %cond3A_126 {
        %dma_wait3A_393 = arith.constant 2 : i32
        %dma_wait3A_394 = arith.constant 0 : i32
        %dma_wait3A_395 = arith.constant 0 : i32
        %dma_wait3A_396 = tpu.memref_slice %arg9[%dma_wait3A_393, %dma_wait3A_394, %dma_wait3A_395] : memref<4x128x128xf32, #tpu.memory_space<vmem>> -> memref<1x128x128xf32, #tpu.memory_space<vmem>>
        %dma_wait3A_397 = tpu.memref_squeeze %dma_wait3A_396 : memref<1x128x128xf32, #tpu.memory_space<vmem>> -> memref<128x128xf32, #tpu.memory_space<vmem>>
        %dma_wait3A_398 = arith.constant 0 : i32
        %dma_wait3A_399 = arith.constant 0 : i32
        %dma_wait3A_400 = tpu.memref_slice %arg6[%dma_wait3A_398, %dma_wait3A_399] : memref<163840x128xf32, #tpu.memory_space<hbm>> -> memref<128x128xf32, #tpu.memory_space<hbm>>
        %dma_wait3A_401 = arith.constant 0 : i32
        %dma_wait3A_402 = arith.constant 0 : i32
        %dma_wait3A_403 = tpu.memref_slice %arg6[%dma_wait3A_401, %dma_wait3A_402] : memref<163840x128xf32, #tpu.memory_space<hbm>> -> memref<128x128xf32, #tpu.memory_space<hbm>>
        %dma_wait3A_404 = arith.constant 0 : i32
        %dma_wait3A_405 = arith.constant 0 : i32
        %dma_wait3A_406 = tpu.memref_slice %arg9[%dma_wait3A_393, %dma_wait3A_404, %dma_wait3A_405] : memref<4x128x128xf32, #tpu.memory_space<vmem>> -> memref<1x128x128xf32, #tpu.memory_space<vmem>>
        %dma_wait3A_407 = tpu.memref_squeeze %dma_wait3A_406 : memref<1x128x128xf32, #tpu.memory_space<vmem>> -> memref<128x128xf32, #tpu.memory_space<vmem>>
        tpu.wait_dma2 semaphore(%arg16 : memref<!tpu.dma_semaphore, #tpu.memory_space<semaphore_mem>>) src(%dma_wait3A_407 : memref<128x128xf32, #tpu.memory_space<vmem>>) dst(%dma_wait3A_403 : memref<128x128xf32, #tpu.memory_space<hbm>>)
      } else {
      }
      %add3A_127 = arith.constant 2 : i32
      %add3A_128 = arith.addi %add3A_95, %add3A_127 : i32
      %lt3A_129 = arith.constant 40 : i32
      %lt3A_130 = arith.cmpi slt, %add3A_128, %lt3A_129 : i32
      %convert_element_type3A_131 = arith.extui %lt3A_130 : i1 to i32
      %cond3A_132 = arith.constant 0 : i32
      %cond3A_133 = arith.cmpi ne, %convert_element_type3A_131, %cond3A_132 : i32
      scf.if %cond3A_133 {
        %add3A_393 = arith.constant 2 : i32
        %add3A_394 = arith.addi %add3A_95, %add3A_393 : i32
        %dma_start3A_395 = arith.constant 2 : i32
        %dma_start3A_396 = arith.constant 0 : i32
        %dma_start3A_397 = arith.constant 0 : i32
        %dma_start3A_398 = tpu.memref_slice %arg9[%dma_start3A_395, %dma_start3A_396, %dma_start3A_397] : memref<4x128x128xf32, #tpu.memory_space<vmem>> -> memref<1x128x128xf32, #tpu.memory_space<vmem>>
        %dma_start3A_399 = tpu.memref_squeeze %dma_start3A_398 : memref<1x128x128xf32, #tpu.memory_space<vmem>> -> memref<128x128xf32, #tpu.memory_space<vmem>>
        %dma_start3A_400 = arith.constant 0 : i32
        %dma_start3A_401 = tpu.memref_slice %arg8[%add3A_394, %dma_start3A_400] : memref<40x128xi32, #tpu.memory_space<vmem>> -> memref<1x128xi32, #tpu.memory_space<vmem>>
        %dma_start3A_402 = tpu.memref_squeeze %dma_start3A_401 : memref<1x128xi32, #tpu.memory_space<vmem>> -> memref<128xi32, #tpu.memory_space<vmem>>
        %dma_start3A_403 = arith.constant 0 : i32
        %dma_start3A_404 = arith.constant 0 : i32
        %dma_start3A_405 = tpu.memref_slice %arg2[%dma_start3A_403, %dma_start3A_404] : memref<10000x128xf32, #tpu.memory_space<hbm>> -> memref<10000x128xf32, #tpu.memory_space<hbm>>
        tpu.enqueue_indirect_dma source(%dma_start3A_405 : memref<10000x128xf32, #tpu.memory_space<hbm>>) target(%dma_start3A_399 : memref<128x128xf32, #tpu.memory_space<vmem>>) offsets(%dma_start3A_402 : memref<128xi32, #tpu.memory_space<vmem>>) semaphore(%arg12 : memref<!tpu.dma_semaphore, #tpu.memory_space<semaphore_mem>>)
      } else {
      }
      %dma_wait3A_134 = arith.constant 0 : i32
      %dma_wait3A_135 = arith.constant 0 : i32
      %dma_wait3A_136 = arith.constant 0 : i32
      %dma_wait3A_137 = tpu.memref_slice %arg9[%dma_wait3A_134, %dma_wait3A_135, %dma_wait3A_136] : memref<4x128x128xf32, #tpu.memory_space<vmem>> -> memref<1x128x128xf32, #tpu.memory_space<vmem>>
      %dma_wait3A_138 = tpu.memref_squeeze %dma_wait3A_137 : memref<1x128x128xf32, #tpu.memory_space<vmem>> -> memref<128x128xf32, #tpu.memory_space<vmem>>
      %dma_wait3A_139 = arith.constant 0 : i32
      %dma_wait3A_140 = arith.constant 0 : i32
      %dma_wait3A_141 = tpu.memref_slice %arg2[%dma_wait3A_139, %dma_wait3A_140] : memref<10000x128xf32, #tpu.memory_space<hbm>> -> memref<128x128xf32, #tpu.memory_space<hbm>>
      %dma_wait3A_142 = arith.constant 0 : i32
      %dma_wait3A_143 = arith.constant 0 : i32
      %dma_wait3A_144 = tpu.memref_slice %arg9[%dma_wait3A_134, %dma_wait3A_142, %dma_wait3A_143] : memref<4x128x128xf32, #tpu.memory_space<vmem>> -> memref<1x128x128xf32, #tpu.memory_space<vmem>>
      %dma_wait3A_145 = tpu.memref_squeeze %dma_wait3A_144 : memref<1x128x128xf32, #tpu.memory_space<vmem>> -> memref<128x128xf32, #tpu.memory_space<vmem>>
      %dma_wait3A_146 = arith.constant 0 : i32
      %dma_wait3A_147 = arith.constant 0 : i32
      %dma_wait3A_148 = tpu.memref_slice %arg2[%dma_wait3A_146, %dma_wait3A_147] : memref<10000x128xf32, #tpu.memory_space<hbm>> -> memref<128x128xf32, #tpu.memory_space<hbm>>
      tpu.wait_dma2 semaphore(%arg10 : memref<!tpu.dma_semaphore, #tpu.memory_space<semaphore_mem>>) src(%dma_wait3A_148 : memref<128x128xf32, #tpu.memory_space<hbm>>) dst(%dma_wait3A_145 : memref<128x128xf32, #tpu.memory_space<vmem>>)
      %add3A_149 = arith.addi %mul3A_2, %add3A_95 : i32
      %mul3A_150 = arith.constant 128 : i32
      %mul3A_151 = arith.muli %add3A_149, %mul3A_150 : i32
      %dma_start3A_152 = arith.constant 0 : i32
      %dma_start3A_153 = arith.constant 0 : i32
      %dma_start3A_154 = arith.constant 0 : i32
      %dma_start3A_155 = tpu.memref_slice %arg9[%dma_start3A_152, %dma_start3A_153, %dma_start3A_154] : memref<4x128x128xf32, #tpu.memory_space<vmem>> -> memref<1x128x128xf32, #tpu.memory_space<vmem>>
      %dma_start3A_156 = tpu.memref_squeeze %dma_start3A_155 : memref<1x128x128xf32, #tpu.memory_space<vmem>> -> memref<128x128xf32, #tpu.memory_space<vmem>>
      %dma_start3A_157 = arith.constant 0 : i32
      %dma_start3A_158 = tpu.memref_slice %arg6[%mul3A_151, %dma_start3A_157] : memref<163840x128xf32, #tpu.memory_space<hbm>> -> memref<128x128xf32, #tpu.memory_space<hbm>>
      %dma_start3A_159 = arith.constant 0 : i32
      %dma_start3A_160 = tpu.memref_slice %arg6[%mul3A_151, %dma_start3A_159] : memref<163840x128xf32, #tpu.memory_space<hbm>> -> memref<128x128xf32, #tpu.memory_space<hbm>>
      %dma_start3A_161 = arith.constant 0 : i32
      %dma_start3A_162 = arith.constant 0 : i32
      %dma_start3A_163 = tpu.memref_slice %arg9[%dma_start3A_152, %dma_start3A_161, %dma_start3A_162] : memref<4x128x128xf32, #tpu.memory_space<vmem>> -> memref<1x128x128xf32, #tpu.memory_space<vmem>>
      %dma_start3A_164 = tpu.memref_squeeze %dma_start3A_163 : memref<1x128x128xf32, #tpu.memory_space<vmem>> -> memref<128x128xf32, #tpu.memory_space<vmem>>
      tpu.enqueue_dma source(%dma_start3A_164 : memref<128x128xf32, #tpu.memory_space<vmem>>) target(%dma_start3A_160 : memref<128x128xf32, #tpu.memory_space<hbm>>) target_semaphore(%arg14 : memref<!tpu.dma_semaphore, #tpu.memory_space<semaphore_mem>>)
      %add3A_165 = arith.constant 1 : i32
      %add3A_166 = arith.addi %add3A_93, %add3A_165 : i32
      %dma_wait3A_167 = arith.constant 1 : i32
      %dma_wait3A_168 = arith.constant 0 : i32
      %dma_wait3A_169 = arith.constant 0 : i32
      %dma_wait3A_170 = tpu.memref_slice %arg9[%dma_wait3A_167, %dma_wait3A_168, %dma_wait3A_169] : memref<4x128x128xf32, #tpu.memory_space<vmem>> -> memref<1x128x128xf32, #tpu.memory_space<vmem>>
      %dma_wait3A_171 = tpu.memref_squeeze %dma_wait3A_170 : memref<1x128x128xf32, #tpu.memory_space<vmem>> -> memref<128x128xf32, #tpu.memory_space<vmem>>
      %dma_wait3A_172 = arith.constant 0 : i32
      %dma_wait3A_173 = arith.constant 0 : i32
      %dma_wait3A_174 = tpu.memref_slice %arg2[%dma_wait3A_172, %dma_wait3A_173] : memref<10000x128xf32, #tpu.memory_space<hbm>> -> memref<128x128xf32, #tpu.memory_space<hbm>>
      %dma_wait3A_175 = arith.constant 0 : i32
      %dma_wait3A_176 = arith.constant 0 : i32
      %dma_wait3A_177 = tpu.memref_slice %arg9[%dma_wait3A_167, %dma_wait3A_175, %dma_wait3A_176] : memref<4x128x128xf32, #tpu.memory_space<vmem>> -> memref<1x128x128xf32, #tpu.memory_space<vmem>>
      %dma_wait3A_178 = tpu.memref_squeeze %dma_wait3A_177 : memref<1x128x128xf32, #tpu.memory_space<vmem>> -> memref<128x128xf32, #tpu.memory_space<vmem>>
      %dma_wait3A_179 = arith.constant 0 : i32
      %dma_wait3A_180 = arith.constant 0 : i32
      %dma_wait3A_181 = tpu.memref_slice %arg2[%dma_wait3A_179, %dma_wait3A_180] : memref<10000x128xf32, #tpu.memory_space<hbm>> -> memref<128x128xf32, #tpu.memory_space<hbm>>
      tpu.wait_dma2 semaphore(%arg11 : memref<!tpu.dma_semaphore, #tpu.memory_space<semaphore_mem>>) src(%dma_wait3A_181 : memref<128x128xf32, #tpu.memory_space<hbm>>) dst(%dma_wait3A_178 : memref<128x128xf32, #tpu.memory_space<vmem>>)
      %dma_start3A_182 = arith.constant 1 : i32
      %dma_start3A_183 = arith.constant 0 : i32
      %dma_start3A_184 = arith.constant 0 : i32
      %dma_start3A_185 = tpu.memref_slice %arg9[%dma_start3A_182, %dma_start3A_183, %dma_start3A_184] : memref<4x128x128xf32, #tpu.memory_space<vmem>> -> memref<1x128x128xf32, #tpu.memory_space<vmem>>
      %dma_start3A_186 = tpu.memref_squeeze %dma_start3A_185 : memref<1x128x128xf32, #tpu.memory_space<vmem>> -> memref<128x128xf32, #tpu.memory_space<vmem>>
      %dma_start3A_187 = arith.constant 0 : i32
      %dma_start3A_188 = tpu.memref_slice %arg7[%add3A_166, %dma_start3A_187] : memref<40x128xi32, #tpu.memory_space<vmem>> -> memref<1x128xi32, #tpu.memory_space<vmem>>
      %dma_start3A_189 = tpu.memref_squeeze %dma_start3A_188 : memref<1x128xi32, #tpu.memory_space<vmem>> -> memref<128xi32, #tpu.memory_space<vmem>>
      %dma_start3A_190 = arith.constant 0 : i32
      %dma_start3A_191 = arith.constant 0 : i32
      %dma_start3A_192 = tpu.memref_slice %arg3[%dma_start3A_190, %dma_start3A_191] : memref<10000x128xf32, #tpu.memory_space<hbm>> -> memref<10000x128xf32, #tpu.memory_space<hbm>>
      tpu.enqueue_indirect_dma source(%dma_start3A_192 : memref<10000x128xf32, #tpu.memory_space<hbm>>) target(%dma_start3A_186 : memref<128x128xf32, #tpu.memory_space<vmem>>) offsets(%dma_start3A_189 : memref<128xi32, #tpu.memory_space<vmem>>) semaphore(%arg11 : memref<!tpu.dma_semaphore, #tpu.memory_space<semaphore_mem>>) {add = true}
      %add3A_193 = arith.constant 2 : i32
      %add3A_194 = arith.addi %add3A_166, %add3A_193 : i32
      %lt3A_195 = arith.constant 40 : i32
      %lt3A_196 = arith.cmpi slt, %add3A_194, %lt3A_195 : i32
      %ge3A_197 = arith.constant 2 : i32
      %ge3A_198 = arith.cmpi sge, %add3A_166, %ge3A_197 : i32
      %and3A_199 = arith.andi %lt3A_196, %ge3A_198 : i1
      %convert_element_type3A_200 = arith.extui %and3A_199 : i1 to i32
      %cond3A_201 = arith.constant 0 : i32
      %cond3A_202 = arith.cmpi ne, %convert_element_type3A_200, %cond3A_201 : i32
      scf.if %cond3A_202 {
        %dma_wait3A_393 = arith.constant 3 : i32
        %dma_wait3A_394 = arith.constant 0 : i32
        %dma_wait3A_395 = arith.constant 0 : i32
        %dma_wait3A_396 = tpu.memref_slice %arg9[%dma_wait3A_393, %dma_wait3A_394, %dma_wait3A_395] : memref<4x128x128xf32, #tpu.memory_space<vmem>> -> memref<1x128x128xf32, #tpu.memory_space<vmem>>
        %dma_wait3A_397 = tpu.memref_squeeze %dma_wait3A_396 : memref<1x128x128xf32, #tpu.memory_space<vmem>> -> memref<128x128xf32, #tpu.memory_space<vmem>>
        %dma_wait3A_398 = arith.constant 0 : i32
        %dma_wait3A_399 = arith.constant 0 : i32
        %dma_wait3A_400 = tpu.memref_slice %arg6[%dma_wait3A_398, %dma_wait3A_399] : memref<163840x128xf32, #tpu.memory_space<hbm>> -> memref<128x128xf32, #tpu.memory_space<hbm>>
        %dma_wait3A_401 = arith.constant 0 : i32
        %dma_wait3A_402 = arith.constant 0 : i32
        %dma_wait3A_403 = tpu.memref_slice %arg6[%dma_wait3A_401, %dma_wait3A_402] : memref<163840x128xf32, #tpu.memory_space<hbm>> -> memref<128x128xf32, #tpu.memory_space<hbm>>
        %dma_wait3A_404 = arith.constant 0 : i32
        %dma_wait3A_405 = arith.constant 0 : i32
        %dma_wait3A_406 = tpu.memref_slice %arg9[%dma_wait3A_393, %dma_wait3A_404, %dma_wait3A_405] : memref<4x128x128xf32, #tpu.memory_space<vmem>> -> memref<1x128x128xf32, #tpu.memory_space<vmem>>
        %dma_wait3A_407 = tpu.memref_squeeze %dma_wait3A_406 : memref<1x128x128xf32, #tpu.memory_space<vmem>> -> memref<128x128xf32, #tpu.memory_space<vmem>>
        tpu.wait_dma2 semaphore(%arg17 : memref<!tpu.dma_semaphore, #tpu.memory_space<semaphore_mem>>) src(%dma_wait3A_407 : memref<128x128xf32, #tpu.memory_space<vmem>>) dst(%dma_wait3A_403 : memref<128x128xf32, #tpu.memory_space<hbm>>)
      } else {
      }
      %add3A_203 = arith.constant 2 : i32
      %add3A_204 = arith.addi %add3A_166, %add3A_203 : i32
      %lt3A_205 = arith.constant 40 : i32
      %lt3A_206 = arith.cmpi slt, %add3A_204, %lt3A_205 : i32
      %convert_element_type3A_207 = arith.extui %lt3A_206 : i1 to i32
      %cond3A_208 = arith.constant 0 : i32
      %cond3A_209 = arith.cmpi ne, %convert_element_type3A_207, %cond3A_208 : i32
      scf.if %cond3A_209 {
        %add3A_393 = arith.constant 2 : i32
        %add3A_394 = arith.addi %add3A_166, %add3A_393 : i32
        %dma_start3A_395 = arith.constant 3 : i32
        %dma_start3A_396 = arith.constant 0 : i32
        %dma_start3A_397 = arith.constant 0 : i32
        %dma_start3A_398 = tpu.memref_slice %arg9[%dma_start3A_395, %dma_start3A_396, %dma_start3A_397] : memref<4x128x128xf32, #tpu.memory_space<vmem>> -> memref<1x128x128xf32, #tpu.memory_space<vmem>>
        %dma_start3A_399 = tpu.memref_squeeze %dma_start3A_398 : memref<1x128x128xf32, #tpu.memory_space<vmem>> -> memref<128x128xf32, #tpu.memory_space<vmem>>
        %dma_start3A_400 = arith.constant 0 : i32
        %dma_start3A_401 = tpu.memref_slice %arg8[%add3A_394, %dma_start3A_400] : memref<40x128xi32, #tpu.memory_space<vmem>> -> memref<1x128xi32, #tpu.memory_space<vmem>>
        %dma_start3A_402 = tpu.memref_squeeze %dma_start3A_401 : memref<1x128xi32, #tpu.memory_space<vmem>> -> memref<128xi32, #tpu.memory_space<vmem>>
        %dma_start3A_403 = arith.constant 0 : i32
        %dma_start3A_404 = arith.constant 0 : i32
        %dma_start3A_405 = tpu.memref_slice %arg2[%dma_start3A_403, %dma_start3A_404] : memref<10000x128xf32, #tpu.memory_space<hbm>> -> memref<10000x128xf32, #tpu.memory_space<hbm>>
        tpu.enqueue_indirect_dma source(%dma_start3A_405 : memref<10000x128xf32, #tpu.memory_space<hbm>>) target(%dma_start3A_399 : memref<128x128xf32, #tpu.memory_space<vmem>>) offsets(%dma_start3A_402 : memref<128xi32, #tpu.memory_space<vmem>>) semaphore(%arg13 : memref<!tpu.dma_semaphore, #tpu.memory_space<semaphore_mem>>)
      } else {
      }
      %dma_wait3A_210 = arith.constant 1 : i32
      %dma_wait3A_211 = arith.constant 0 : i32
      %dma_wait3A_212 = arith.constant 0 : i32
      %dma_wait3A_213 = tpu.memref_slice %arg9[%dma_wait3A_210, %dma_wait3A_211, %dma_wait3A_212] : memref<4x128x128xf32, #tpu.memory_space<vmem>> -> memref<1x128x128xf32, #tpu.memory_space<vmem>>
      %dma_wait3A_214 = tpu.memref_squeeze %dma_wait3A_213 : memref<1x128x128xf32, #tpu.memory_space<vmem>> -> memref<128x128xf32, #tpu.memory_space<vmem>>
      %dma_wait3A_215 = arith.constant 0 : i32
      %dma_wait3A_216 = arith.constant 0 : i32
      %dma_wait3A_217 = tpu.memref_slice %arg2[%dma_wait3A_215, %dma_wait3A_216] : memref<10000x128xf32, #tpu.memory_space<hbm>> -> memref<128x128xf32, #tpu.memory_space<hbm>>
      %dma_wait3A_218 = arith.constant 0 : i32
      %dma_wait3A_219 = arith.constant 0 : i32
      %dma_wait3A_220 = tpu.memref_slice %arg9[%dma_wait3A_210, %dma_wait3A_218, %dma_wait3A_219] : memref<4x128x128xf32, #tpu.memory_space<vmem>> -> memref<1x128x128xf32, #tpu.memory_space<vmem>>
      %dma_wait3A_221 = tpu.memref_squeeze %dma_wait3A_220 : memref<1x128x128xf32, #tpu.memory_space<vmem>> -> memref<128x128xf32, #tpu.memory_space<vmem>>
      %dma_wait3A_222 = arith.constant 0 : i32
      %dma_wait3A_223 = arith.constant 0 : i32
      %dma_wait3A_224 = tpu.memref_slice %arg2[%dma_wait3A_222, %dma_wait3A_223] : memref<10000x128xf32, #tpu.memory_space<hbm>> -> memref<128x128xf32, #tpu.memory_space<hbm>>
      tpu.wait_dma2 semaphore(%arg11 : memref<!tpu.dma_semaphore, #tpu.memory_space<semaphore_mem>>) src(%dma_wait3A_224 : memref<128x128xf32, #tpu.memory_space<hbm>>) dst(%dma_wait3A_221 : memref<128x128xf32, #tpu.memory_space<vmem>>)
      %add3A_225 = arith.addi %mul3A_2, %add3A_166 : i32
      %mul3A_226 = arith.constant 128 : i32
      %mul3A_227 = arith.muli %add3A_225, %mul3A_226 : i32
      %dma_start3A_228 = arith.constant 1 : i32
      %dma_start3A_229 = arith.constant 0 : i32
      %dma_start3A_230 = arith.constant 0 : i32
      %dma_start3A_231 = tpu.memref_slice %arg9[%dma_start3A_228, %dma_start3A_229, %dma_start3A_230] : memref<4x128x128xf32, #tpu.memory_space<vmem>> -> memref<1x128x128xf32, #tpu.memory_space<vmem>>
      %dma_start3A_232 = tpu.memref_squeeze %dma_start3A_231 : memref<1x128x128xf32, #tpu.memory_space<vmem>> -> memref<128x128xf32, #tpu.memory_space<vmem>>
      %dma_start3A_233 = arith.constant 0 : i32
      %dma_start3A_234 = tpu.memref_slice %arg6[%mul3A_227, %dma_start3A_233] : memref<163840x128xf32, #tpu.memory_space<hbm>> -> memref<128x128xf32, #tpu.memory_space<hbm>>
      %dma_start3A_235 = arith.constant 0 : i32
      %dma_start3A_236 = tpu.memref_slice %arg6[%mul3A_227, %dma_start3A_235] : memref<163840x128xf32, #tpu.memory_space<hbm>> -> memref<128x128xf32, #tpu.memory_space<hbm>>
      %dma_start3A_237 = arith.constant 0 : i32
      %dma_start3A_238 = arith.constant 0 : i32
      %dma_start3A_239 = tpu.memref_slice %arg9[%dma_start3A_228, %dma_start3A_237, %dma_start3A_238] : memref<4x128x128xf32, #tpu.memory_space<vmem>> -> memref<1x128x128xf32, #tpu.memory_space<vmem>>
      %dma_start3A_240 = tpu.memref_squeeze %dma_start3A_239 : memref<1x128x128xf32, #tpu.memory_space<vmem>> -> memref<128x128xf32, #tpu.memory_space<vmem>>
      tpu.enqueue_dma source(%dma_start3A_240 : memref<128x128xf32, #tpu.memory_space<vmem>>) target(%dma_start3A_236 : memref<128x128xf32, #tpu.memory_space<hbm>>) target_semaphore(%arg15 : memref<!tpu.dma_semaphore, #tpu.memory_space<semaphore_mem>>)
      %add3A_241 = arith.constant 2 : i32
      %add3A_242 = arith.addi %add3A_93, %add3A_241 : i32
      %dma_wait3A_243 = arith.constant 2 : i32
      %dma_wait3A_244 = arith.constant 0 : i32
      %dma_wait3A_245 = arith.constant 0 : i32
      %dma_wait3A_246 = tpu.memref_slice %arg9[%dma_wait3A_243, %dma_wait3A_244, %dma_wait3A_245] : memref<4x128x128xf32, #tpu.memory_space<vmem>> -> memref<1x128x128xf32, #tpu.memory_space<vmem>>
      %dma_wait3A_247 = tpu.memref_squeeze %dma_wait3A_246 : memref<1x128x128xf32, #tpu.memory_space<vmem>> -> memref<128x128xf32, #tpu.memory_space<vmem>>
      %dma_wait3A_248 = arith.constant 0 : i32
      %dma_wait3A_249 = arith.constant 0 : i32
      %dma_wait3A_250 = tpu.memref_slice %arg2[%dma_wait3A_248, %dma_wait3A_249] : memref<10000x128xf32, #tpu.memory_space<hbm>> -> memref<128x128xf32, #tpu.memory_space<hbm>>
      %dma_wait3A_251 = arith.constant 0 : i32
      %dma_wait3A_252 = arith.constant 0 : i32
      %dma_wait3A_253 = tpu.memref_slice %arg9[%dma_wait3A_243, %dma_wait3A_251, %dma_wait3A_252] : memref<4x128x128xf32, #tpu.memory_space<vmem>> -> memref<1x128x128xf32, #tpu.memory_space<vmem>>
      %dma_wait3A_254 = tpu.memref_squeeze %dma_wait3A_253 : memref<1x128x128xf32, #tpu.memory_space<vmem>> -> memref<128x128xf32, #tpu.memory_space<vmem>>
      %dma_wait3A_255 = arith.constant 0 : i32
      %dma_wait3A_256 = arith.constant 0 : i32
      %dma_wait3A_257 = tpu.memref_slice %arg2[%dma_wait3A_255, %dma_wait3A_256] : memref<10000x128xf32, #tpu.memory_space<hbm>> -> memref<128x128xf32, #tpu.memory_space<hbm>>
      tpu.wait_dma2 semaphore(%arg12 : memref<!tpu.dma_semaphore, #tpu.memory_space<semaphore_mem>>) src(%dma_wait3A_257 : memref<128x128xf32, #tpu.memory_space<hbm>>) dst(%dma_wait3A_254 : memref<128x128xf32, #tpu.memory_space<vmem>>)
      %dma_start3A_258 = arith.constant 2 : i32
      %dma_start3A_259 = arith.constant 0 : i32
      %dma_start3A_260 = arith.constant 0 : i32
      %dma_start3A_261 = tpu.memref_slice %arg9[%dma_start3A_258, %dma_start3A_259, %dma_start3A_260] : memref<4x128x128xf32, #tpu.memory_space<vmem>> -> memref<1x128x128xf32, #tpu.memory_space<vmem>>
      %dma_start3A_262 = tpu.memref_squeeze %dma_start3A_261 : memref<1x128x128xf32, #tpu.memory_space<vmem>> -> memref<128x128xf32, #tpu.memory_space<vmem>>
      %dma_start3A_263 = arith.constant 0 : i32
      %dma_start3A_264 = tpu.memref_slice %arg7[%add3A_242, %dma_start3A_263] : memref<40x128xi32, #tpu.memory_space<vmem>> -> memref<1x128xi32, #tpu.memory_space<vmem>>
      %dma_start3A_265 = tpu.memref_squeeze %dma_start3A_264 : memref<1x128xi32, #tpu.memory_space<vmem>> -> memref<128xi32, #tpu.memory_space<vmem>>
      %dma_start3A_266 = arith.constant 0 : i32
      %dma_start3A_267 = arith.constant 0 : i32
      %dma_start3A_268 = tpu.memref_slice %arg3[%dma_start3A_266, %dma_start3A_267] : memref<10000x128xf32, #tpu.memory_space<hbm>> -> memref<10000x128xf32, #tpu.memory_space<hbm>>
      tpu.enqueue_indirect_dma source(%dma_start3A_268 : memref<10000x128xf32, #tpu.memory_space<hbm>>) target(%dma_start3A_262 : memref<128x128xf32, #tpu.memory_space<vmem>>) offsets(%dma_start3A_265 : memref<128xi32, #tpu.memory_space<vmem>>) semaphore(%arg12 : memref<!tpu.dma_semaphore, #tpu.memory_space<semaphore_mem>>) {add = true}
      %add3A_269 = arith.constant 2 : i32
      %add3A_270 = arith.addi %add3A_242, %add3A_269 : i32
      %lt3A_271 = arith.constant 40 : i32
      %lt3A_272 = arith.cmpi slt, %add3A_270, %lt3A_271 : i32
      %ge3A_273 = arith.constant 2 : i32
      %ge3A_274 = arith.cmpi sge, %add3A_242, %ge3A_273 : i32
      %and3A_275 = arith.andi %lt3A_272, %ge3A_274 : i1
      %convert_element_type3A_276 = arith.extui %and3A_275 : i1 to i32
      %cond3A_277 = arith.constant 0 : i32
      %cond3A_278 = arith.cmpi ne, %convert_element_type3A_276, %cond3A_277 : i32
      scf.if %cond3A_278 {
        %dma_wait3A_393 = arith.constant 0 : i32
        %dma_wait3A_394 = arith.constant 0 : i32
        %dma_wait3A_395 = arith.constant 0 : i32
        %dma_wait3A_396 = tpu.memref_slice %arg9[%dma_wait3A_393, %dma_wait3A_394, %dma_wait3A_395] : memref<4x128x128xf32, #tpu.memory_space<vmem>> -> memref<1x128x128xf32, #tpu.memory_space<vmem>>
        %dma_wait3A_397 = tpu.memref_squeeze %dma_wait3A_396 : memref<1x128x128xf32, #tpu.memory_space<vmem>> -> memref<128x128xf32, #tpu.memory_space<vmem>>
        %dma_wait3A_398 = arith.constant 0 : i32
        %dma_wait3A_399 = arith.constant 0 : i32
        %dma_wait3A_400 = tpu.memref_slice %arg6[%dma_wait3A_398, %dma_wait3A_399] : memref<163840x128xf32, #tpu.memory_space<hbm>> -> memref<128x128xf32, #tpu.memory_space<hbm>>
        %dma_wait3A_401 = arith.constant 0 : i32
        %dma_wait3A_402 = arith.constant 0 : i32
        %dma_wait3A_403 = tpu.memref_slice %arg6[%dma_wait3A_401, %dma_wait3A_402] : memref<163840x128xf32, #tpu.memory_space<hbm>> -> memref<128x128xf32, #tpu.memory_space<hbm>>
        %dma_wait3A_404 = arith.constant 0 : i32
        %dma_wait3A_405 = arith.constant 0 : i32
        %dma_wait3A_406 = tpu.memref_slice %arg9[%dma_wait3A_393, %dma_wait3A_404, %dma_wait3A_405] : memref<4x128x128xf32, #tpu.memory_space<vmem>> -> memref<1x128x128xf32, #tpu.memory_space<vmem>>
        %dma_wait3A_407 = tpu.memref_squeeze %dma_wait3A_406 : memref<1x128x128xf32, #tpu.memory_space<vmem>> -> memref<128x128xf32, #tpu.memory_space<vmem>>
        tpu.wait_dma2 semaphore(%arg14 : memref<!tpu.dma_semaphore, #tpu.memory_space<semaphore_mem>>) src(%dma_wait3A_407 : memref<128x128xf32, #tpu.memory_space<vmem>>) dst(%dma_wait3A_403 : memref<128x128xf32, #tpu.memory_space<hbm>>)
      } else {
      }
      %add3A_279 = arith.constant 2 : i32
      %add3A_280 = arith.addi %add3A_242, %add3A_279 : i32
      %lt3A_281 = arith.constant 40 : i32
      %lt3A_282 = arith.cmpi slt, %add3A_280, %lt3A_281 : i32
      %convert_element_type3A_283 = arith.extui %lt3A_282 : i1 to i32
      %cond3A_284 = arith.constant 0 : i32
      %cond3A_285 = arith.cmpi ne, %convert_element_type3A_283, %cond3A_284 : i32
      scf.if %cond3A_285 {
        %add3A_393 = arith.constant 2 : i32
        %add3A_394 = arith.addi %add3A_242, %add3A_393 : i32
        %dma_start3A_395 = arith.constant 0 : i32
        %dma_start3A_396 = arith.constant 0 : i32
        %dma_start3A_397 = arith.constant 0 : i32
        %dma_start3A_398 = tpu.memref_slice %arg9[%dma_start3A_395, %dma_start3A_396, %dma_start3A_397] : memref<4x128x128xf32, #tpu.memory_space<vmem>> -> memref<1x128x128xf32, #tpu.memory_space<vmem>>
        %dma_start3A_399 = tpu.memref_squeeze %dma_start3A_398 : memref<1x128x128xf32, #tpu.memory_space<vmem>> -> memref<128x128xf32, #tpu.memory_space<vmem>>
        %dma_start3A_400 = arith.constant 0 : i32
        %dma_start3A_401 = tpu.memref_slice %arg8[%add3A_394, %dma_start3A_400] : memref<40x128xi32, #tpu.memory_space<vmem>> -> memref<1x128xi32, #tpu.memory_space<vmem>>
        %dma_start3A_402 = tpu.memref_squeeze %dma_start3A_401 : memref<1x128xi32, #tpu.memory_space<vmem>> -> memref<128xi32, #tpu.memory_space<vmem>>
        %dma_start3A_403 = arith.constant 0 : i32
        %dma_start3A_404 = arith.constant 0 : i32
        %dma_start3A_405 = tpu.memref_slice %arg2[%dma_start3A_403, %dma_start3A_404] : memref<10000x128xf32, #tpu.memory_space<hbm>> -> memref<10000x128xf32, #tpu.memory_space<hbm>>
        tpu.enqueue_indirect_dma source(%dma_start3A_405 : memref<10000x128xf32, #tpu.memory_space<hbm>>) target(%dma_start3A_399 : memref<128x128xf32, #tpu.memory_space<vmem>>) offsets(%dma_start3A_402 : memref<128xi32, #tpu.memory_space<vmem>>) semaphore(%arg10 : memref<!tpu.dma_semaphore, #tpu.memory_space<semaphore_mem>>)
      } else {
      }
      %dma_wait3A_286 = arith.constant 2 : i32
      %dma_wait3A_287 = arith.constant 0 : i32
      %dma_wait3A_288 = arith.constant 0 : i32
      %dma_wait3A_289 = tpu.memref_slice %arg9[%dma_wait3A_286, %dma_wait3A_287, %dma_wait3A_288] : memref<4x128x128xf32, #tpu.memory_space<vmem>> -> memref<1x128x128xf32, #tpu.memory_space<vmem>>
      %dma_wait3A_290 = tpu.memref_squeeze %dma_wait3A_289 : memref<1x128x128xf32, #tpu.memory_space<vmem>> -> memref<128x128xf32, #tpu.memory_space<vmem>>
      %dma_wait3A_291 = arith.constant 0 : i32
      %dma_wait3A_292 = arith.constant 0 : i32
      %dma_wait3A_293 = tpu.memref_slice %arg2[%dma_wait3A_291, %dma_wait3A_292] : memref<10000x128xf32, #tpu.memory_space<hbm>> -> memref<128x128xf32, #tpu.memory_space<hbm>>
      %dma_wait3A_294 = arith.constant 0 : i32
      %dma_wait3A_295 = arith.constant 0 : i32
      %dma_wait3A_296 = tpu.memref_slice %arg9[%dma_wait3A_286, %dma_wait3A_294, %dma_wait3A_295] : memref<4x128x128xf32, #tpu.memory_space<vmem>> -> memref<1x128x128xf32, #tpu.memory_space<vmem>>
      %dma_wait3A_297 = tpu.memref_squeeze %dma_wait3A_296 : memref<1x128x128xf32, #tpu.memory_space<vmem>> -> memref<128x128xf32, #tpu.memory_space<vmem>>
      %dma_wait3A_298 = arith.constant 0 : i32
      %dma_wait3A_299 = arith.constant 0 : i32
      %dma_wait3A_300 = tpu.memref_slice %arg2[%dma_wait3A_298, %dma_wait3A_299] : memref<10000x128xf32, #tpu.memory_space<hbm>> -> memref<128x128xf32, #tpu.memory_space<hbm>>
      tpu.wait_dma2 semaphore(%arg12 : memref<!tpu.dma_semaphore, #tpu.memory_space<semaphore_mem>>) src(%dma_wait3A_300 : memref<128x128xf32, #tpu.memory_space<hbm>>) dst(%dma_wait3A_297 : memref<128x128xf32, #tpu.memory_space<vmem>>)
      %add3A_301 = arith.addi %mul3A_2, %add3A_242 : i32
      %mul3A_302 = arith.constant 128 : i32
      %mul3A_303 = arith.muli %add3A_301, %mul3A_302 : i32
      %dma_start3A_304 = arith.constant 2 : i32
      %dma_start3A_305 = arith.constant 0 : i32
      %dma_start3A_306 = arith.constant 0 : i32
      %dma_start3A_307 = tpu.memref_slice %arg9[%dma_start3A_304, %dma_start3A_305, %dma_start3A_306] : memref<4x128x128xf32, #tpu.memory_space<vmem>> -> memref<1x128x128xf32, #tpu.memory_space<vmem>>
      %dma_start3A_308 = tpu.memref_squeeze %dma_start3A_307 : memref<1x128x128xf32, #tpu.memory_space<vmem>> -> memref<128x128xf32, #tpu.memory_space<vmem>>
      %dma_start3A_309 = arith.constant 0 : i32
      %dma_start3A_310 = tpu.memref_slice %arg6[%mul3A_303, %dma_start3A_309] : memref<163840x128xf32, #tpu.memory_space<hbm>> -> memref<128x128xf32, #tpu.memory_space<hbm>>
      %dma_start3A_311 = arith.constant 0 : i32
      %dma_start3A_312 = tpu.memref_slice %arg6[%mul3A_303, %dma_start3A_311] : memref<163840x128xf32, #tpu.memory_space<hbm>> -> memref<128x128xf32, #tpu.memory_space<hbm>>
      %dma_start3A_313 = arith.constant 0 : i32
      %dma_start3A_314 = arith.constant 0 : i32
      %dma_start3A_315 = tpu.memref_slice %arg9[%dma_start3A_304, %dma_start3A_313, %dma_start3A_314] : memref<4x128x128xf32, #tpu.memory_space<vmem>> -> memref<1x128x128xf32, #tpu.memory_space<vmem>>
      %dma_start3A_316 = tpu.memref_squeeze %dma_start3A_315 : memref<1x128x128xf32, #tpu.memory_space<vmem>> -> memref<128x128xf32, #tpu.memory_space<vmem>>
      tpu.enqueue_dma source(%dma_start3A_316 : memref<128x128xf32, #tpu.memory_space<vmem>>) target(%dma_start3A_312 : memref<128x128xf32, #tpu.memory_space<hbm>>) target_semaphore(%arg16 : memref<!tpu.dma_semaphore, #tpu.memory_space<semaphore_mem>>)
      %add3A_317 = arith.constant 3 : i32
      %add3A_318 = arith.addi %add3A_93, %add3A_317 : i32
      %dma_wait3A_319 = arith.constant 3 : i32
      %dma_wait3A_320 = arith.constant 0 : i32
      %dma_wait3A_321 = arith.constant 0 : i32
      %dma_wait3A_322 = tpu.memref_slice %arg9[%dma_wait3A_319, %dma_wait3A_320, %dma_wait3A_321] : memref<4x128x128xf32, #tpu.memory_space<vmem>> -> memref<1x128x128xf32, #tpu.memory_space<vmem>>
      %dma_wait3A_323 = tpu.memref_squeeze %dma_wait3A_322 : memref<1x128x128xf32, #tpu.memory_space<vmem>> -> memref<128x128xf32, #tpu.memory_space<vmem>>
      %dma_wait3A_324 = arith.constant 0 : i32
      %dma_wait3A_325 = arith.constant 0 : i32
      %dma_wait3A_326 = tpu.memref_slice %arg2[%dma_wait3A_324, %dma_wait3A_325] : memref<10000x128xf32, #tpu.memory_space<hbm>> -> memref<128x128xf32, #tpu.memory_space<hbm>>
      %dma_wait3A_327 = arith.constant 0 : i32
      %dma_wait3A_328 = arith.constant 0 : i32
      %dma_wait3A_329 = tpu.memref_slice %arg9[%dma_wait3A_319, %dma_wait3A_327, %dma_wait3A_328] : memref<4x128x128xf32, #tpu.memory_space<vmem>> -> memref<1x128x128xf32, #tpu.memory_space<vmem>>
      %dma_wait3A_330 = tpu.memref_squeeze %dma_wait3A_329 : memref<1x128x128xf32, #tpu.memory_space<vmem>> -> memref<128x128xf32, #tpu.memory_space<vmem>>
      %dma_wait3A_331 = arith.constant 0 : i32
      %dma_wait3A_332 = arith.constant 0 : i32
      %dma_wait3A_333 = tpu.memref_slice %arg2[%dma_wait3A_331, %dma_wait3A_332] : memref<10000x128xf32, #tpu.memory_space<hbm>> -> memref<128x128xf32, #tpu.memory_space<hbm>>
      tpu.wait_dma2 semaphore(%arg13 : memref<!tpu.dma_semaphore, #tpu.memory_space<semaphore_mem>>) src(%dma_wait3A_333 : memref<128x128xf32, #tpu.memory_space<hbm>>) dst(%dma_wait3A_330 : memref<128x128xf32, #tpu.memory_space<vmem>>)
      %dma_start3A_334 = arith.constant 3 : i32
      %dma_start3A_335 = arith.constant 0 : i32
      %dma_start3A_336 = arith.constant 0 : i32
      %dma_start3A_337 = tpu.memref_slice %arg9[%dma_start3A_334, %dma_start3A_335, %dma_start3A_336] : memref<4x128x128xf32, #tpu.memory_space<vmem>> -> memref<1x128x128xf32, #tpu.memory_space<vmem>>
      %dma_start3A_338 = tpu.memref_squeeze %dma_start3A_337 : memref<1x128x128xf32, #tpu.memory_space<vmem>> -> memref<128x128xf32, #tpu.memory_space<vmem>>
      %dma_start3A_339 = arith.constant 0 : i32
      %dma_start3A_340 = tpu.memref_slice %arg7[%add3A_318, %dma_start3A_339] : memref<40x128xi32, #tpu.memory_space<vmem>> -> memref<1x128xi32, #tpu.memory_space<vmem>>
      %dma_start3A_341 = tpu.memref_squeeze %dma_start3A_340 : memref<1x128xi32, #tpu.memory_space<vmem>> -> memref<128xi32, #tpu.memory_space<vmem>>
      %dma_start3A_342 = arith.constant 0 : i32
      %dma_start3A_343 = arith.constant 0 : i32
      %dma_start3A_344 = tpu.memref_slice %arg3[%dma_start3A_342, %dma_start3A_343] : memref<10000x128xf32, #tpu.memory_space<hbm>> -> memref<10000x128xf32, #tpu.memory_space<hbm>>
      tpu.enqueue_indirect_dma source(%dma_start3A_344 : memref<10000x128xf32, #tpu.memory_space<hbm>>) target(%dma_start3A_338 : memref<128x128xf32, #tpu.memory_space<vmem>>) offsets(%dma_start3A_341 : memref<128xi32, #tpu.memory_space<vmem>>) semaphore(%arg13 : memref<!tpu.dma_semaphore, #tpu.memory_space<semaphore_mem>>) {add = true}
      %add3A_345 = arith.constant 2 : i32
      %add3A_346 = arith.addi %add3A_318, %add3A_345 : i32
      %lt3A_347 = arith.constant 40 : i32
      %lt3A_348 = arith.cmpi slt, %add3A_346, %lt3A_347 : i32
      %ge3A_349 = arith.constant 2 : i32
      %ge3A_350 = arith.cmpi sge, %add3A_318, %ge3A_349 : i32
      %and3A_351 = arith.andi %lt3A_348, %ge3A_350 : i1
      %convert_element_type3A_352 = arith.extui %and3A_351 : i1 to i32
      %cond3A_353 = arith.constant 0 : i32
      %cond3A_354 = arith.cmpi ne, %convert_element_type3A_352, %cond3A_353 : i32
      scf.if %cond3A_354 {
        %dma_wait3A_393 = arith.constant 1 : i32
        %dma_wait3A_394 = arith.constant 0 : i32
        %dma_wait3A_395 = arith.constant 0 : i32
        %dma_wait3A_396 = tpu.memref_slice %arg9[%dma_wait3A_393, %dma_wait3A_394, %dma_wait3A_395] : memref<4x128x128xf32, #tpu.memory_space<vmem>> -> memref<1x128x128xf32, #tpu.memory_space<vmem>>
        %dma_wait3A_397 = tpu.memref_squeeze %dma_wait3A_396 : memref<1x128x128xf32, #tpu.memory_space<vmem>> -> memref<128x128xf32, #tpu.memory_space<vmem>>
        %dma_wait3A_398 = arith.constant 0 : i32
        %dma_wait3A_399 = arith.constant 0 : i32
        %dma_wait3A_400 = tpu.memref_slice %arg6[%dma_wait3A_398, %dma_wait3A_399] : memref<163840x128xf32, #tpu.memory_space<hbm>> -> memref<128x128xf32, #tpu.memory_space<hbm>>
        %dma_wait3A_401 = arith.constant 0 : i32
        %dma_wait3A_402 = arith.constant 0 : i32
        %dma_wait3A_403 = tpu.memref_slice %arg6[%dma_wait3A_401, %dma_wait3A_402] : memref<163840x128xf32, #tpu.memory_space<hbm>> -> memref<128x128xf32, #tpu.memory_space<hbm>>
        %dma_wait3A_404 = arith.constant 0 : i32
        %dma_wait3A_405 = arith.constant 0 : i32
        %dma_wait3A_406 = tpu.memref_slice %arg9[%dma_wait3A_393, %dma_wait3A_404, %dma_wait3A_405] : memref<4x128x128xf32, #tpu.memory_space<vmem>> -> memref<1x128x128xf32, #tpu.memory_space<vmem>>
        %dma_wait3A_407 = tpu.memref_squeeze %dma_wait3A_406 : memref<1x128x128xf32, #tpu.memory_space<vmem>> -> memref<128x128xf32, #tpu.memory_space<vmem>>
        tpu.wait_dma2 semaphore(%arg15 : memref<!tpu.dma_semaphore, #tpu.memory_space<semaphore_mem>>) src(%dma_wait3A_407 : memref<128x128xf32, #tpu.memory_space<vmem>>) dst(%dma_wait3A_403 : memref<128x128xf32, #tpu.memory_space<hbm>>)
      } else {
      }
      %add3A_355 = arith.constant 2 : i32
      %add3A_356 = arith.addi %add3A_318, %add3A_355 : i32
      %lt3A_357 = arith.constant 40 : i32
      %lt3A_358 = arith.cmpi slt, %add3A_356, %lt3A_357 : i32
      %convert_element_type3A_359 = arith.extui %lt3A_358 : i1 to i32
      %cond3A_360 = arith.constant 0 : i32
      %cond3A_361 = arith.cmpi ne, %convert_element_type3A_359, %cond3A_360 : i32
      scf.if %cond3A_361 {
        %add3A_393 = arith.constant 2 : i32
        %add3A_394 = arith.addi %add3A_318, %add3A_393 : i32
        %dma_start3A_395 = arith.constant 1 : i32
        %dma_start3A_396 = arith.constant 0 : i32
        %dma_start3A_397 = arith.constant 0 : i32
        %dma_start3A_398 = tpu.memref_slice %arg9[%dma_start3A_395, %dma_start3A_396, %dma_start3A_397] : memref<4x128x128xf32, #tpu.memory_space<vmem>> -> memref<1x128x128xf32, #tpu.memory_space<vmem>>
        %dma_start3A_399 = tpu.memref_squeeze %dma_start3A_398 : memref<1x128x128xf32, #tpu.memory_space<vmem>> -> memref<128x128xf32, #tpu.memory_space<vmem>>
        %dma_start3A_400 = arith.constant 0 : i32
        %dma_start3A_401 = tpu.memref_slice %arg8[%add3A_394, %dma_start3A_400] : memref<40x128xi32, #tpu.memory_space<vmem>> -> memref<1x128xi32, #tpu.memory_space<vmem>>
        %dma_start3A_402 = tpu.memref_squeeze %dma_start3A_401 : memref<1x128xi32, #tpu.memory_space<vmem>> -> memref<128xi32, #tpu.memory_space<vmem>>
        %dma_start3A_403 = arith.constant 0 : i32
        %dma_start3A_404 = arith.constant 0 : i32
        %dma_start3A_405 = tpu.memref_slice %arg2[%dma_start3A_403, %dma_start3A_404] : memref<10000x128xf32, #tpu.memory_space<hbm>> -> memref<10000x128xf32, #tpu.memory_space<hbm>>
        tpu.enqueue_indirect_dma source(%dma_start3A_405 : memref<10000x128xf32, #tpu.memory_space<hbm>>) target(%dma_start3A_399 : memref<128x128xf32, #tpu.memory_space<vmem>>) offsets(%dma_start3A_402 : memref<128xi32, #tpu.memory_space<vmem>>) semaphore(%arg11 : memref<!tpu.dma_semaphore, #tpu.memory_space<semaphore_mem>>)
      } else {
      }
      %dma_wait3A_362 = arith.constant 3 : i32
      %dma_wait3A_363 = arith.constant 0 : i32
      %dma_wait3A_364 = arith.constant 0 : i32
      %dma_wait3A_365 = tpu.memref_slice %arg9[%dma_wait3A_362, %dma_wait3A_363, %dma_wait3A_364] : memref<4x128x128xf32, #tpu.memory_space<vmem>> -> memref<1x128x128xf32, #tpu.memory_space<vmem>>
      %dma_wait3A_366 = tpu.memref_squeeze %dma_wait3A_365 : memref<1x128x128xf32, #tpu.memory_space<vmem>> -> memref<128x128xf32, #tpu.memory_space<vmem>>
      %dma_wait3A_367 = arith.constant 0 : i32
      %dma_wait3A_368 = arith.constant 0 : i32
      %dma_wait3A_369 = tpu.memref_slice %arg2[%dma_wait3A_367, %dma_wait3A_368] : memref<10000x128xf32, #tpu.memory_space<hbm>> -> memref<128x128xf32, #tpu.memory_space<hbm>>
      %dma_wait3A_370 = arith.constant 0 : i32
      %dma_wait3A_371 = arith.constant 0 : i32
      %dma_wait3A_372 = tpu.memref_slice %arg9[%dma_wait3A_362, %dma_wait3A_370, %dma_wait3A_371] : memref<4x128x128xf32, #tpu.memory_space<vmem>> -> memref<1x128x128xf32, #tpu.memory_space<vmem>>
      %dma_wait3A_373 = tpu.memref_squeeze %dma_wait3A_372 : memref<1x128x128xf32, #tpu.memory_space<vmem>> -> memref<128x128xf32, #tpu.memory_space<vmem>>
      %dma_wait3A_374 = arith.constant 0 : i32
      %dma_wait3A_375 = arith.constant 0 : i32
      %dma_wait3A_376 = tpu.memref_slice %arg2[%dma_wait3A_374, %dma_wait3A_375] : memref<10000x128xf32, #tpu.memory_space<hbm>> -> memref<128x128xf32, #tpu.memory_space<hbm>>
      tpu.wait_dma2 semaphore(%arg13 : memref<!tpu.dma_semaphore, #tpu.memory_space<semaphore_mem>>) src(%dma_wait3A_376 : memref<128x128xf32, #tpu.memory_space<hbm>>) dst(%dma_wait3A_373 : memref<128x128xf32, #tpu.memory_space<vmem>>)
      %add3A_377 = arith.addi %mul3A_2, %add3A_318 : i32
      %mul3A_378 = arith.constant 128 : i32
      %mul3A_379 = arith.muli %add3A_377, %mul3A_378 : i32
      %dma_start3A_380 = arith.constant 3 : i32
      %dma_start3A_381 = arith.constant 0 : i32
      %dma_start3A_382 = arith.constant 0 : i32
      %dma_start3A_383 = tpu.memref_slice %arg9[%dma_start3A_380, %dma_start3A_381, %dma_start3A_382] : memref<4x128x128xf32, #tpu.memory_space<vmem>> -> memref<1x128x128xf32, #tpu.memory_space<vmem>>
      %dma_start3A_384 = tpu.memref_squeeze %dma_start3A_383 : memref<1x128x128xf32, #tpu.memory_space<vmem>> -> memref<128x128xf32, #tpu.memory_space<vmem>>
      %dma_start3A_385 = arith.constant 0 : i32
      %dma_start3A_386 = tpu.memref_slice %arg6[%mul3A_379, %dma_start3A_385] : memref<163840x128xf32, #tpu.memory_space<hbm>> -> memref<128x128xf32, #tpu.memory_space<hbm>>
      %dma_start3A_387 = arith.constant 0 : i32
      %dma_start3A_388 = tpu.memref_slice %arg6[%mul3A_379, %dma_start3A_387] : memref<163840x128xf32, #tpu.memory_space<hbm>> -> memref<128x128xf32, #tpu.memory_space<hbm>>
      %dma_start3A_389 = arith.constant 0 : i32
      %dma_start3A_390 = arith.constant 0 : i32
      %dma_start3A_391 = tpu.memref_slice %arg9[%dma_start3A_380, %dma_start3A_389, %dma_start3A_390] : memref<4x128x128xf32, #tpu.memory_space<vmem>> -> memref<1x128x128xf32, #tpu.memory_space<vmem>>
      %dma_start3A_392 = tpu.memref_squeeze %dma_start3A_391 : memref<1x128x128xf32, #tpu.memory_space<vmem>> -> memref<128x128xf32, #tpu.memory_space<vmem>>
      tpu.enqueue_dma source(%dma_start3A_392 : memref<128x128xf32, #tpu.memory_space<vmem>>) target(%dma_start3A_388 : memref<128x128xf32, #tpu.memory_space<hbm>>) target_semaphore(%arg17 : memref<!tpu.dma_semaphore, #tpu.memory_space<semaphore_mem>>)
    }
    %scan3A_29 = arith.constant 10 : i32
    %dma_wait3A = arith.constant 0 : i32
    %dma_wait3A_30 = arith.constant 0 : i32
    %dma_wait3A_31 = arith.constant 0 : i32
    %dma_wait3A_32 = tpu.memref_slice %arg9[%dma_wait3A, %dma_wait3A_30, %dma_wait3A_31] : memref<4x128x128xf32, #tpu.memory_space<vmem>> -> memref<1x128x128xf32, #tpu.memory_space<vmem>>
    %dma_wait3A_33 = tpu.memref_squeeze %dma_wait3A_32 : memref<1x128x128xf32, #tpu.memory_space<vmem>> -> memref<128x128xf32, #tpu.memory_space<vmem>>
    %dma_wait3A_34 = arith.constant 0 : i32
    %dma_wait3A_35 = arith.constant 0 : i32
    %dma_wait3A_36 = tpu.memref_slice %arg6[%dma_wait3A_34, %dma_wait3A_35] : memref<163840x128xf32, #tpu.memory_space<hbm>> -> memref<128x128xf32, #tpu.memory_space<hbm>>
    %dma_wait3A_37 = arith.constant 0 : i32
    %dma_wait3A_38 = arith.constant 0 : i32
    %dma_wait3A_39 = tpu.memref_slice %arg6[%dma_wait3A_37, %dma_wait3A_38] : memref<163840x128xf32, #tpu.memory_space<hbm>> -> memref<128x128xf32, #tpu.memory_space<hbm>>
    %dma_wait3A_40 = arith.constant 0 : i32
    %dma_wait3A_41 = arith.constant 0 : i32
    %dma_wait3A_42 = tpu.memref_slice %arg9[%dma_wait3A, %dma_wait3A_40, %dma_wait3A_41] : memref<4x128x128xf32, #tpu.memory_space<vmem>> -> memref<1x128x128xf32, #tpu.memory_space<vmem>>
    %dma_wait3A_43 = tpu.memref_squeeze %dma_wait3A_42 : memref<1x128x128xf32, #tpu.memory_space<vmem>> -> memref<128x128xf32, #tpu.memory_space<vmem>>
    tpu.wait_dma2 semaphore(%arg14 : memref<!tpu.dma_semaphore, #tpu.memory_space<semaphore_mem>>) src(%dma_wait3A_43 : memref<128x128xf32, #tpu.memory_space<vmem>>) dst(%dma_wait3A_39 : memref<128x128xf32, #tpu.memory_space<hbm>>)
    %dma_wait3A_44 = arith.constant 1 : i32
    %dma_wait3A_45 = arith.constant 0 : i32
    %dma_wait3A_46 = arith.constant 0 : i32
    %dma_wait3A_47 = tpu.memref_slice %arg9[%dma_wait3A_44, %dma_wait3A_45, %dma_wait3A_46] : memref<4x128x128xf32, #tpu.memory_space<vmem>> -> memref<1x128x128xf32, #tpu.memory_space<vmem>>
    %dma_wait3A_48 = tpu.memref_squeeze %dma_wait3A_47 : memref<1x128x128xf32, #tpu.memory_space<vmem>> -> memref<128x128xf32, #tpu.memory_space<vmem>>
    %dma_wait3A_49 = arith.constant 0 : i32
    %dma_wait3A_50 = arith.constant 0 : i32
    %dma_wait3A_51 = tpu.memref_slice %arg6[%dma_wait3A_49, %dma_wait3A_50] : memref<163840x128xf32, #tpu.memory_space<hbm>> -> memref<128x128xf32, #tpu.memory_space<hbm>>
    %dma_wait3A_52 = arith.constant 0 : i32
    %dma_wait3A_53 = arith.constant 0 : i32
    %dma_wait3A_54 = tpu.memref_slice %arg6[%dma_wait3A_52, %dma_wait3A_53] : memref<163840x128xf32, #tpu.memory_space<hbm>> -> memref<128x128xf32, #tpu.memory_space<hbm>>
    %dma_wait3A_55 = arith.constant 0 : i32
    %dma_wait3A_56 = arith.constant 0 : i32
    %dma_wait3A_57 = tpu.memref_slice %arg9[%dma_wait3A_44, %dma_wait3A_55, %dma_wait3A_56] : memref<4x128x128xf32, #tpu.memory_space<vmem>> -> memref<1x128x128xf32, #tpu.memory_space<vmem>>
    %dma_wait3A_58 = tpu.memref_squeeze %dma_wait3A_57 : memref<1x128x128xf32, #tpu.memory_space<vmem>> -> memref<128x128xf32, #tpu.memory_space<vmem>>
    tpu.wait_dma2 semaphore(%arg15 : memref<!tpu.dma_semaphore, #tpu.memory_space<semaphore_mem>>) src(%dma_wait3A_58 : memref<128x128xf32, #tpu.memory_space<vmem>>) dst(%dma_wait3A_54 : memref<128x128xf32, #tpu.memory_space<hbm>>)
    %dma_wait3A_59 = arith.constant 2 : i32
    %dma_wait3A_60 = arith.constant 0 : i32
    %dma_wait3A_61 = arith.constant 0 : i32
    %dma_wait3A_62 = tpu.memref_slice %arg9[%dma_wait3A_59, %dma_wait3A_60, %dma_wait3A_61] : memref<4x128x128xf32, #tpu.memory_space<vmem>> -> memref<1x128x128xf32, #tpu.memory_space<vmem>>
    %dma_wait3A_63 = tpu.memref_squeeze %dma_wait3A_62 : memref<1x128x128xf32, #tpu.memory_space<vmem>> -> memref<128x128xf32, #tpu.memory_space<vmem>>
    %dma_wait3A_64 = arith.constant 0 : i32
    %dma_wait3A_65 = arith.constant 0 : i32
    %dma_wait3A_66 = tpu.memref_slice %arg6[%dma_wait3A_64, %dma_wait3A_65] : memref<163840x128xf32, #tpu.memory_space<hbm>> -> memref<128x128xf32, #tpu.memory_space<hbm>>
    %dma_wait3A_67 = arith.constant 0 : i32
    %dma_wait3A_68 = arith.constant 0 : i32
    %dma_wait3A_69 = tpu.memref_slice %arg6[%dma_wait3A_67, %dma_wait3A_68] : memref<163840x128xf32, #tpu.memory_space<hbm>> -> memref<128x128xf32, #tpu.memory_space<hbm>>
    %dma_wait3A_70 = arith.constant 0 : i32
    %dma_wait3A_71 = arith.constant 0 : i32
    %dma_wait3A_72 = tpu.memref_slice %arg9[%dma_wait3A_59, %dma_wait3A_70, %dma_wait3A_71] : memref<4x128x128xf32, #tpu.memory_space<vmem>> -> memref<1x128x128xf32, #tpu.memory_space<vmem>>
    %dma_wait3A_73 = tpu.memref_squeeze %dma_wait3A_72 : memref<1x128x128xf32, #tpu.memory_space<vmem>> -> memref<128x128xf32, #tpu.memory_space<vmem>>
    tpu.wait_dma2 semaphore(%arg16 : memref<!tpu.dma_semaphore, #tpu.memory_space<semaphore_mem>>) src(%dma_wait3A_73 : memref<128x128xf32, #tpu.memory_space<vmem>>) dst(%dma_wait3A_69 : memref<128x128xf32, #tpu.memory_space<hbm>>)
    %dma_wait3A_74 = arith.constant 3 : i32
    %dma_wait3A_75 = arith.constant 0 : i32
    %dma_wait3A_76 = arith.constant 0 : i32
    %dma_wait3A_77 = tpu.memref_slice %arg9[%dma_wait3A_74, %dma_wait3A_75, %dma_wait3A_76] : memref<4x128x128xf32, #tpu.memory_space<vmem>> -> memref<1x128x128xf32, #tpu.memory_space<vmem>>
    %dma_wait3A_78 = tpu.memref_squeeze %dma_wait3A_77 : memref<1x128x128xf32, #tpu.memory_space<vmem>> -> memref<128x128xf32, #tpu.memory_space<vmem>>
    %dma_wait3A_79 = arith.constant 0 : i32
    %dma_wait3A_80 = arith.constant 0 : i32
    %dma_wait3A_81 = tpu.memref_slice %arg6[%dma_wait3A_79, %dma_wait3A_80] : memref<163840x128xf32, #tpu.memory_space<hbm>> -> memref<128x128xf32, #tpu.memory_space<hbm>>
    %dma_wait3A_82 = arith.constant 0 : i32
    %dma_wait3A_83 = arith.constant 0 : i32
    %dma_wait3A_84 = tpu.memref_slice %arg6[%dma_wait3A_82, %dma_wait3A_83] : memref<163840x128xf32, #tpu.memory_space<hbm>> -> memref<128x128xf32, #tpu.memory_space<hbm>>
    %dma_wait3A_85 = arith.constant 0 : i32
    %dma_wait3A_86 = arith.constant 0 : i32
    %dma_wait3A_87 = tpu.memref_slice %arg9[%dma_wait3A_74, %dma_wait3A_85, %dma_wait3A_86] : memref<4x128x128xf32, #tpu.memory_space<vmem>> -> memref<1x128x128xf32, #tpu.memory_space<vmem>>
    %dma_wait3A_88 = tpu.memref_squeeze %dma_wait3A_87 : memref<1x128x128xf32, #tpu.memory_space<vmem>> -> memref<128x128xf32, #tpu.memory_space<vmem>>
    tpu.wait_dma2 semaphore(%arg17 : memref<!tpu.dma_semaphore, #tpu.memory_space<semaphore_mem>>) src(%dma_wait3A_88 : memref<128x128xf32, #tpu.memory_space<vmem>>) dst(%dma_wait3A_84 : memref<128x128xf32, #tpu.memory_space<hbm>>)
    return
  }
}

#map = affine_map<(d0, d1) -> (0, 0)>
#map1 = affine_map<(d0, d1) -> (0, 0, 0)>
module attributes {stable_mosaic.version = 14 : i64} {
  func.func @sk(%arg0: i32, %arg1: i32, %arg2: memref<163840x128xf32, #tpu.memory_space<hbm>>, %arg3: memref<1280x128xi32, #tpu.memory_space<hbm>>, %arg4: memref<10240x128xf32, #tpu.memory_space<hbm>>, %arg5: memref<2x10240x128xf32, #tpu.memory_space<hbm>>, %arg6: memref<40x128xi32, #tpu.memory_space<vmem>>, %arg7: memref<2x128x128xf32, #tpu.memory_space<vmem>>, %arg8: memref<10240x128xf32, #tpu.memory_space<vmem_shared>>, %arg9: memref<!tpu.dma_semaphore, #tpu.memory_space<semaphore_mem>>, %arg10: memref<!tpu.dma_semaphore, #tpu.memory_space<semaphore_mem>>) attributes {dimension_semantics = [#tpu.dimension_semantics<core_parallel>, #tpu.dimension_semantics<subcore_parallel>], iteration_bounds = array<i64: 2, 16>, scalar_prefetch = 0 : i64, scratch_operands = 5 : i64, tpu.core_type = #tpu.core_type<sc_vector_subcore>, window_params = [{transform_indices = #map}, {transform_indices = #map}, {transform_indices = #map}, {transform_indices = #map1}]} {
    %mul3A = arith.constant 2 : i32
    %mul3A_0 = arith.muli %arg1, %mul3A : i32
    %add3A = arith.addi %mul3A_0, %arg0 : i32
    %mul3A_1 = arith.constant 40 : i32
    %mul3A_2 = arith.muli %add3A, %mul3A_1 : i32
    %mul3A_3 = arith.constant 640 : i32
    %mul3A_4 = arith.muli %arg1, %mul3A_3 : i32
    %mul3A_5 = arith.constant 640 : i32
    %mul3A_6 = arith.muli %arg1, %mul3A_5 : i32
    "tpu.region"() ({
      %run_scoped3A = tpu.sem_alloc : memref<!tpu.dma_semaphore, #tpu.memory_space<semaphore_mem>>
      %dma_start3A_32 = arith.constant 0 : i32
      %dma_start3A_33 = tpu.memref_slice %arg8[%mul3A_6, %dma_start3A_32] : memref<10240x128xf32, #tpu.memory_space<vmem_shared>> -> memref<640x128xf32, #tpu.memory_space<vmem_shared>>
      %dma_start3A_34 = arith.constant 0 : i32
      %dma_start3A_35 = tpu.memref_slice %arg4[%mul3A_4, %dma_start3A_34] : memref<10240x128xf32, #tpu.memory_space<hbm>> -> memref<640x128xf32, #tpu.memory_space<hbm>>
      tpu.enqueue_dma source(%dma_start3A_35 : memref<640x128xf32, #tpu.memory_space<hbm>>) target(%dma_start3A_33 : memref<640x128xf32, #tpu.memory_space<vmem_shared>>) target_semaphore(%run_scoped3A : memref<!tpu.dma_semaphore, #tpu.memory_space<semaphore_mem>>)
      %dma_wait3A = arith.constant 0 : i32
      %dma_wait3A_36 = tpu.memref_slice %arg8[%mul3A_6, %dma_wait3A] : memref<10240x128xf32, #tpu.memory_space<vmem_shared>> -> memref<640x128xf32, #tpu.memory_space<vmem_shared>>
      %dma_wait3A_37 = arith.constant 0 : i32
      %dma_wait3A_38 = tpu.memref_slice %arg4[%mul3A_4, %dma_wait3A_37] : memref<10240x128xf32, #tpu.memory_space<hbm>> -> memref<640x128xf32, #tpu.memory_space<hbm>>
      tpu.wait_dma2 semaphore(%run_scoped3A : memref<!tpu.dma_semaphore, #tpu.memory_space<semaphore_mem>>) src(%dma_wait3A_38 : memref<640x128xf32, #tpu.memory_space<hbm>>) dst(%dma_wait3A_36 : memref<640x128xf32, #tpu.memory_space<vmem_shared>>)
      tpu.yield
    }) : () -> ()
    "tpu.region"() ({
      %run_scoped3A = tpu.sem_alloc : memref<!tpu.dma_semaphore, #tpu.memory_space<semaphore_mem>>
      %dma_start3A_32 = arith.constant 0 : i32
      %dma_start3A_33 = tpu.memref_slice %arg3[%mul3A_2, %dma_start3A_32] : memref<1280x128xi32, #tpu.memory_space<hbm>> -> memref<40x128xi32, #tpu.memory_space<hbm>>
      %dma_start3A_34 = arith.constant 0 : i32
      %dma_start3A_35 = tpu.memref_slice %arg3[%mul3A_2, %dma_start3A_34] : memref<1280x128xi32, #tpu.memory_space<hbm>> -> memref<40x128xi32, #tpu.memory_space<hbm>>
      tpu.enqueue_dma source(%dma_start3A_35 : memref<40x128xi32, #tpu.memory_space<hbm>>) target(%arg6 : memref<40x128xi32, #tpu.memory_space<vmem>>) target_semaphore(%run_scoped3A : memref<!tpu.dma_semaphore, #tpu.memory_space<semaphore_mem>>)
      %dma_wait3A = arith.constant 0 : i32
      %dma_wait3A_36 = tpu.memref_slice %arg3[%mul3A_2, %dma_wait3A] : memref<1280x128xi32, #tpu.memory_space<hbm>> -> memref<40x128xi32, #tpu.memory_space<hbm>>
      %dma_wait3A_37 = arith.constant 0 : i32
      %dma_wait3A_38 = tpu.memref_slice %arg3[%mul3A_2, %dma_wait3A_37] : memref<1280x128xi32, #tpu.memory_space<hbm>> -> memref<40x128xi32, #tpu.memory_space<hbm>>
      tpu.wait_dma2 semaphore(%run_scoped3A : memref<!tpu.dma_semaphore, #tpu.memory_space<semaphore_mem>>) src(%dma_wait3A_38 : memref<40x128xi32, #tpu.memory_space<hbm>>) dst(%arg6 : memref<40x128xi32, #tpu.memory_space<vmem>>)
      tpu.yield
    }) : () -> ()
    %barrier3A = arith.constant 0 : index
    tpu.barrier barrier_id(%barrier3A)
    %add3A_7 = arith.constant 0 : i32
    %add3A_8 = arith.addi %mul3A_2, %add3A_7 : i32
    %mul3A_9 = arith.constant 128 : i32
    %mul3A_10 = arith.muli %add3A_8, %mul3A_9 : i32
    %dma_start3A = arith.constant 0 : i32
    %dma_start3A_11 = arith.constant 0 : i32
    %dma_start3A_12 = arith.constant 0 : i32
    %dma_start3A_13 = tpu.memref_slice %arg7[%dma_start3A, %dma_start3A_11, %dma_start3A_12] : memref<2x128x128xf32, #tpu.memory_space<vmem>> -> memref<1x128x128xf32, #tpu.memory_space<vmem>>
    %dma_start3A_14 = tpu.memref_squeeze %dma_start3A_13 : memref<1x128x128xf32, #tpu.memory_space<vmem>> -> memref<128x128xf32, #tpu.memory_space<vmem>>
    %dma_start3A_15 = arith.constant 0 : i32
    %dma_start3A_16 = tpu.memref_slice %arg2[%mul3A_10, %dma_start3A_15] : memref<163840x128xf32, #tpu.memory_space<hbm>> -> memref<128x128xf32, #tpu.memory_space<hbm>>
    %dma_start3A_17 = arith.constant 0 : i32
    %dma_start3A_18 = arith.constant 0 : i32
    %dma_start3A_19 = tpu.memref_slice %arg7[%dma_start3A, %dma_start3A_17, %dma_start3A_18] : memref<2x128x128xf32, #tpu.memory_space<vmem>> -> memref<1x128x128xf32, #tpu.memory_space<vmem>>
    %dma_start3A_20 = tpu.memref_squeeze %dma_start3A_19 : memref<1x128x128xf32, #tpu.memory_space<vmem>> -> memref<128x128xf32, #tpu.memory_space<vmem>>
    %dma_start3A_21 = arith.constant 0 : i32
    %dma_start3A_22 = tpu.memref_slice %arg2[%mul3A_10, %dma_start3A_21] : memref<163840x128xf32, #tpu.memory_space<hbm>> -> memref<128x128xf32, #tpu.memory_space<hbm>>
    tpu.enqueue_dma source(%dma_start3A_22 : memref<128x128xf32, #tpu.memory_space<hbm>>) target(%dma_start3A_20 : memref<128x128xf32, #tpu.memory_space<vmem>>) target_semaphore(%arg9 : memref<!tpu.dma_semaphore, #tpu.memory_space<semaphore_mem>>)
    %scan3A = arith.constant 0 : i32
    %scan3A_23 = arith.constant 20 : i32
    %scan3A_24 = arith.addi %scan3A, %scan3A_23 : i32
    %scan3A_25 = arith.constant 1 : i32
    scf.for %scan3A_32 = %scan3A to %scan3A_24 step %scan3A_25  : i32 {
      %mul3A_33 = arith.constant 2 : i32
      %mul3A_34 = arith.muli %scan3A_32, %mul3A_33 : i32
      %add3A_35 = arith.constant 0 : i32
      %add3A_36 = arith.addi %add3A_35, %mul3A_34 : i32
      %add3A_37 = arith.constant 1 : i32
      %add3A_38 = arith.addi %add3A_36, %add3A_37 : i32
      %add3A_39 = arith.addi %mul3A_2, %add3A_38 : i32
      %mul3A_40 = arith.constant 128 : i32
      %mul3A_41 = arith.muli %add3A_39, %mul3A_40 : i32
      %dma_start3A_42 = arith.constant 1 : i32
      %dma_start3A_43 = arith.constant 0 : i32
      %dma_start3A_44 = arith.constant 0 : i32
      %dma_start3A_45 = tpu.memref_slice %arg7[%dma_start3A_42, %dma_start3A_43, %dma_start3A_44] : memref<2x128x128xf32, #tpu.memory_space<vmem>> -> memref<1x128x128xf32, #tpu.memory_space<vmem>>
      %dma_start3A_46 = tpu.memref_squeeze %dma_start3A_45 : memref<1x128x128xf32, #tpu.memory_space<vmem>> -> memref<128x128xf32, #tpu.memory_space<vmem>>
      %dma_start3A_47 = arith.constant 0 : i32
      %dma_start3A_48 = tpu.memref_slice %arg2[%mul3A_41, %dma_start3A_47] : memref<163840x128xf32, #tpu.memory_space<hbm>> -> memref<128x128xf32, #tpu.memory_space<hbm>>
      %dma_start3A_49 = arith.constant 0 : i32
      %dma_start3A_50 = arith.constant 0 : i32
      %dma_start3A_51 = tpu.memref_slice %arg7[%dma_start3A_42, %dma_start3A_49, %dma_start3A_50] : memref<2x128x128xf32, #tpu.memory_space<vmem>> -> memref<1x128x128xf32, #tpu.memory_space<vmem>>
      %dma_start3A_52 = tpu.memref_squeeze %dma_start3A_51 : memref<1x128x128xf32, #tpu.memory_space<vmem>> -> memref<128x128xf32, #tpu.memory_space<vmem>>
      %dma_start3A_53 = arith.constant 0 : i32
      %dma_start3A_54 = tpu.memref_slice %arg2[%mul3A_41, %dma_start3A_53] : memref<163840x128xf32, #tpu.memory_space<hbm>> -> memref<128x128xf32, #tpu.memory_space<hbm>>
      tpu.enqueue_dma source(%dma_start3A_54 : memref<128x128xf32, #tpu.memory_space<hbm>>) target(%dma_start3A_52 : memref<128x128xf32, #tpu.memory_space<vmem>>) target_semaphore(%arg10 : memref<!tpu.dma_semaphore, #tpu.memory_space<semaphore_mem>>)
      %dma_wait3A = arith.constant 0 : i32
      %dma_wait3A_55 = arith.constant 0 : i32
      %dma_wait3A_56 = arith.constant 0 : i32
      %dma_wait3A_57 = tpu.memref_slice %arg7[%dma_wait3A, %dma_wait3A_55, %dma_wait3A_56] : memref<2x128x128xf32, #tpu.memory_space<vmem>> -> memref<1x128x128xf32, #tpu.memory_space<vmem>>
      %dma_wait3A_58 = tpu.memref_squeeze %dma_wait3A_57 : memref<1x128x128xf32, #tpu.memory_space<vmem>> -> memref<128x128xf32, #tpu.memory_space<vmem>>
      %dma_wait3A_59 = arith.constant 0 : i32
      %dma_wait3A_60 = arith.constant 0 : i32
      %dma_wait3A_61 = tpu.memref_slice %arg2[%dma_wait3A_59, %dma_wait3A_60] : memref<163840x128xf32, #tpu.memory_space<hbm>> -> memref<128x128xf32, #tpu.memory_space<hbm>>
      %dma_wait3A_62 = arith.constant 0 : i32
      %dma_wait3A_63 = arith.constant 0 : i32
      %dma_wait3A_64 = tpu.memref_slice %arg7[%dma_wait3A, %dma_wait3A_62, %dma_wait3A_63] : memref<2x128x128xf32, #tpu.memory_space<vmem>> -> memref<1x128x128xf32, #tpu.memory_space<vmem>>
      %dma_wait3A_65 = tpu.memref_squeeze %dma_wait3A_64 : memref<1x128x128xf32, #tpu.memory_space<vmem>> -> memref<128x128xf32, #tpu.memory_space<vmem>>
      %dma_wait3A_66 = arith.constant 0 : i32
      %dma_wait3A_67 = arith.constant 0 : i32
      %dma_wait3A_68 = tpu.memref_slice %arg2[%dma_wait3A_66, %dma_wait3A_67] : memref<163840x128xf32, #tpu.memory_space<hbm>> -> memref<128x128xf32, #tpu.memory_space<hbm>>
      tpu.wait_dma2 semaphore(%arg9 : memref<!tpu.dma_semaphore, #tpu.memory_space<semaphore_mem>>) src(%dma_wait3A_68 : memref<128x128xf32, #tpu.memory_space<hbm>>) dst(%dma_wait3A_65 : memref<128x128xf32, #tpu.memory_space<vmem>>)
      %run_scoped3A = arith.constant 0 : i32
      "tpu.region"() ({
        %run_scoped3A_91 = tpu.sem_alloc : memref<!tpu.dma_semaphore, #tpu.memory_space<semaphore_mem>>
        %dma_start3A_92 = arith.constant 0 : i32
        %dma_start3A_93 = arith.constant 0 : i32
        %dma_start3A_94 = tpu.memref_slice %arg7[%run_scoped3A, %dma_start3A_92, %dma_start3A_93] : memref<2x128x128xf32, #tpu.memory_space<vmem>> -> memref<1x128x128xf32, #tpu.memory_space<vmem>>
        %dma_start3A_95 = tpu.memref_squeeze %dma_start3A_94 : memref<1x128x128xf32, #tpu.memory_space<vmem>> -> memref<128x128xf32, #tpu.memory_space<vmem>>
        %dma_start3A_96 = arith.constant 0 : i32
        %dma_start3A_97 = tpu.memref_slice %arg6[%add3A_36, %dma_start3A_96] : memref<40x128xi32, #tpu.memory_space<vmem>> -> memref<1x128xi32, #tpu.memory_space<vmem>>
        %dma_start3A_98 = tpu.memref_squeeze %dma_start3A_97 : memref<1x128xi32, #tpu.memory_space<vmem>> -> memref<128xi32, #tpu.memory_space<vmem>>
        %dma_start3A_99 = arith.constant 0 : i32
        %dma_start3A_100 = arith.constant 0 : i32
        %dma_start3A_101 = tpu.memref_slice %arg8[%dma_start3A_99, %dma_start3A_100] : memref<10240x128xf32, #tpu.memory_space<vmem_shared>> -> memref<10240x128xf32, #tpu.memory_space<vmem_shared>>
        tpu.enqueue_indirect_dma source(%dma_start3A_95 : memref<128x128xf32, #tpu.memory_space<vmem>>) target(%dma_start3A_101 : memref<10240x128xf32, #tpu.memory_space<vmem_shared>>) offsets(%dma_start3A_98 : memref<128xi32, #tpu.memory_space<vmem>>) semaphore(%run_scoped3A_91 : memref<!tpu.dma_semaphore, #tpu.memory_space<semaphore_mem>>) {add = true}
        %dma_wait3A_102 = arith.constant 0 : i32
        %dma_wait3A_103 = arith.constant 0 : i32
        %dma_wait3A_104 = tpu.memref_slice %arg7[%run_scoped3A, %dma_wait3A_102, %dma_wait3A_103] : memref<2x128x128xf32, #tpu.memory_space<vmem>> -> memref<1x128x128xf32, #tpu.memory_space<vmem>>
        %dma_wait3A_105 = tpu.memref_squeeze %dma_wait3A_104 : memref<1x128x128xf32, #tpu.memory_space<vmem>> -> memref<128x128xf32, #tpu.memory_space<vmem>>
        %dma_wait3A_106 = arith.constant 0 : i32
        %dma_wait3A_107 = tpu.memref_slice %arg6[%add3A_36, %dma_wait3A_106] : memref<40x128xi32, #tpu.memory_space<vmem>> -> memref<1x128xi32, #tpu.memory_space<vmem>>
        %dma_wait3A_108 = tpu.memref_squeeze %dma_wait3A_107 : memref<1x128xi32, #tpu.memory_space<vmem>> -> memref<128xi32, #tpu.memory_space<vmem>>
        %dma_wait3A_109 = arith.constant 0 : i32
        %dma_wait3A_110 = arith.constant 0 : i32
        %dma_wait3A_111 = tpu.memref_slice %arg8[%dma_wait3A_109, %dma_wait3A_110] : memref<10240x128xf32, #tpu.memory_space<vmem_shared>> -> memref<10240x128xf32, #tpu.memory_space<vmem_shared>>
        tpu.wait_indirect_dma semaphore(%run_scoped3A_91 : memref<!tpu.dma_semaphore, #tpu.memory_space<semaphore_mem>>) src(%dma_wait3A_105 : memref<128x128xf32, #tpu.memory_space<vmem>>) dst(%dma_wait3A_111 : memref<10240x128xf32, #tpu.memory_space<vmem_shared>>)
        tpu.yield
      }) : () -> ()
      %add3A_69 = arith.constant 2 : i32
      %add3A_70 = arith.addi %add3A_36, %add3A_69 : i32
      %lt3A = arith.constant 40 : i32
      %lt3A_71 = arith.cmpi slt, %add3A_70, %lt3A : i32
      %convert_element_type3A = arith.extui %lt3A_71 : i1 to i32
      %cond3A = arith.constant 0 : i32
      %cond3A_72 = arith.cmpi ne, %convert_element_type3A, %cond3A : i32
      scf.if %cond3A_72 {
        %add3A_91 = arith.constant 2 : i32
        %add3A_92 = arith.addi %add3A_36, %add3A_91 : i32
        %add3A_93 = arith.addi %mul3A_2, %add3A_92 : i32
        %mul3A_94 = arith.constant 128 : i32
        %mul3A_95 = arith.muli %add3A_93, %mul3A_94 : i32
        %dma_start3A_96 = arith.constant 0 : i32
        %dma_start3A_97 = arith.constant 0 : i32
        %dma_start3A_98 = arith.constant 0 : i32
        %dma_start3A_99 = tpu.memref_slice %arg7[%dma_start3A_96, %dma_start3A_97, %dma_start3A_98] : memref<2x128x128xf32, #tpu.memory_space<vmem>> -> memref<1x128x128xf32, #tpu.memory_space<vmem>>
        %dma_start3A_100 = tpu.memref_squeeze %dma_start3A_99 : memref<1x128x128xf32, #tpu.memory_space<vmem>> -> memref<128x128xf32, #tpu.memory_space<vmem>>
        %dma_start3A_101 = arith.constant 0 : i32
        %dma_start3A_102 = tpu.memref_slice %arg2[%mul3A_95, %dma_start3A_101] : memref<163840x128xf32, #tpu.memory_space<hbm>> -> memref<128x128xf32, #tpu.memory_space<hbm>>
        %dma_start3A_103 = arith.constant 0 : i32
        %dma_start3A_104 = arith.constant 0 : i32
        %dma_start3A_105 = tpu.memref_slice %arg7[%dma_start3A_96, %dma_start3A_103, %dma_start3A_104] : memref<2x128x128xf32, #tpu.memory_space<vmem>> -> memref<1x128x128xf32, #tpu.memory_space<vmem>>
        %dma_start3A_106 = tpu.memref_squeeze %dma_start3A_105 : memref<1x128x128xf32, #tpu.memory_space<vmem>> -> memref<128x128xf32, #tpu.memory_space<vmem>>
        %dma_start3A_107 = arith.constant 0 : i32
        %dma_start3A_108 = tpu.memref_slice %arg2[%mul3A_95, %dma_start3A_107] : memref<163840x128xf32, #tpu.memory_space<hbm>> -> memref<128x128xf32, #tpu.memory_space<hbm>>
        tpu.enqueue_dma source(%dma_start3A_108 : memref<128x128xf32, #tpu.memory_space<hbm>>) target(%dma_start3A_106 : memref<128x128xf32, #tpu.memory_space<vmem>>) target_semaphore(%arg9 : memref<!tpu.dma_semaphore, #tpu.memory_space<semaphore_mem>>)
      } else {
      }
      %dma_wait3A_73 = arith.constant 1 : i32
      %dma_wait3A_74 = arith.constant 0 : i32
      %dma_wait3A_75 = arith.constant 0 : i32
      %dma_wait3A_76 = tpu.memref_slice %arg7[%dma_wait3A_73, %dma_wait3A_74, %dma_wait3A_75] : memref<2x128x128xf32, #tpu.memory_space<vmem>> -> memref<1x128x128xf32, #tpu.memory_space<vmem>>
      %dma_wait3A_77 = tpu.memref_squeeze %dma_wait3A_76 : memref<1x128x128xf32, #tpu.memory_space<vmem>> -> memref<128x128xf32, #tpu.memory_space<vmem>>
      %dma_wait3A_78 = arith.constant 0 : i32
      %dma_wait3A_79 = arith.constant 0 : i32
      %dma_wait3A_80 = tpu.memref_slice %arg2[%dma_wait3A_78, %dma_wait3A_79] : memref<163840x128xf32, #tpu.memory_space<hbm>> -> memref<128x128xf32, #tpu.memory_space<hbm>>
      %dma_wait3A_81 = arith.constant 0 : i32
      %dma_wait3A_82 = arith.constant 0 : i32
      %dma_wait3A_83 = tpu.memref_slice %arg7[%dma_wait3A_73, %dma_wait3A_81, %dma_wait3A_82] : memref<2x128x128xf32, #tpu.memory_space<vmem>> -> memref<1x128x128xf32, #tpu.memory_space<vmem>>
      %dma_wait3A_84 = tpu.memref_squeeze %dma_wait3A_83 : memref<1x128x128xf32, #tpu.memory_space<vmem>> -> memref<128x128xf32, #tpu.memory_space<vmem>>
      %dma_wait3A_85 = arith.constant 0 : i32
      %dma_wait3A_86 = arith.constant 0 : i32
      %dma_wait3A_87 = tpu.memref_slice %arg2[%dma_wait3A_85, %dma_wait3A_86] : memref<163840x128xf32, #tpu.memory_space<hbm>> -> memref<128x128xf32, #tpu.memory_space<hbm>>
      tpu.wait_dma2 semaphore(%arg10 : memref<!tpu.dma_semaphore, #tpu.memory_space<semaphore_mem>>) src(%dma_wait3A_87 : memref<128x128xf32, #tpu.memory_space<hbm>>) dst(%dma_wait3A_84 : memref<128x128xf32, #tpu.memory_space<vmem>>)
      %add3A_88 = arith.constant 1 : i32
      %add3A_89 = arith.addi %add3A_36, %add3A_88 : i32
      %run_scoped3A_90 = arith.constant 1 : i32
      "tpu.region"() ({
        %run_scoped3A_91 = tpu.sem_alloc : memref<!tpu.dma_semaphore, #tpu.memory_space<semaphore_mem>>
        %dma_start3A_92 = arith.constant 0 : i32
        %dma_start3A_93 = arith.constant 0 : i32
        %dma_start3A_94 = tpu.memref_slice %arg7[%run_scoped3A_90, %dma_start3A_92, %dma_start3A_93] : memref<2x128x128xf32, #tpu.memory_space<vmem>> -> memref<1x128x128xf32, #tpu.memory_space<vmem>>
        %dma_start3A_95 = tpu.memref_squeeze %dma_start3A_94 : memref<1x128x128xf32, #tpu.memory_space<vmem>> -> memref<128x128xf32, #tpu.memory_space<vmem>>
        %dma_start3A_96 = arith.constant 0 : i32
        %dma_start3A_97 = tpu.memref_slice %arg6[%add3A_89, %dma_start3A_96] : memref<40x128xi32, #tpu.memory_space<vmem>> -> memref<1x128xi32, #tpu.memory_space<vmem>>
        %dma_start3A_98 = tpu.memref_squeeze %dma_start3A_97 : memref<1x128xi32, #tpu.memory_space<vmem>> -> memref<128xi32, #tpu.memory_space<vmem>>
        %dma_start3A_99 = arith.constant 0 : i32
        %dma_start3A_100 = arith.constant 0 : i32
        %dma_start3A_101 = tpu.memref_slice %arg8[%dma_start3A_99, %dma_start3A_100] : memref<10240x128xf32, #tpu.memory_space<vmem_shared>> -> memref<10240x128xf32, #tpu.memory_space<vmem_shared>>
        tpu.enqueue_indirect_dma source(%dma_start3A_95 : memref<128x128xf32, #tpu.memory_space<vmem>>) target(%dma_start3A_101 : memref<10240x128xf32, #tpu.memory_space<vmem_shared>>) offsets(%dma_start3A_98 : memref<128xi32, #tpu.memory_space<vmem>>) semaphore(%run_scoped3A_91 : memref<!tpu.dma_semaphore, #tpu.memory_space<semaphore_mem>>) {add = true}
        %dma_wait3A_102 = arith.constant 0 : i32
        %dma_wait3A_103 = arith.constant 0 : i32
        %dma_wait3A_104 = tpu.memref_slice %arg7[%run_scoped3A_90, %dma_wait3A_102, %dma_wait3A_103] : memref<2x128x128xf32, #tpu.memory_space<vmem>> -> memref<1x128x128xf32, #tpu.memory_space<vmem>>
        %dma_wait3A_105 = tpu.memref_squeeze %dma_wait3A_104 : memref<1x128x128xf32, #tpu.memory_space<vmem>> -> memref<128x128xf32, #tpu.memory_space<vmem>>
        %dma_wait3A_106 = arith.constant 0 : i32
        %dma_wait3A_107 = tpu.memref_slice %arg6[%add3A_89, %dma_wait3A_106] : memref<40x128xi32, #tpu.memory_space<vmem>> -> memref<1x128xi32, #tpu.memory_space<vmem>>
        %dma_wait3A_108 = tpu.memref_squeeze %dma_wait3A_107 : memref<1x128xi32, #tpu.memory_space<vmem>> -> memref<128xi32, #tpu.memory_space<vmem>>
        %dma_wait3A_109 = arith.constant 0 : i32
        %dma_wait3A_110 = arith.constant 0 : i32
        %dma_wait3A_111 = tpu.memref_slice %arg8[%dma_wait3A_109, %dma_wait3A_110] : memref<10240x128xf32, #tpu.memory_space<vmem_shared>> -> memref<10240x128xf32, #tpu.memory_space<vmem_shared>>
        tpu.wait_indirect_dma semaphore(%run_scoped3A_91 : memref<!tpu.dma_semaphore, #tpu.memory_space<semaphore_mem>>) src(%dma_wait3A_105 : memref<128x128xf32, #tpu.memory_space<vmem>>) dst(%dma_wait3A_111 : memref<10240x128xf32, #tpu.memory_space<vmem_shared>>)
        tpu.yield
      }) : () -> ()
    }
    %scan3A_26 = arith.constant 20 : i32
    %barrier3A_27 = arith.constant 0 : index
    tpu.barrier barrier_id(%barrier3A_27)
    %mul3A_28 = arith.constant 640 : i32
    %mul3A_29 = arith.muli %arg1, %mul3A_28 : i32
    %mul3A_30 = arith.constant 640 : i32
    %mul3A_31 = arith.muli %arg1, %mul3A_30 : i32
    "tpu.region"() ({
      %run_scoped3A = tpu.sem_alloc : memref<!tpu.dma_semaphore, #tpu.memory_space<semaphore_mem>>
      %dma_start3A_32 = arith.constant 0 : i32
      %dma_start3A_33 = tpu.memref_slice %arg5[%arg0, %mul3A_31, %dma_start3A_32] : memref<2x10240x128xf32, #tpu.memory_space<hbm>> -> memref<1x640x128xf32, #tpu.memory_space<hbm>>
      %dma_start3A_34 = tpu.memref_squeeze %dma_start3A_33 : memref<1x640x128xf32, #tpu.memory_space<hbm>> -> memref<640x128xf32, #tpu.memory_space<hbm>>
      %dma_start3A_35 = arith.constant 0 : i32
      %dma_start3A_36 = tpu.memref_slice %arg8[%mul3A_29, %dma_start3A_35] : memref<10240x128xf32, #tpu.memory_space<vmem_shared>> -> memref<640x128xf32, #tpu.memory_space<vmem_shared>>
      tpu.enqueue_dma source(%dma_start3A_36 : memref<640x128xf32, #tpu.memory_space<vmem_shared>>) target(%dma_start3A_34 : memref<640x128xf32, #tpu.memory_space<hbm>>) target_semaphore(%run_scoped3A : memref<!tpu.dma_semaphore, #tpu.memory_space<semaphore_mem>>)
      %dma_wait3A = arith.constant 0 : i32
      %dma_wait3A_37 = tpu.memref_slice %arg5[%arg0, %mul3A_31, %dma_wait3A] : memref<2x10240x128xf32, #tpu.memory_space<hbm>> -> memref<1x640x128xf32, #tpu.memory_space<hbm>>
      %dma_wait3A_38 = tpu.memref_squeeze %dma_wait3A_37 : memref<1x640x128xf32, #tpu.memory_space<hbm>> -> memref<640x128xf32, #tpu.memory_space<hbm>>
      %dma_wait3A_39 = arith.constant 0 : i32
      %dma_wait3A_40 = tpu.memref_slice %arg8[%mul3A_29, %dma_wait3A_39] : memref<10240x128xf32, #tpu.memory_space<vmem_shared>> -> memref<640x128xf32, #tpu.memory_space<vmem_shared>>
      tpu.wait_dma2 semaphore(%run_scoped3A : memref<!tpu.dma_semaphore, #tpu.memory_space<semaphore_mem>>) src(%dma_wait3A_40 : memref<640x128xf32, #tpu.memory_space<vmem_shared>>) dst(%dma_wait3A_38 : memref<640x128xf32, #tpu.memory_space<hbm>>)
      tpu.yield
    }) : () -> ()
    return
  }
}

module attributes {stable_mosaic.version = 14 : i64} {
  func.func @_enc_body(%arg0: i32, %arg1: memref<1000x128xf32, #tpu.memory_space<vmem>>, %arg2: memref<128x128xf32, #tpu.memory_space<vmem>>, %arg3: memref<1x128xf32, #tpu.memory_space<vmem>>, %arg4: memref<128x128xf32, #tpu.memory_space<vmem>>, %arg5: memref<1x128xf32, #tpu.memory_space<vmem>>, %arg6: memref<128x64xf32, #tpu.memory_space<vmem>>, %arg7: memref<1x64xf32, #tpu.memory_space<vmem>>, %arg8: memref<64x128xf32, #tpu.memory_space<vmem>>, %arg9: memref<64x128xf32, #tpu.memory_space<vmem>>, %arg10: memref<1000x64xf32, #tpu.memory_space<vmem>>, %arg11: memref<1000x128xf32, #tpu.memory_space<vmem>>, %arg12: memref<1000x128xf32, #tpu.memory_space<vmem>>) attributes {dimension_semantics = [#tpu.dimension_semantics<arbitrary>], iteration_bounds = array<i64: 10>, scalar_prefetch = 0 : i64, scratch_operands = 0 : i64, tpu.core_type = #tpu.core_type<tc>, window_params = [{transform_indices = @transform_0, window_bounds = array<i64: 1000, 128>}, {pipeline_mode = #tpu.pipeline_mode<synchronous>, transform_indices = @transform_1, window_bounds = array<i64: 128, 128>}, {pipeline_mode = #tpu.pipeline_mode<synchronous>, transform_indices = @transform_2, window_bounds = array<i64: 1, 128>}, {pipeline_mode = #tpu.pipeline_mode<synchronous>, transform_indices = @transform_3, window_bounds = array<i64: 128, 128>}, {pipeline_mode = #tpu.pipeline_mode<synchronous>, transform_indices = @transform_4, window_bounds = array<i64: 1, 128>}, {pipeline_mode = #tpu.pipeline_mode<synchronous>, transform_indices = @transform_5, window_bounds = array<i64: 128, 64>}, {pipeline_mode = #tpu.pipeline_mode<synchronous>, transform_indices = @transform_6, window_bounds = array<i64: 1, 64>}, {pipeline_mode = #tpu.pipeline_mode<synchronous>, transform_indices = @transform_7, window_bounds = array<i64: 64, 128>}, {pipeline_mode = #tpu.pipeline_mode<synchronous>, transform_indices = @transform_8, window_bounds = array<i64: 64, 128>}, {transform_indices = @transform_9, window_bounds = array<i64: 1000, 64>}, {transform_indices = @transform_10, window_bounds = array<i64: 1000, 128>}, {transform_indices = @transform_11, window_bounds = array<i64: 1000, 128>}]} {
    %get3A = arith.constant 0 : index
    %get3A_0 = arith.constant 0 : index
    %get3A_1 = vector.load %arg1[%get3A, %get3A_0] : memref<1000x128xf32, #tpu.memory_space<vmem>>, vector<1000x128xf32>
    %get3A_2 = arith.constant 0 : index
    %get3A_3 = arith.constant 0 : index
    %get3A_4 = vector.load %arg2[%get3A_2, %get3A_3] : memref<128x128xf32, #tpu.memory_space<vmem>>, vector<128x128xf32>
    %dot_general3A = arith.constant dense<0.000000e+00> : vector<1000x128xf32>
    %dot_general3A_5 = tpu.matmul %get3A_1, %get3A_4, %dot_general3A {dimension_numbers = #tpu.dot_dimension_numbers<[1], [0], [0], [1], [0, 0, 1, 1], [], []>, transpose_lhs_hint = false} : vector<1000x128xf32>, vector<128x128xf32>, vector<1000x128xf32> -> vector<1000x128xf32>
    %get3A_6 = arith.constant 0 : index
    %get3A_7 = arith.constant 0 : index
    %get3A_8 = vector.load %arg3[%get3A_6, %get3A_7] : memref<1x128xf32, #tpu.memory_space<vmem>>, vector<1x128xf32>
    %add3A = vector.broadcast %get3A_8 : vector<1x128xf32> to vector<1000x128xf32>
    %add3A_9 = arith.addf %dot_general3A_5, %add3A : vector<1000x128xf32>
    %gt3A = arith.constant 0.000000e+00 : f32
    %gt3A_10 = vector.broadcast %gt3A : f32 to vector<1000x128xf32>
    %gt3A_11 = arith.cmpf ogt, %add3A_9, %gt3A_10 : vector<1000x128xf32>
    %min3A = arith.constant 0.000000e+00 : f32
    %min3A_12 = vector.broadcast %min3A : f32 to vector<1000x128xf32>
    %min3A_13 = arith.minimumf %add3A_9, %min3A_12 : vector<1000x128xf32>
    %exp3A = math.exp %min3A_13 : vector<1000x128xf32>
    %sub3A = arith.constant 1.000000e+00 : f32
    %sub3A_14 = vector.broadcast %sub3A : f32 to vector<1000x128xf32>
    %sub3A_15 = arith.subf %exp3A, %sub3A_14 : vector<1000x128xf32>
    %select_n3A = arith.select %gt3A_11, %add3A_9, %sub3A_15 : vector<1000x128xi1>, vector<1000x128xf32>
    %get3A_16 = arith.constant 0 : index
    %get3A_17 = arith.constant 0 : index
    %get3A_18 = vector.load %arg4[%get3A_16, %get3A_17] : memref<128x128xf32, #tpu.memory_space<vmem>>, vector<128x128xf32>
    %dot_general3A_19 = arith.constant dense<0.000000e+00> : vector<1000x128xf32>
    %dot_general3A_20 = tpu.matmul %select_n3A, %get3A_18, %dot_general3A_19 {dimension_numbers = #tpu.dot_dimension_numbers<[1], [0], [0], [1], [0, 0, 1, 1], [], []>, transpose_lhs_hint = false} : vector<1000x128xf32>, vector<128x128xf32>, vector<1000x128xf32> -> vector<1000x128xf32>
    %get3A_21 = arith.constant 0 : index
    %get3A_22 = arith.constant 0 : index
    %get3A_23 = vector.load %arg5[%get3A_21, %get3A_22] : memref<1x128xf32, #tpu.memory_space<vmem>>, vector<1x128xf32>
    %add3A_24 = vector.broadcast %get3A_23 : vector<1x128xf32> to vector<1000x128xf32>
    %add3A_25 = arith.addf %dot_general3A_20, %add3A_24 : vector<1000x128xf32>
    %gt3A_26 = arith.constant 0.000000e+00 : f32
    %gt3A_27 = vector.broadcast %gt3A_26 : f32 to vector<1000x128xf32>
    %gt3A_28 = arith.cmpf ogt, %add3A_25, %gt3A_27 : vector<1000x128xf32>
    %min3A_29 = arith.constant 0.000000e+00 : f32
    %min3A_30 = vector.broadcast %min3A_29 : f32 to vector<1000x128xf32>
    %min3A_31 = arith.minimumf %add3A_25, %min3A_30 : vector<1000x128xf32>
    %exp3A_32 = math.exp %min3A_31 : vector<1000x128xf32>
    %sub3A_33 = arith.constant 1.000000e+00 : f32
    %sub3A_34 = vector.broadcast %sub3A_33 : f32 to vector<1000x128xf32>
    %sub3A_35 = arith.subf %exp3A_32, %sub3A_34 : vector<1000x128xf32>
    %select_n3A_36 = arith.select %gt3A_28, %add3A_25, %sub3A_35 : vector<1000x128xi1>, vector<1000x128xf32>
    %get3A_37 = arith.constant 0 : index
    %get3A_38 = arith.constant 0 : index
    %get3A_39 = vector.load %arg6[%get3A_37, %get3A_38] : memref<128x64xf32, #tpu.memory_space<vmem>>, vector<128x64xf32>
    %dot_general3A_40 = arith.constant dense<0.000000e+00> : vector<1000x64xf32>
    %dot_general3A_41 = tpu.matmul %select_n3A_36, %get3A_39, %dot_general3A_40 {dimension_numbers = #tpu.dot_dimension_numbers<[1], [0], [0], [1], [0, 0, 1, 1], [], []>, transpose_lhs_hint = false} : vector<1000x128xf32>, vector<128x64xf32>, vector<1000x64xf32> -> vector<1000x64xf32>
    %get3A_42 = arith.constant 0 : index
    %get3A_43 = arith.constant 0 : index
    %get3A_44 = vector.load %arg7[%get3A_42, %get3A_43] : memref<1x64xf32, #tpu.memory_space<vmem>>, vector<1x64xf32>
    %add3A_45 = vector.broadcast %get3A_44 : vector<1x64xf32> to vector<1000x64xf32>
    %add3A_46 = arith.addf %dot_general3A_41, %add3A_45 : vector<1000x64xf32>
    %gt3A_47 = arith.constant 0.000000e+00 : f32
    %gt3A_48 = vector.broadcast %gt3A_47 : f32 to vector<1000x64xf32>
    %gt3A_49 = arith.cmpf ogt, %add3A_46, %gt3A_48 : vector<1000x64xf32>
    %min3A_50 = arith.constant 0.000000e+00 : f32
    %min3A_51 = vector.broadcast %min3A_50 : f32 to vector<1000x64xf32>
    %min3A_52 = arith.minimumf %add3A_46, %min3A_51 : vector<1000x64xf32>
    %exp3A_53 = math.exp %min3A_52 : vector<1000x64xf32>
    %sub3A_54 = arith.constant 1.000000e+00 : f32
    %sub3A_55 = vector.broadcast %sub3A_54 : f32 to vector<1000x64xf32>
    %sub3A_56 = arith.subf %exp3A_53, %sub3A_55 : vector<1000x64xf32>
    %select_n3A_57 = arith.select %gt3A_49, %add3A_46, %sub3A_56 : vector<1000x64xi1>, vector<1000x64xf32>
    %swap3A = arith.constant 0 : index
    %swap3A_58 = arith.constant 0 : index
    %swap3A_59 = vector.load %arg10[%swap3A, %swap3A_58] : memref<1000x64xf32, #tpu.memory_space<vmem>>, vector<1000x64xf32>
    tpu.vector_store %arg10[%swap3A, %swap3A_58], %select_n3A_57 {strides = array<i32>} : memref<1000x64xf32, #tpu.memory_space<vmem>>, vector<1000x64xf32>,
    %get3A_60 = arith.constant 0 : index
    %get3A_61 = arith.constant 0 : index
    %get3A_62 = vector.load %arg8[%get3A_60, %get3A_61] : memref<64x128xf32, #tpu.memory_space<vmem>>, vector<64x128xf32>
    %dot_general3A_63 = arith.constant dense<0.000000e+00> : vector<1000x128xf32>
    %dot_general3A_64 = tpu.matmul %select_n3A_57, %get3A_62, %dot_general3A_63 {dimension_numbers = #tpu.dot_dimension_numbers<[1], [0], [0], [1], [0, 0, 1, 1], [], []>, transpose_lhs_hint = false} : vector<1000x64xf32>, vector<64x128xf32>, vector<1000x128xf32> -> vector<1000x128xf32>
    %swap3A_65 = arith.constant 0 : index
    %swap3A_66 = arith.constant 0 : index
    %swap3A_67 = vector.load %arg11[%swap3A_65, %swap3A_66] : memref<1000x128xf32, #tpu.memory_space<vmem>>, vector<1000x128xf32>
    tpu.vector_store %arg11[%swap3A_65, %swap3A_66], %dot_general3A_64 {strides = array<i32>} : memref<1000x128xf32, #tpu.memory_space<vmem>>, vector<1000x128xf32>,
    %get3A_68 = arith.constant 0 : index
    %get3A_69 = arith.constant 0 : index
    %get3A_70 = vector.load %arg9[%get3A_68, %get3A_69] : memref<64x128xf32, #tpu.memory_space<vmem>>, vector<64x128xf32>
    %dot_general3A_71 = arith.constant dense<0.000000e+00> : vector<1000x128xf32>
    %dot_general3A_72 = tpu.matmul %select_n3A_57, %get3A_70, %dot_general3A_71 {dimension_numbers = #tpu.dot_dimension_numbers<[1], [0], [0], [1], [0, 0, 1, 1], [], []>, transpose_lhs_hint = false} : vector<1000x64xf32>, vector<64x128xf32>, vector<1000x128xf32> -> vector<1000x128xf32>
    %swap3A_73 = arith.constant 0 : index
    %swap3A_74 = arith.constant 0 : index
    %swap3A_75 = vector.load %arg12[%swap3A_73, %swap3A_74] : memref<1000x128xf32, #tpu.memory_space<vmem>>, vector<1000x128xf32>
    tpu.vector_store %arg12[%swap3A_73, %swap3A_74], %dot_general3A_72 {strides = array<i32>} : memref<1000x128xf32, #tpu.memory_space<vmem>>, vector<1000x128xf32>,
    return
  }
  func.func @transform_0(%arg0: i32) -> (i32, i32) {
    %c0_i32 = arith.constant 0 : i32
    %c0_i32_0 = arith.constant 0 : i32
    return %arg0, %c0_i32 : i32, i32
  }
  func.func @transform_1(%arg0: i32) -> (i32, i32) {
    %c0_i32 = arith.constant 0 : i32
    %c0_i32_0 = arith.constant 0 : i32
    %c0_i32_1 = arith.constant 0 : i32
    return %c0_i32, %c0_i32_0 : i32, i32
  }
  func.func @transform_2(%arg0: i32) -> (i32, i32) {
    %c0_i32 = arith.constant 0 : i32
    %c0_i32_0 = arith.constant 0 : i32
    %c0_i32_1 = arith.constant 0 : i32
    return %c0_i32, %c0_i32_0 : i32, i32
  }
  func.func @transform_3(%arg0: i32) -> (i32, i32) {
    %c0_i32 = arith.constant 0 : i32
    %c0_i32_0 = arith.constant 0 : i32
    %c0_i32_1 = arith.constant 0 : i32
    return %c0_i32, %c0_i32_0 : i32, i32
  }
  func.func @transform_4(%arg0: i32) -> (i32, i32) {
    %c0_i32 = arith.constant 0 : i32
    %c0_i32_0 = arith.constant 0 : i32
    %c0_i32_1 = arith.constant 0 : i32
    return %c0_i32, %c0_i32_0 : i32, i32
  }
  func.func @transform_5(%arg0: i32) -> (i32, i32) {
    %c0_i32 = arith.constant 0 : i32
    %c0_i32_0 = arith.constant 0 : i32
    %c0_i32_1 = arith.constant 0 : i32
    return %c0_i32, %c0_i32_0 : i32, i32
  }
  func.func @transform_6(%arg0: i32) -> (i32, i32) {
    %c0_i32 = arith.constant 0 : i32
    %c0_i32_0 = arith.constant 0 : i32
    %c0_i32_1 = arith.constant 0 : i32
    return %c0_i32, %c0_i32_0 : i32, i32
  }
  func.func @transform_7(%arg0: i32) -> (i32, i32) {
    %c0_i32 = arith.constant 0 : i32
    %c0_i32_0 = arith.constant 0 : i32
    %c0_i32_1 = arith.constant 0 : i32
    return %c0_i32, %c0_i32_0 : i32, i32
  }
  func.func @transform_8(%arg0: i32) -> (i32, i32) {
    %c0_i32 = arith.constant 0 : i32
    %c0_i32_0 = arith.constant 0 : i32
    %c0_i32_1 = arith.constant 0 : i32
    return %c0_i32, %c0_i32_0 : i32, i32
  }
  func.func @transform_9(%arg0: i32) -> (i32, i32) {
    %c0_i32 = arith.constant 0 : i32
    %c0_i32_0 = arith.constant 0 : i32
    return %arg0, %c0_i32 : i32, i32
  }
  func.func @transform_10(%arg0: i32) -> (i32, i32) {
    %c0_i32 = arith.constant 0 : i32
    %c0_i32_0 = arith.constant 0 : i32
    return %arg0, %c0_i32 : i32, i32
  }
  func.func @transform_11(%arg0: i32) -> (i32, i32) {
    %c0_i32 = arith.constant 0 : i32
    %c0_i32_0 = arith.constant 0 : i32
    return %arg0, %c0_i32 : i32, i32
  }
}

module attributes {stable_mosaic.version = 14 : i64} {
  func.func @_edge_body(%arg0: i32, %arg1: memref<4096x128xf32, #tpu.memory_space<vmem>>, %arg2: memref<4096x16xf32, #tpu.memory_space<vmem>>, %arg3: memref<16x128xf32, #tpu.memory_space<vmem>>, %arg4: memref<1x128xf32, #tpu.memory_space<vmem>>, %arg5: memref<128x128xf32, #tpu.memory_space<vmem>>, %arg6: memref<1x128xf32, #tpu.memory_space<vmem>>, %arg7: memref<4096x128xf32, #tpu.memory_space<vmem>>) attributes {dimension_semantics = [#tpu.dimension_semantics<arbitrary>], iteration_bounds = array<i64: 40>, scalar_prefetch = 0 : i64, scratch_operands = 0 : i64, tpu.core_type = #tpu.core_type<tc>, window_params = [{transform_indices = @transform_0, window_bounds = array<i64: 4096, 128>}, {transform_indices = @transform_1, window_bounds = array<i64: 4096, 16>}, {pipeline_mode = #tpu.pipeline_mode<synchronous>, transform_indices = @transform_2, window_bounds = array<i64: 16, 128>}, {pipeline_mode = #tpu.pipeline_mode<synchronous>, transform_indices = @transform_3, window_bounds = array<i64: 1, 128>}, {pipeline_mode = #tpu.pipeline_mode<synchronous>, transform_indices = @transform_4, window_bounds = array<i64: 128, 128>}, {pipeline_mode = #tpu.pipeline_mode<synchronous>, transform_indices = @transform_5, window_bounds = array<i64: 1, 128>}, {transform_indices = @transform_6, window_bounds = array<i64: 4096, 128>}]} {
    %get3A = arith.constant 0 : index
    %get3A_0 = arith.constant 0 : index
    %get3A_1 = vector.load %arg1[%get3A, %get3A_0] : memref<4096x128xf32, #tpu.memory_space<vmem>>, vector<4096x128xf32>
    %get3A_2 = arith.constant 0 : index
    %get3A_3 = arith.constant 0 : index
    %get3A_4 = vector.load %arg2[%get3A_2, %get3A_3] : memref<4096x16xf32, #tpu.memory_space<vmem>>, vector<4096x16xf32>
    %get3A_5 = arith.constant 0 : index
    %get3A_6 = arith.constant 0 : index
    %get3A_7 = vector.load %arg3[%get3A_5, %get3A_6] : memref<16x128xf32, #tpu.memory_space<vmem>>, vector<16x128xf32>
    %dot_general3A = arith.constant dense<0.000000e+00> : vector<4096x128xf32>
    %dot_general3A_8 = tpu.matmul %get3A_4, %get3A_7, %dot_general3A {dimension_numbers = #tpu.dot_dimension_numbers<[1], [0], [0], [1], [0, 0, 1, 1], [], []>, transpose_lhs_hint = false} : vector<4096x16xf32>, vector<16x128xf32>, vector<4096x128xf32> -> vector<4096x128xf32>
    %add3A = arith.addf %get3A_1, %dot_general3A_8 : vector<4096x128xf32>
    %get3A_9 = arith.constant 0 : index
    %get3A_10 = arith.constant 0 : index
    %get3A_11 = vector.load %arg4[%get3A_9, %get3A_10] : memref<1x128xf32, #tpu.memory_space<vmem>>, vector<1x128xf32>
    %add3A_12 = vector.broadcast %get3A_11 : vector<1x128xf32> to vector<4096x128xf32>
    %add3A_13 = arith.addf %add3A, %add3A_12 : vector<4096x128xf32>
    %gt3A = arith.constant 0.000000e+00 : f32
    %gt3A_14 = vector.broadcast %gt3A : f32 to vector<4096x128xf32>
    %gt3A_15 = arith.cmpf ogt, %add3A_13, %gt3A_14 : vector<4096x128xf32>
    %min3A = arith.constant 0.000000e+00 : f32
    %min3A_16 = vector.broadcast %min3A : f32 to vector<4096x128xf32>
    %min3A_17 = arith.minimumf %add3A_13, %min3A_16 : vector<4096x128xf32>
    %exp3A = math.exp %min3A_17 : vector<4096x128xf32>
    %sub3A = arith.constant 1.000000e+00 : f32
    %sub3A_18 = vector.broadcast %sub3A : f32 to vector<4096x128xf32>
    %sub3A_19 = arith.subf %exp3A, %sub3A_18 : vector<4096x128xf32>
    %select_n3A = arith.select %gt3A_15, %add3A_13, %sub3A_19 : vector<4096x128xi1>, vector<4096x128xf32>
    %get3A_20 = arith.constant 0 : index
    %get3A_21 = arith.constant 0 : index
    %get3A_22 = vector.load %arg5[%get3A_20, %get3A_21] : memref<128x128xf32, #tpu.memory_space<vmem>>, vector<128x128xf32>
    %dot_general3A_23 = arith.constant dense<0.000000e+00> : vector<4096x128xf32>
    %dot_general3A_24 = tpu.matmul %select_n3A, %get3A_22, %dot_general3A_23 {dimension_numbers = #tpu.dot_dimension_numbers<[1], [0], [0], [1], [0, 0, 1, 1], [], []>, transpose_lhs_hint = false} : vector<4096x128xf32>, vector<128x128xf32>, vector<4096x128xf32> -> vector<4096x128xf32>
    %get3A_25 = arith.constant 0 : index
    %get3A_26 = arith.constant 0 : index
    %get3A_27 = vector.load %arg6[%get3A_25, %get3A_26] : memref<1x128xf32, #tpu.memory_space<vmem>>, vector<1x128xf32>
    %add3A_28 = vector.broadcast %get3A_27 : vector<1x128xf32> to vector<4096x128xf32>
    %add3A_29 = arith.addf %dot_general3A_24, %add3A_28 : vector<4096x128xf32>
    %mul3A = arith.constant 4096 : i32
    %mul3A_30 = arith.muli %arg0, %mul3A : i32
    %add3A_31 = arith.constant 0 : i32
    %add3A_32 = arith.addi %add3A_31, %mul3A_30 : i32
    %iota3A = tpu.iota {dimensions = array<i32: 0>} : vector<4096x1xi32>
    %add3A_33 = vector.broadcast %add3A_32 : i32 to vector<4096x1xi32>
    %add3A_34 = arith.addi %add3A_33, %iota3A : vector<4096x1xi32>
    %lt3A = arith.constant 320000 : i32
    %lt3A_35 = vector.broadcast %lt3A : i32 to vector<4096x1xi32>
    %lt3A_36 = arith.cmpi slt, %add3A_34, %lt3A_35 : vector<4096x1xi32>
    %jit3A = arith.constant 0.000000e+00 : f32
    %broadcast_in_dim3A = vector.shape_cast %lt3A_36 : vector<4096x1xi1> to vector<4096x1xi1>
    %broadcast_in_dim3A_37 = vector.broadcast %broadcast_in_dim3A : vector<4096x1xi1> to vector<4096x128xi1>
    %broadcast_in_dim3A_38 = vector.broadcast %jit3A : f32 to vector<4096x128xf32>
    %select_n3A_39 = arith.select %broadcast_in_dim3A_37, %add3A_29, %broadcast_in_dim3A_38 : vector<4096x128xi1>, vector<4096x128xf32>
    %swap3A = arith.constant 0 : index
    %swap3A_40 = arith.constant 0 : index
    %swap3A_41 = vector.load %arg7[%swap3A, %swap3A_40] : memref<4096x128xf32, #tpu.memory_space<vmem>>, vector<4096x128xf32>
    tpu.vector_store %arg7[%swap3A, %swap3A_40], %select_n3A_39 {strides = array<i32>} : memref<4096x128xf32, #tpu.memory_space<vmem>>, vector<4096x128xf32>,
    return
  }
  func.func @transform_0(%arg0: i32) -> (i32, i32) {
    %c0_i32 = arith.constant 0 : i32
    %c0_i32_0 = arith.constant 0 : i32
    return %arg0, %c0_i32 : i32, i32
  }
  func.func @transform_1(%arg0: i32) -> (i32, i32) {
    %c0_i32 = arith.constant 0 : i32
    %c0_i32_0 = arith.constant 0 : i32
    return %arg0, %c0_i32 : i32, i32
  }
  func.func @transform_2(%arg0: i32) -> (i32, i32) {
    %c0_i32 = arith.constant 0 : i32
    %c0_i32_0 = arith.constant 0 : i32
    %c0_i32_1 = arith.constant 0 : i32
    return %c0_i32, %c0_i32_0 : i32, i32
  }
  func.func @transform_3(%arg0: i32) -> (i32, i32) {
    %c0_i32 = arith.constant 0 : i32
    %c0_i32_0 = arith.constant 0 : i32
    %c0_i32_1 = arith.constant 0 : i32
    return %c0_i32, %c0_i32_0 : i32, i32
  }
  func.func @transform_4(%arg0: i32) -> (i32, i32) {
    %c0_i32 = arith.constant 0 : i32
    %c0_i32_0 = arith.constant 0 : i32
    %c0_i32_1 = arith.constant 0 : i32
    return %c0_i32, %c0_i32_0 : i32, i32
  }
  func.func @transform_5(%arg0: i32) -> (i32, i32) {
    %c0_i32 = arith.constant 0 : i32
    %c0_i32_0 = arith.constant 0 : i32
    %c0_i32_1 = arith.constant 0 : i32
    return %c0_i32, %c0_i32_0 : i32, i32
  }
  func.func @transform_6(%arg0: i32) -> (i32, i32) {
    %c0_i32 = arith.constant 0 : i32
    %c0_i32_0 = arith.constant 0 : i32
    return %arg0, %c0_i32 : i32, i32
  }
}

module attributes {stable_mosaic.version = 14 : i64} {
  func.func @_edge_body(%arg0: i32, %arg1: memref<4096x128xf32, #tpu.memory_space<vmem>>, %arg2: memref<4096x16xf32, #tpu.memory_space<vmem>>, %arg3: memref<16x128xf32, #tpu.memory_space<vmem>>, %arg4: memref<1x128xf32, #tpu.memory_space<vmem>>, %arg5: memref<128x128xf32, #tpu.memory_space<vmem>>, %arg6: memref<1x128xf32, #tpu.memory_space<vmem>>, %arg7: memref<4096x128xf32, #tpu.memory_space<vmem>>) attributes {dimension_semantics = [#tpu.dimension_semantics<arbitrary>], iteration_bounds = array<i64: 40>, scalar_prefetch = 0 : i64, scratch_operands = 0 : i64, tpu.core_type = #tpu.core_type<tc>, window_params = [{transform_indices = @transform_0, window_bounds = array<i64: 4096, 128>}, {transform_indices = @transform_1, window_bounds = array<i64: 4096, 16>}, {pipeline_mode = #tpu.pipeline_mode<synchronous>, transform_indices = @transform_2, window_bounds = array<i64: 16, 128>}, {pipeline_mode = #tpu.pipeline_mode<synchronous>, transform_indices = @transform_3, window_bounds = array<i64: 1, 128>}, {pipeline_mode = #tpu.pipeline_mode<synchronous>, transform_indices = @transform_4, window_bounds = array<i64: 128, 128>}, {pipeline_mode = #tpu.pipeline_mode<synchronous>, transform_indices = @transform_5, window_bounds = array<i64: 1, 128>}, {transform_indices = @transform_6, window_bounds = array<i64: 4096, 128>}]} {
    %get3A = arith.constant 0 : index
    %get3A_0 = arith.constant 0 : index
    %get3A_1 = vector.load %arg1[%get3A, %get3A_0] : memref<4096x128xf32, #tpu.memory_space<vmem>>, vector<4096x128xf32>
    %get3A_2 = arith.constant 0 : index
    %get3A_3 = arith.constant 0 : index
    %get3A_4 = vector.load %arg2[%get3A_2, %get3A_3] : memref<4096x16xf32, #tpu.memory_space<vmem>>, vector<4096x16xf32>
    %get3A_5 = arith.constant 0 : index
    %get3A_6 = arith.constant 0 : index
    %get3A_7 = vector.load %arg3[%get3A_5, %get3A_6] : memref<16x128xf32, #tpu.memory_space<vmem>>, vector<16x128xf32>
    %dot_general3A = arith.constant dense<0.000000e+00> : vector<4096x128xf32>
    %dot_general3A_8 = tpu.matmul %get3A_4, %get3A_7, %dot_general3A {dimension_numbers = #tpu.dot_dimension_numbers<[1], [0], [0], [1], [0, 0, 1, 1], [], []>, transpose_lhs_hint = false} : vector<4096x16xf32>, vector<16x128xf32>, vector<4096x128xf32> -> vector<4096x128xf32>
    %add3A = arith.addf %get3A_1, %dot_general3A_8 : vector<4096x128xf32>
    %get3A_9 = arith.constant 0 : index
    %get3A_10 = arith.constant 0 : index
    %get3A_11 = vector.load %arg4[%get3A_9, %get3A_10] : memref<1x128xf32, #tpu.memory_space<vmem>>, vector<1x128xf32>
    %add3A_12 = vector.broadcast %get3A_11 : vector<1x128xf32> to vector<4096x128xf32>
    %add3A_13 = arith.addf %add3A, %add3A_12 : vector<4096x128xf32>
    %gt3A = arith.constant 0.000000e+00 : f32
    %gt3A_14 = vector.broadcast %gt3A : f32 to vector<4096x128xf32>
    %gt3A_15 = arith.cmpf ogt, %add3A_13, %gt3A_14 : vector<4096x128xf32>
    %min3A = arith.constant 0.000000e+00 : f32
    %min3A_16 = vector.broadcast %min3A : f32 to vector<4096x128xf32>
    %min3A_17 = arith.minimumf %add3A_13, %min3A_16 : vector<4096x128xf32>
    %exp3A = math.exp %min3A_17 : vector<4096x128xf32>
    %sub3A = arith.constant 1.000000e+00 : f32
    %sub3A_18 = vector.broadcast %sub3A : f32 to vector<4096x128xf32>
    %sub3A_19 = arith.subf %exp3A, %sub3A_18 : vector<4096x128xf32>
    %select_n3A = arith.select %gt3A_15, %add3A_13, %sub3A_19 : vector<4096x128xi1>, vector<4096x128xf32>
    %get3A_20 = arith.constant 0 : index
    %get3A_21 = arith.constant 0 : index
    %get3A_22 = vector.load %arg5[%get3A_20, %get3A_21] : memref<128x128xf32, #tpu.memory_space<vmem>>, vector<128x128xf32>
    %dot_general3A_23 = arith.constant dense<0.000000e+00> : vector<4096x128xf32>
    %dot_general3A_24 = tpu.matmul %select_n3A, %get3A_22, %dot_general3A_23 {dimension_numbers = #tpu.dot_dimension_numbers<[1], [0], [0], [1], [0, 0, 1, 1], [], []>, transpose_lhs_hint = false} : vector<4096x128xf32>, vector<128x128xf32>, vector<4096x128xf32> -> vector<4096x128xf32>
    %get3A_25 = arith.constant 0 : index
    %get3A_26 = arith.constant 0 : index
    %get3A_27 = vector.load %arg6[%get3A_25, %get3A_26] : memref<1x128xf32, #tpu.memory_space<vmem>>, vector<1x128xf32>
    %add3A_28 = vector.broadcast %get3A_27 : vector<1x128xf32> to vector<4096x128xf32>
    %add3A_29 = arith.addf %dot_general3A_24, %add3A_28 : vector<4096x128xf32>
    %mul3A = arith.constant 4096 : i32
    %mul3A_30 = arith.muli %arg0, %mul3A : i32
    %add3A_31 = arith.constant 163840 : i32
    %add3A_32 = arith.addi %add3A_31, %mul3A_30 : i32
    %iota3A = tpu.iota {dimensions = array<i32: 0>} : vector<4096x1xi32>
    %add3A_33 = vector.broadcast %add3A_32 : i32 to vector<4096x1xi32>
    %add3A_34 = arith.addi %add3A_33, %iota3A : vector<4096x1xi32>
    %lt3A = arith.constant 320000 : i32
    %lt3A_35 = vector.broadcast %lt3A : i32 to vector<4096x1xi32>
    %lt3A_36 = arith.cmpi slt, %add3A_34, %lt3A_35 : vector<4096x1xi32>
    %jit3A = arith.constant 0.000000e+00 : f32
    %broadcast_in_dim3A = vector.shape_cast %lt3A_36 : vector<4096x1xi1> to vector<4096x1xi1>
    %broadcast_in_dim3A_37 = vector.broadcast %broadcast_in_dim3A : vector<4096x1xi1> to vector<4096x128xi1>
    %broadcast_in_dim3A_38 = vector.broadcast %jit3A : f32 to vector<4096x128xf32>
    %select_n3A_39 = arith.select %broadcast_in_dim3A_37, %add3A_29, %broadcast_in_dim3A_38 : vector<4096x128xi1>, vector<4096x128xf32>
    %swap3A = arith.constant 0 : index
    %swap3A_40 = arith.constant 0 : index
    %swap3A_41 = vector.load %arg7[%swap3A, %swap3A_40] : memref<4096x128xf32, #tpu.memory_space<vmem>>, vector<4096x128xf32>
    tpu.vector_store %arg7[%swap3A, %swap3A_40], %select_n3A_39 {strides = array<i32>} : memref<4096x128xf32, #tpu.memory_space<vmem>>, vector<4096x128xf32>,
    return
  }
  func.func @transform_0(%arg0: i32) -> (i32, i32) {
    %c0_i32 = arith.constant 0 : i32
    %c0_i32_0 = arith.constant 0 : i32
    return %arg0, %c0_i32 : i32, i32
  }
  func.func @transform_1(%arg0: i32) -> (i32, i32) {
    %c0_i32 = arith.constant 0 : i32
    %c0_i32_0 = arith.constant 0 : i32
    return %arg0, %c0_i32 : i32, i32
  }
  func.func @transform_2(%arg0: i32) -> (i32, i32) {
    %c0_i32 = arith.constant 0 : i32
    %c0_i32_0 = arith.constant 0 : i32
    %c0_i32_1 = arith.constant 0 : i32
    return %c0_i32, %c0_i32_0 : i32, i32
  }
  func.func @transform_3(%arg0: i32) -> (i32, i32) {
    %c0_i32 = arith.constant 0 : i32
    %c0_i32_0 = arith.constant 0 : i32
    %c0_i32_1 = arith.constant 0 : i32
    return %c0_i32, %c0_i32_0 : i32, i32
  }
  func.func @transform_4(%arg0: i32) -> (i32, i32) {
    %c0_i32 = arith.constant 0 : i32
    %c0_i32_0 = arith.constant 0 : i32
    %c0_i32_1 = arith.constant 0 : i32
    return %c0_i32, %c0_i32_0 : i32, i32
  }
  func.func @transform_5(%arg0: i32) -> (i32, i32) {
    %c0_i32 = arith.constant 0 : i32
    %c0_i32_0 = arith.constant 0 : i32
    %c0_i32_1 = arith.constant 0 : i32
    return %c0_i32, %c0_i32_0 : i32, i32
  }
  func.func @transform_6(%arg0: i32) -> (i32, i32) {
    %c0_i32 = arith.constant 0 : i32
    %c0_i32_0 = arith.constant 0 : i32
    return %arg0, %c0_i32 : i32, i32
  }
}

module attributes {stable_mosaic.version = 14 : i64} {
  func.func @_fin_body(%arg0: i32, %arg1: memref<1000x64xf32, #tpu.memory_space<vmem>>, %arg2: memref<2x1000x128xf32, #tpu.memory_space<vmem>>, %arg3: memref<2x1000x128xf32, #tpu.memory_space<vmem>>, %arg4: memref<64x128xf32, #tpu.memory_space<vmem>>, %arg5: memref<64x128xf32, #tpu.memory_space<vmem>>, %arg6: memref<1x128xf32, #tpu.memory_space<vmem>>, %arg7: memref<128x64xf32, #tpu.memory_space<vmem>>, %arg8: memref<1x64xf32, #tpu.memory_space<vmem>>, %arg9: memref<64x128xf32, #tpu.memory_space<vmem>>, %arg10: memref<1x128xf32, #tpu.memory_space<vmem>>, %arg11: memref<128x128xf32, #tpu.memory_space<vmem>>, %arg12: memref<1x128xf32, #tpu.memory_space<vmem>>, %arg13: memref<128x3xf32, #tpu.memory_space<vmem>>, %arg14: memref<1x3xf32, #tpu.memory_space<vmem>>, %arg15: memref<1000x3xf32, #tpu.memory_space<vmem>>) attributes {dimension_semantics = [#tpu.dimension_semantics<arbitrary>], iteration_bounds = array<i64: 10>, scalar_prefetch = 0 : i64, scratch_operands = 0 : i64, tpu.core_type = #tpu.core_type<tc>, window_params = [{transform_indices = @transform_0, window_bounds = array<i64: 1000, 64>}, {transform_indices = @transform_1, window_bounds = array<i64: 2, 1000, 128>}, {transform_indices = @transform_2, window_bounds = array<i64: 2, 1000, 128>}, {pipeline_mode = #tpu.pipeline_mode<synchronous>, transform_indices = @transform_3, window_bounds = array<i64: 64, 128>}, {pipeline_mode = #tpu.pipeline_mode<synchronous>, transform_indices = @transform_4, window_bounds = array<i64: 64, 128>}, {pipeline_mode = #tpu.pipeline_mode<synchronous>, transform_indices = @transform_5, window_bounds = array<i64: 1, 128>}, {pipeline_mode = #tpu.pipeline_mode<synchronous>, transform_indices = @transform_6, window_bounds = array<i64: 128, 64>}, {pipeline_mode = #tpu.pipeline_mode<synchronous>, transform_indices = @transform_7, window_bounds = array<i64: 1, 64>}, {pipeline_mode = #tpu.pipeline_mode<synchronous>, transform_indices = @transform_8, window_bounds = array<i64: 64, 128>}, {pipeline_mode = #tpu.pipeline_mode<synchronous>, transform_indices = @transform_9, window_bounds = array<i64: 1, 128>}, {pipeline_mode = #tpu.pipeline_mode<synchronous>, transform_indices = @transform_10, window_bounds = array<i64: 128, 128>}, {pipeline_mode = #tpu.pipeline_mode<synchronous>, transform_indices = @transform_11, window_bounds = array<i64: 1, 128>}, {pipeline_mode = #tpu.pipeline_mode<synchronous>, transform_indices = @transform_12, window_bounds = array<i64: 128, 3>}, {pipeline_mode = #tpu.pipeline_mode<synchronous>, transform_indices = @transform_13, window_bounds = array<i64: 1, 3>}, {transform_indices = @transform_14, window_bounds = array<i64: 1000, 3>}]} {
    %get3A = arith.constant 0 : index
    %get3A_0 = arith.constant 0 : index
    %get3A_1 = arith.constant 0 : index
    %get3A_2 = vector.load %arg2[%get3A, %get3A_0, %get3A_1] : memref<2x1000x128xf32, #tpu.memory_space<vmem>>, vector<1x1000x128xf32>
    %get3A_3 = vector.shape_cast %get3A_2 : vector<1x1000x128xf32> to vector<1000x128xf32>
    %get3A_4 = arith.constant 1 : index
    %get3A_5 = arith.constant 0 : index
    %get3A_6 = arith.constant 0 : index
    %get3A_7 = vector.load %arg2[%get3A_4, %get3A_5, %get3A_6] : memref<2x1000x128xf32, #tpu.memory_space<vmem>>, vector<1x1000x128xf32>
    %get3A_8 = vector.shape_cast %get3A_7 : vector<1x1000x128xf32> to vector<1000x128xf32>
    %add3A = arith.addf %get3A_3, %get3A_8 : vector<1000x128xf32>
    %get3A_9 = arith.constant 0 : index
    %get3A_10 = arith.constant 0 : index
    %get3A_11 = arith.constant 0 : index
    %get3A_12 = vector.load %arg3[%get3A_9, %get3A_10, %get3A_11] : memref<2x1000x128xf32, #tpu.memory_space<vmem>>, vector<1x1000x128xf32>
    %get3A_13 = vector.shape_cast %get3A_12 : vector<1x1000x128xf32> to vector<1000x128xf32>
    %add3A_14 = arith.addf %add3A, %get3A_13 : vector<1000x128xf32>
    %get3A_15 = arith.constant 1 : index
    %get3A_16 = arith.constant 0 : index
    %get3A_17 = arith.constant 0 : index
    %get3A_18 = vector.load %arg3[%get3A_15, %get3A_16, %get3A_17] : memref<2x1000x128xf32, #tpu.memory_space<vmem>>, vector<1x1000x128xf32>
    %get3A_19 = vector.shape_cast %get3A_18 : vector<1x1000x128xf32> to vector<1000x128xf32>
    %add3A_20 = arith.addf %add3A_14, %get3A_19 : vector<1000x128xf32>
    %slice3A = vector.extract_strided_slice %add3A_20 {offsets = [0, 0], sizes = [1000, 64], strides = [1, 1]} : vector<1000x128xf32> to vector<1000x64xf32>
    %slice3A_21 = vector.extract_strided_slice %add3A_20 {offsets = [0, 64], sizes = [1000, 1], strides = [1, 1]} : vector<1000x128xf32> to vector<1000x1xf32>
    %max3A = arith.constant 1.000000e+00 : f32
    %max3A_22 = vector.broadcast %max3A : f32 to vector<1000x1xf32>
    %max3A_23 = arith.maximumf %slice3A_21, %max3A_22 : vector<1000x1xf32>
    %div3A = vector.broadcast %max3A_23 : vector<1000x1xf32> to vector<1000x64xf32>
    %div3A_24 = arith.divf %slice3A, %div3A : vector<1000x64xf32>
    %get3A_25 = arith.constant 0 : index
    %get3A_26 = arith.constant 0 : index
    %get3A_27 = vector.load %arg1[%get3A_25, %get3A_26] : memref<1000x64xf32, #tpu.memory_space<vmem>>, vector<1000x64xf32>
    %get3A_28 = arith.constant 0 : index
    %get3A_29 = arith.constant 0 : index
    %get3A_30 = vector.load %arg4[%get3A_28, %get3A_29] : memref<64x128xf32, #tpu.memory_space<vmem>>, vector<64x128xf32>
    %dot_general3A = arith.constant dense<0.000000e+00> : vector<1000x128xf32>
    %dot_general3A_31 = tpu.matmul %get3A_27, %get3A_30, %dot_general3A {dimension_numbers = #tpu.dot_dimension_numbers<[1], [0], [0], [1], [0, 0, 1, 1], [], []>, transpose_lhs_hint = false} : vector<1000x64xf32>, vector<64x128xf32>, vector<1000x128xf32> -> vector<1000x128xf32>
    %get3A_32 = arith.constant 0 : index
    %get3A_33 = arith.constant 0 : index
    %get3A_34 = vector.load %arg5[%get3A_32, %get3A_33] : memref<64x128xf32, #tpu.memory_space<vmem>>, vector<64x128xf32>
    %dot_general3A_35 = arith.constant dense<0.000000e+00> : vector<1000x128xf32>
    %dot_general3A_36 = tpu.matmul %div3A_24, %get3A_34, %dot_general3A_35 {dimension_numbers = #tpu.dot_dimension_numbers<[1], [0], [0], [1], [0, 0, 1, 1], [], []>, transpose_lhs_hint = false} : vector<1000x64xf32>, vector<64x128xf32>, vector<1000x128xf32> -> vector<1000x128xf32>
    %add3A_37 = arith.addf %dot_general3A_31, %dot_general3A_36 : vector<1000x128xf32>
    %get3A_38 = arith.constant 0 : index
    %get3A_39 = arith.constant 0 : index
    %get3A_40 = vector.load %arg6[%get3A_38, %get3A_39] : memref<1x128xf32, #tpu.memory_space<vmem>>, vector<1x128xf32>
    %add3A_41 = vector.broadcast %get3A_40 : vector<1x128xf32> to vector<1000x128xf32>
    %add3A_42 = arith.addf %add3A_37, %add3A_41 : vector<1000x128xf32>
    %gt3A = arith.constant 0.000000e+00 : f32
    %gt3A_43 = vector.broadcast %gt3A : f32 to vector<1000x128xf32>
    %gt3A_44 = arith.cmpf ogt, %add3A_42, %gt3A_43 : vector<1000x128xf32>
    %min3A = arith.constant 0.000000e+00 : f32
    %min3A_45 = vector.broadcast %min3A : f32 to vector<1000x128xf32>
    %min3A_46 = arith.minimumf %add3A_42, %min3A_45 : vector<1000x128xf32>
    %exp3A = math.exp %min3A_46 : vector<1000x128xf32>
    %sub3A = arith.constant 1.000000e+00 : f32
    %sub3A_47 = vector.broadcast %sub3A : f32 to vector<1000x128xf32>
    %sub3A_48 = arith.subf %exp3A, %sub3A_47 : vector<1000x128xf32>
    %select_n3A = arith.select %gt3A_44, %add3A_42, %sub3A_48 : vector<1000x128xi1>, vector<1000x128xf32>
    %get3A_49 = arith.constant 0 : index
    %get3A_50 = arith.constant 0 : index
    %get3A_51 = vector.load %arg7[%get3A_49, %get3A_50] : memref<128x64xf32, #tpu.memory_space<vmem>>, vector<128x64xf32>
    %dot_general3A_52 = arith.constant dense<0.000000e+00> : vector<1000x64xf32>
    %dot_general3A_53 = tpu.matmul %select_n3A, %get3A_51, %dot_general3A_52 {dimension_numbers = #tpu.dot_dimension_numbers<[1], [0], [0], [1], [0, 0, 1, 1], [], []>, transpose_lhs_hint = false} : vector<1000x128xf32>, vector<128x64xf32>, vector<1000x64xf32> -> vector<1000x64xf32>
    %get3A_54 = arith.constant 0 : index
    %get3A_55 = arith.constant 0 : index
    %get3A_56 = vector.load %arg8[%get3A_54, %get3A_55] : memref<1x64xf32, #tpu.memory_space<vmem>>, vector<1x64xf32>
    %add3A_57 = vector.broadcast %get3A_56 : vector<1x64xf32> to vector<1000x64xf32>
    %add3A_58 = arith.addf %dot_general3A_53, %add3A_57 : vector<1000x64xf32>
    %gt3A_59 = arith.constant 0.000000e+00 : f32
    %gt3A_60 = vector.broadcast %gt3A_59 : f32 to vector<1000x64xf32>
    %gt3A_61 = arith.cmpf ogt, %add3A_58, %gt3A_60 : vector<1000x64xf32>
    %min3A_62 = arith.constant 0.000000e+00 : f32
    %min3A_63 = vector.broadcast %min3A_62 : f32 to vector<1000x64xf32>
    %min3A_64 = arith.minimumf %add3A_58, %min3A_63 : vector<1000x64xf32>
    %exp3A_65 = math.exp %min3A_64 : vector<1000x64xf32>
    %sub3A_66 = arith.constant 1.000000e+00 : f32
    %sub3A_67 = vector.broadcast %sub3A_66 : f32 to vector<1000x64xf32>
    %sub3A_68 = arith.subf %exp3A_65, %sub3A_67 : vector<1000x64xf32>
    %select_n3A_69 = arith.select %gt3A_61, %add3A_58, %sub3A_68 : vector<1000x64xi1>, vector<1000x64xf32>
    %get3A_70 = arith.constant 0 : index
    %get3A_71 = arith.constant 0 : index
    %get3A_72 = vector.load %arg9[%get3A_70, %get3A_71] : memref<64x128xf32, #tpu.memory_space<vmem>>, vector<64x128xf32>
    %dot_general3A_73 = arith.constant dense<0.000000e+00> : vector<1000x128xf32>
    %dot_general3A_74 = tpu.matmul %select_n3A_69, %get3A_72, %dot_general3A_73 {dimension_numbers = #tpu.dot_dimension_numbers<[1], [0], [0], [1], [0, 0, 1, 1], [], []>, transpose_lhs_hint = false} : vector<1000x64xf32>, vector<64x128xf32>, vector<1000x128xf32> -> vector<1000x128xf32>
    %get3A_75 = arith.constant 0 : index
    %get3A_76 = arith.constant 0 : index
    %get3A_77 = vector.load %arg10[%get3A_75, %get3A_76] : memref<1x128xf32, #tpu.memory_space<vmem>>, vector<1x128xf32>
    %add3A_78 = vector.broadcast %get3A_77 : vector<1x128xf32> to vector<1000x128xf32>
    %add3A_79 = arith.addf %dot_general3A_74, %add3A_78 : vector<1000x128xf32>
    %gt3A_80 = arith.constant 0.000000e+00 : f32
    %gt3A_81 = vector.broadcast %gt3A_80 : f32 to vector<1000x128xf32>
    %gt3A_82 = arith.cmpf ogt, %add3A_79, %gt3A_81 : vector<1000x128xf32>
    %min3A_83 = arith.constant 0.000000e+00 : f32
    %min3A_84 = vector.broadcast %min3A_83 : f32 to vector<1000x128xf32>
    %min3A_85 = arith.minimumf %add3A_79, %min3A_84 : vector<1000x128xf32>
    %exp3A_86 = math.exp %min3A_85 : vector<1000x128xf32>
    %sub3A_87 = arith.constant 1.000000e+00 : f32
    %sub3A_88 = vector.broadcast %sub3A_87 : f32 to vector<1000x128xf32>
    %sub3A_89 = arith.subf %exp3A_86, %sub3A_88 : vector<1000x128xf32>
    %select_n3A_90 = arith.select %gt3A_82, %add3A_79, %sub3A_89 : vector<1000x128xi1>, vector<1000x128xf32>
    %get3A_91 = arith.constant 0 : index
    %get3A_92 = arith.constant 0 : index
    %get3A_93 = vector.load %arg11[%get3A_91, %get3A_92] : memref<128x128xf32, #tpu.memory_space<vmem>>, vector<128x128xf32>
    %dot_general3A_94 = arith.constant dense<0.000000e+00> : vector<1000x128xf32>
    %dot_general3A_95 = tpu.matmul %select_n3A_90, %get3A_93, %dot_general3A_94 {dimension_numbers = #tpu.dot_dimension_numbers<[1], [0], [0], [1], [0, 0, 1, 1], [], []>, transpose_lhs_hint = false} : vector<1000x128xf32>, vector<128x128xf32>, vector<1000x128xf32> -> vector<1000x128xf32>
    %get3A_96 = arith.constant 0 : index
    %get3A_97 = arith.constant 0 : index
    %get3A_98 = vector.load %arg12[%get3A_96, %get3A_97] : memref<1x128xf32, #tpu.memory_space<vmem>>, vector<1x128xf32>
    %add3A_99 = vector.broadcast %get3A_98 : vector<1x128xf32> to vector<1000x128xf32>
    %add3A_100 = arith.addf %dot_general3A_95, %add3A_99 : vector<1000x128xf32>
    %gt3A_101 = arith.constant 0.000000e+00 : f32
    %gt3A_102 = vector.broadcast %gt3A_101 : f32 to vector<1000x128xf32>
    %gt3A_103 = arith.cmpf ogt, %add3A_100, %gt3A_102 : vector<1000x128xf32>
    %min3A_104 = arith.constant 0.000000e+00 : f32
    %min3A_105 = vector.broadcast %min3A_104 : f32 to vector<1000x128xf32>
    %min3A_106 = arith.minimumf %add3A_100, %min3A_105 : vector<1000x128xf32>
    %exp3A_107 = math.exp %min3A_106 : vector<1000x128xf32>
    %sub3A_108 = arith.constant 1.000000e+00 : f32
    %sub3A_109 = vector.broadcast %sub3A_108 : f32 to vector<1000x128xf32>
    %sub3A_110 = arith.subf %exp3A_107, %sub3A_109 : vector<1000x128xf32>
    %select_n3A_111 = arith.select %gt3A_103, %add3A_100, %sub3A_110 : vector<1000x128xi1>, vector<1000x128xf32>
    %get3A_112 = arith.constant 0 : index
    %get3A_113 = arith.constant 0 : index
    %get3A_114 = vector.load %arg13[%get3A_112, %get3A_113] : memref<128x3xf32, #tpu.memory_space<vmem>>, vector<128x3xf32>
    %dot_general3A_115 = arith.constant dense<0.000000e+00> : vector<1000x3xf32>
    %dot_general3A_116 = tpu.matmul %select_n3A_111, %get3A_114, %dot_general3A_115 {dimension_numbers = #tpu.dot_dimension_numbers<[1], [0], [0], [1], [0, 0, 1, 1], [], []>, transpose_lhs_hint = false} : vector<1000x128xf32>, vector<128x3xf32>, vector<1000x3xf32> -> vector<1000x3xf32>
    %get3A_117 = arith.constant 0 : index
    %get3A_118 = arith.constant 0 : index
    %get3A_119 = vector.load %arg14[%get3A_117, %get3A_118] : memref<1x3xf32, #tpu.memory_space<vmem>>, vector<1x3xf32>
    %add3A_120 = vector.broadcast %get3A_119 : vector<1x3xf32> to vector<1000x3xf32>
    %add3A_121 = arith.addf %dot_general3A_116, %add3A_120 : vector<1000x3xf32>
    %swap3A = arith.constant 0 : index
    %swap3A_122 = arith.constant 0 : index
    %swap3A_123 = vector.load %arg15[%swap3A, %swap3A_122] : memref<1000x3xf32, #tpu.memory_space<vmem>>, vector<1000x3xf32>
    tpu.vector_store %arg15[%swap3A, %swap3A_122], %add3A_121 {strides = array<i32>} : memref<1000x3xf32, #tpu.memory_space<vmem>>, vector<1000x3xf32>,
    return
  }
  func.func @transform_0(%arg0: i32) -> (i32, i32) {
    %c0_i32 = arith.constant 0 : i32
    %c0_i32_0 = arith.constant 0 : i32
    return %arg0, %c0_i32 : i32, i32
  }
  func.func @transform_1(%arg0: i32) -> (i32, i32, i32) {
    %c0_i32 = arith.constant 0 : i32
    %c0_i32_0 = arith.constant 0 : i32
    %c0_i32_1 = arith.constant 0 : i32
    return %c0_i32, %arg0, %c0_i32_0 : i32, i32, i32
  }
  func.func @transform_2(%arg0: i32) -> (i32, i32, i32) {
    %c0_i32 = arith.constant 0 : i32
    %c0_i32_0 = arith.constant 0 : i32
    %c0_i32_1 = arith.constant 0 : i32
    return %c0_i32, %arg0, %c0_i32_0 : i32, i32, i32
  }
  func.func @transform_3(%arg0: i32) -> (i32, i32) {
    %c0_i32 = arith.constant 0 : i32
    %c0_i32_0 = arith.constant 0 : i32
    %c0_i32_1 = arith.constant 0 : i32
    return %c0_i32, %c0_i32_0 : i32, i32
  }
  func.func @transform_4(%arg0: i32) -> (i32, i32) {
    %c0_i32 = arith.constant 0 : i32
    %c0_i32_0 = arith.constant 0 : i32
    %c0_i32_1 = arith.constant 0 : i32
    return %c0_i32, %c0_i32_0 : i32, i32
  }
  func.func @transform_5(%arg0: i32) -> (i32, i32) {
    %c0_i32 = arith.constant 0 : i32
    %c0_i32_0 = arith.constant 0 : i32
    %c0_i32_1 = arith.constant 0 : i32
    return %c0_i32, %c0_i32_0 : i32, i32
  }
  func.func @transform_6(%arg0: i32) -> (i32, i32) {
    %c0_i32 = arith.constant 0 : i32
    %c0_i32_0 = arith.constant 0 : i32
    %c0_i32_1 = arith.constant 0 : i32
    return %c0_i32, %c0_i32_0 : i32, i32
  }
  func.func @transform_7(%arg0: i32) -> (i32, i32) {
    %c0_i32 = arith.constant 0 : i32
    %c0_i32_0 = arith.constant 0 : i32
    %c0_i32_1 = arith.constant 0 : i32
    return %c0_i32, %c0_i32_0 : i32, i32
  }
  func.func @transform_8(%arg0: i32) -> (i32, i32) {
    %c0_i32 = arith.constant 0 : i32
    %c0_i32_0 = arith.constant 0 : i32
    %c0_i32_1 = arith.constant 0 : i32
    return %c0_i32, %c0_i32_0 : i32, i32
  }
  func.func @transform_9(%arg0: i32) -> (i32, i32) {
    %c0_i32 = arith.constant 0 : i32
    %c0_i32_0 = arith.constant 0 : i32
    %c0_i32_1 = arith.constant 0 : i32
    return %c0_i32, %c0_i32_0 : i32, i32
  }
  func.func @transform_10(%arg0: i32) -> (i32, i32) {
    %c0_i32 = arith.constant 0 : i32
    %c0_i32_0 = arith.constant 0 : i32
    %c0_i32_1 = arith.constant 0 : i32
    return %c0_i32, %c0_i32_0 : i32, i32
  }
  func.func @transform_11(%arg0: i32) -> (i32, i32) {
    %c0_i32 = arith.constant 0 : i32
    %c0_i32_0 = arith.constant 0 : i32
    %c0_i32_1 = arith.constant 0 : i32
    return %c0_i32, %c0_i32_0 : i32, i32
  }
  func.func @transform_12(%arg0: i32) -> (i32, i32) {
    %c0_i32 = arith.constant 0 : i32
    %c0_i32_0 = arith.constant 0 : i32
    %c0_i32_1 = arith.constant 0 : i32
    return %c0_i32, %c0_i32_0 : i32, i32
  }
  func.func @transform_13(%arg0: i32) -> (i32, i32) {
    %c0_i32 = arith.constant 0 : i32
    %c0_i32_0 = arith.constant 0 : i32
    %c0_i32_1 = arith.constant 0 : i32
    return %c0_i32, %c0_i32_0 : i32, i32
  }
  func.func @transform_14(%arg0: i32) -> (i32, i32) {
    %c0_i32 = arith.constant 0 : i32
    %c0_i32_0 = arith.constant 0 : i32
    return %arg0, %c0_i32 : i32, i32
  }
}

</mosaic_0001>

<sc_bundles>
// kernel: kernel.10.cloned.1.call-start
scs
__scs_entry_jumppad:
0x0: {  	(pc) =	sbr.rel $0x88, $3  }
0x1: {  	(tag) =	ssettag $0x0;
	lr =	simm.s32 $0x1  }
0x2: {  	[smem:$0x3F8A] =	sst lr;
	_ =	strace $0xD0000000  }
0x3: {  	_ = 	snop  }
0x4: {  	_ = 	snop  }
0x5: {  	_ = 	snop  }
0x6: {  	_ = 	snop  }
0x7: {  	_ = 	snop  }
__scs_overlays_trampoline_lowered:
0x8: {  	[smem:$0x3F99] =	sst s0  }
0x9: {  	[smem:$0x3F9A] =	sst s1  }
0xa: {  	[smem:$0x3F9B] =	sst s2  }
0xb: {  	[smem:$0x3F9C] =	sst s3  }
0xc: {  	[smem:$0x3F9D] =	sst s4  }
0xd: {  	[smem:$0x3F9E] =	sst s5  }
0xe: {  	[smem:$0x3F9F] =	sst s6  }
0xf: {  	[smem:$0x3FA0] =	sst s7  }
0x10: {  	[smem:$0x3FA1] =	sst s8  }
0x11: {  	[smem:$0x3FA2] =	sst s9;
	s0 =	simm.s32 @!p0 $0x0  }
0x12: {  	s1 =	sld [smem:$0x3F88];
	s0 =	simm.s32 @p0 $0x1  }
0x13: {  	[smem:$0x3FA3] =	sst s0;
	s0 =	simm.s32 @!p1 $0x0  }
0x14: {  	s2 =	sld [smem:$0x3F87];
	s0 =	simm.s32 @p1 $0x1  }
0x15: {  	[smem:$0x3FA4] =	sst s0;
	s0 =	simm.s32 @!p2 $0x0  }
0x16: {  	s3 =	sld [smem:$0x3FDB];
	s0 =	simm.s32 @p2 $0x1  }
0x17: {  	s4 =	simm.s32 $0x1BF5;
	[smem:$0x3FA6] =	sst s0  }
0x18: {  	s0 =	sld [smem:$0x3F89];
	_ =	swait.ge [sflag:s4], $0x0  }
0x19: {  	s7 =	sld [smem:$0x3F8A]  }
0x1a: {  	s8 =	sadd.s32 $0xFFFFE003, lr  }
0x1b: {  	s9 =	sadd.s32 $0xFFFFFEF7, lr;
	s5 =	simm.s32 $0xFFFFFFFF;
	p2 =	slt.u32 s8, $0xFFFFF086  }
0x1c: {  	p1 =	slt.u32 s9, $0xF7A;
	s5 =	simm.s32 @!p2 $0x0  }
0x1d: {  	s5 =	simm.s32 @p1 $0x1;
	p0 =	seq.s32 s7, s2  }
0x1e: {  	s7 =	smul.u32 @!p0 $0xF7A, s2;
	p2 =	seq.s32 @!p0 s5, $0x0  }
0x1f: {  	s9 =	smul.u32 $0xF7A, s1;
	s8 =	simm.s32 @!p0 $0x1BF5;
	p2 =	por !p2, p0  }
0x20: {  	[sflag:s8] =	ssyncset.s32 @!p0 $0xFFFFF086;
	s6 =	sadd.s32 @!p0 s3, s7;
	s7 =	simm.s32 @!p0 $0x108  }
0x21: {  	s3 =	sadd.s32 s3, s9;
	s6 =	sadd.s32 @!p0 $0x88, s6;
	s7 =	simm.s32 @p2 $0x1082  }
0x22: {  	[simem:s7], [sflag:s8] =	dma.local @!p0 [hbm:s6], $0xF7A  }
0x23: {  	s9 =	sor.u32 $0xD0000000, s2;
	s6 =	simm.s32 $0x108;
	_ =	swait.ge @!p0 [sflag:s8], $0x0  }
0x24: {  	s3 =	sadd.s32 $0x88, s3;
	s6 =	simm.s32 @!p1 $0x1082;
	[sflag:s4] =	ssyncset.s32 $0xFFFFF086  }
0x25: {  	[simem:s6], [sflag:s4] =	dma.local [hbm:s3], $0xF7A  }
0x26: {  	[smem:$0x3F8A] =	sst s1;
	(tag) =	ssettag s2;
	_ =	strace s9  }
0x27: {  	s1 =	sld [smem:$0x3F9A]  }
0x28: {  	s2 =	sld [smem:$0x3F9B]  }
0x29: {  	s4 =	sld [smem:$0x3F9D]  }
0x2a: {  	p0 =	seq.s32 s5, $0x0;
	s5 =	sld [smem:$0x3F9E]  }
0x2b: {  	s6 =	sld [smem:$0x3F9F]  }
0x2c: {  	s7 =	sld [smem:$0x3FA0]  }
0x2d: {  	s3 =	simm.s32 $0x108;
	s8 =	sld [smem:$0x3FA1]  }
0x2e: {  	s3 =	simm.s32 @!p0 $0x1082;
	s9 =	sld [smem:$0x3FA2]  }
0x2f: {  	lr =	sadd.s32 s0, s3;
	s0 =	sld [smem:$0x3F99]  }
0x30: {  	s3 =	sld [smem:$0x3F9C]  }
0x31: {  	[smem:$0x3FA5] =	sst s10  }
0x32: {  	s10 =	sld [smem:$0x3FA3];
	_ =	sdelay $0x3  }
0x33: {  	p0 =	seq.s32 s10, $0x1;
	s10 =	sld [smem:$0x3FA5];
	_ =	sdelay $0x3  }
0x34: {  	[smem:$0x3FA5] =	sst s10  }
0x35: {  	s10 =	sld [smem:$0x3FA4];
	_ =	sdelay $0x3  }
0x36: {  	p1 =	seq.s32 s10, $0x1;
	s10 =	sld [smem:$0x3FA5];
	_ =	sdelay $0x3  }
0x37: {  	[smem:$0x3FA5] =	sst s10  }
0x38: {  	s10 =	sld [smem:$0x3FA6]  }
0x39: {  	_ = 	snop;
	(pc) =	sbr.ind lr, $3  }
0x3a: {  	_ = 	snop  }
0x3b: {  	_ = 	snop  }
0x3c: {  	p2 =	seq.s32 s10, $0x1;
	s10 =	sld [smem:$0x3FA5]  }
0x3d: {  	_ =	shalt  }
0x3e: {  	_ =	shalt  }
0x3f: {  	_ =	shalt  }
0x40: {  	_ =	shalt  }
0x41: {  	_ =	shalt  }
0x42: {  	_ =	shalt  }
0x43: {  	_ =	shalt  }
0x44: {  	_ =	shalt  }
0x45: {  	_ =	shalt  }
0x46: {  	_ =	shalt  }
0x47: {  	_ =	shalt  }
0x48: {  	_ =	shalt  }
0x49: {  	_ =	shalt  }
0x4a: {  	_ =	shalt  }
0x4b: {  	_ =	shalt  }
0x4c: {  	_ =	shalt  }
0x4d: {  	_ =	shalt  }
0x4e: {  	_ =	shalt  }
0x4f: {  	_ =	shalt  }
0x50: {  	_ =	shalt  }
0x51: {  	_ =	shalt  }
0x52: {  	_ =	shalt  }
0x53: {  	_ =	shalt  }
0x54: {  	_ =	shalt  }
0x55: {  	_ =	shalt  }
0x56: {  	_ =	shalt  }
0x57: {  	_ =	shalt  }
0x58: {  	_ =	shalt  }
0x59: {  	_ =	shalt  }
0x5a: {  	_ =	shalt  }
0x5b: {  	_ =	shalt  }
0x5c: {  	_ =	shalt  }
0x5d: {  	_ =	shalt  }
0x5e: {  	_ =	shalt  }
0x5f: {  	_ =	shalt  }
0x60: {  	_ =	shalt  }
0x61: {  	_ =	shalt  }
0x62: {  	_ =	shalt  }
0x63: {  	_ =	shalt  }
0x64: {  	_ =	shalt  }
0x65: {  	_ =	shalt  }
0x66: {  	_ =	shalt  }
0x67: {  	_ =	shalt  }
0x68: {  	_ =	shalt  }
0x69: {  	_ =	shalt  }
0x6a: {  	_ =	shalt  }
0x6b: {  	_ =	shalt  }
0x6c: {  	_ =	shalt  }
0x6d: {  	_ =	shalt  }
0x6e: {  	_ =	shalt  }
0x6f: {  	_ =	shalt  }
0x70: {  	_ =	shalt  }
0x71: {  	_ =	shalt  }
0x72: {  	_ =	shalt  }
0x73: {  	_ =	shalt  }
0x74: {  	_ =	shalt  }
0x75: {  	_ =	shalt  }
0x76: {  	_ =	shalt  }
0x77: {  	_ =	shalt  }
0x78: {  	_ =	shalt  }
0x79: {  	_ =	shalt  }
0x7a: {  	_ =	shalt  }
0x7b: {  	_ =	shalt  }
0x7c: {  	_ =	shalt  }
0x7d: {  	_ =	shalt  }
0x7e: {  	_ =	shalt  }
0x7f: {  	_ =	shalt  }
0x80: {  	_ =	shalt  }
0x81: {  	_ =	shalt  }
0x82: {  	_ =	shalt  }
0x83: {  	_ =	shalt  }
0x84: {  	_ =	shalt  }
0x85: {  	_ =	shalt  }
0x86: {  	_ =	shalt  }
0x87: {  	_ =	shalt  }
.Lfunc_end0:
.L_simem_size_0:
called_computation_lowered:
.L_overlay_start_0:
0x88: {  	s2 =	sld [smem:$0x3FD9]  }
0x89: {  	s3 =	sld [smem:$0x3FFE];
	_ =	sdelay $0x1  }
0x8a: {  	s1 =	srdreg.scid  }
0x8b: {  	s0 =	sand.u32 $0x1, s1  }
0x8c: {  	s17 =	sshll.u32 s0, $0xA;
	s2 =	sadd.s32 s3, s2  }
0x8d: {  	s2 =	sadd.s32 s2, s17  }
0x8e: {  	[smem:$0x3FB1] =	sst s2  }
0x8f: {  	_ = 	snop  }
0x90: {  	(tm) =	ssettm $0x1  }
0x91: {  	s18 =	sld [smem:$0x3FFB];
	_ =	sdelay $0x3  }
0x92: {  	_ =	strace s18  }
0x93: {  	s2 =	sld [smem:$0x3FFC];
	_ =	sdelay $0x3  }
0x94: {  	_ =	strace s2  }
0x95: {  	s2 =	sld [smem:$0x3FFD];
	_ =	sdelay $0x3  }
0x96: {  	_ =	strace s2  }
0x97: {  	_ =	strace $0x8FFFFFFF  }
0x98: {  	s19 =	sld [smem:$0x3FDB];
	_ =	sdelay $0x1  }
0x99: {  	s20 =	simm.s32 $_scs_section_size  }
0x9a: {  	s4 =	simm.s32 $_size__tile_overlayer_lowered;
	s5 =	simm.s32 $_tile_overlayer_lowered  }
0x9b: {  	s6 =	simm.s32 $0x1BFF;
	s21 =	sshll.u32 s5, $0x1;
	s3 =	sadd.s32 s20, s19  }
0x9c: {  	s22 =	simm.s32 $0x0;
	s4 =	sshll.u32 s4, $0x1;
	s5 =	sadd.s32 s21, s3  }
0x9d: {  	[timem:s22], [sflag:s6] =	dma.local [hbm:s5], s4  }
0x9e: {  	_ =	swait.ge [sflag:s6], s4  }
0x9f: {  	s4 =	ssub.s32 $0x0, s4;
	[sflag:s6] =	ssyncset.done $0x0  }
0xa0: {  	[sflag:s6] =	ssyncadd.s32 s4;
	_ =	sdelay $0x1  }
0xa1: {  	s23 =	simm.s32 $0x1B8B  }
0xa2: {  	_ =	swait.ge [sflag:s23], $0x1  }
0xa3: {  	[sflag:s23] =	ssyncset.done $0x0  }
0xa4: {  	[sflag:s23] =	ssyncadd.s32 $0xFFFFFFFF  }
0xa5: {  	s4 =	sld [smem:$0x0]  }
0xa6: {  	s5 =	sand.u32 $0xFFFFFFFE, s1  }
0xa7: {  	p0 =	sne.s32 s1, s5  }
0xa8: {  	s5 =	sshll.u32 @p0 s5, $0xE  }
0xa9: {  	s5 =	sadd.s32 @p0 $0x11B8D, s5;
	s6 =	sshll.u32 @p0 s4, $0x11  }
0xaa: {  	s5 =	sor.u32 @p0 s6, s5  }
0xab: {  	[sflag:s5] =	ssyncadd.remote.s32 @p0 $0x1;
	_ =	sdelay $0x1  }
0xac: {  	s5 =	simm.s32 @p0 $0x1B8D  }
0xad: {  	_ =	swait.eq @p0 [sflag:s5], $0x1  }
0xae: {  	[sflag:s5] =	ssyncadd.s32 @p0 $0xFFFFFFFF  }
0xaf: {  	s6 =	sshll.u32 @!p0 s1, $0xE  }
0xb0: {  	s6 =	sor.u32 @!p0 $0x4000, s6;
	s5 =	simm.s32 @!p0 $0x1B8D  }
0xb1: {  	s4 =	sshll.u32 @!p0 s4, $0x11;
	s6 =	sadd.s32 @!p0 $0x11B8D, s6;
	_ =	swait.eq @!p0 [sflag:s5], $0x1  }
0xb2: {  	s4 =	sor.u32 @!p0 s4, s6;
	[sflag:s5] =	ssyncadd.s32 @!p0 $0xFFFFFFFF  }
0xb3: {  	s25 =	simm.s32 $0x1B8E;
	s24 =	sld [smem:$0x3FFE];
	[sflag:s4] =	ssyncadd.remote.s32 @!p0 $0x1  }
0xb4: {  	s26 =	simm.s32 $execute0_lowered;
	[smem:$0x3FD2] =	sst s25  }
0xb5: {  	s5 =	sshll.u32 s26, $0x1;
	_ =	strace $0x80000049;
	[dreg:$0x1] =	wrdreg $0xFFFFFFFF  }
0xb6: {  	s28 =	simm.s32 $_size_execute0_lowered;
	s3 =	sadd.s32 s3, s5;
	[dreg:$0x0] =	wrdreg $0x0  }
0xb7: {  	s5 =	sshll.u32 s28, $0x1;
	[dreg:$0x2] =	wrdreg s3  }
0xb8: {  	[dreg:$0x3] =	wrdreg s5  }
0xb9: {  	[dreg:$0x4] =	wrdreg $0xC0  }
0xba: {  	_ =	task [dreg:s22], $0x5FFFF  }
0xbb: {  	[dreg:$0x1] =	wrdreg $0xFFFFFFFF  }
0xbc: {  	[dreg:$0x0] =	wrdreg $0x60  }
0xbd: {  	[dreg:$0x2] =	wrdreg s24  }
0xbe: {  	[dreg:$0x3] =	wrdreg $0x9  }
0xbf: {  	_ =	task.clear_ibuf [dreg:s22], $0x4FFFF;
	_ =	strace $0x90000049  }
0xc0: {  	s29 =	simm.s32 $0x9;
	_ =	strace $0x8000004B  }
0xc1: {  	_ =	swait.ge [sflag:s29], $0x1  }
0xc2: {  	[sflag:s29] =	ssyncadd.s32 $0xFFFFFFFF  }
0xc3: {  	_ =	strace $0x9000004B  }
0xc4: {  	_ =	sfence  }
0xc5: {  	s30 =	sld [smem:$0x0];
	_ =	sdelay $0x2  }
0xc6: {  	s31 =	sshll.u32 s1, $0xD;
	s1 =	sshrl.u32 s1, $0x2  }
0xc7: {  	s4 =	sand.u32 $0x4000, s31;
	s1 =	sadd.s32 s1, s30  }
0xc8: {  	s0 =	sor.u32 s4, s0;
	s1 =	sshll.u32 s1, $0x11  }
0xc9: {  	s0 =	sor.u32 s1, s0  }
0xca: {  	s0 =	sadd.s32 $0x8F2B, s0  }
0xcb: {  	[sflag:s0] =	ssyncadd.remote.s32 $0x1  }
0xcc: {  	_ =	sfence.sel $0xFFFF  }
0xcd: {  	[dreg:$0x0] =	wrdreg $0xFFFFFFFF;
	(pc) =	sbr.abs _section_cstart, $3  }
0xce: {  	[dreg:$0x1] =	wrdreg $0xFFFFFFFF  }
0xcf: {  	_ =	task.clear_ibuf [dreg:s22], $0x2FFFF;
	_ =	strace $0x9FFFFFFF  }
0xd0: {  	(tm) =	ssettm $0x7FFFFFFF  }
0xd1: {  	_ =	shalt  }
tec
execute0_lowered:
.L_overlay_start_1:
0x0: {  	(tag) =	ssettag $0x1  }
0x1: {  	s0 =	srdreg.scid  }
0x2: {  	s1 =	rddreg [dreg:$0x0];
	s9 =	stileid.u32  }
0x3: {  	s2 =	simm.s32 $0x0;
	s11 =	simm.s32 $0x9;
	s13 =	simm.s32 $0x80  }
0x4: {  	s14 =	simm.s32 $0x2800;
	s16 =	simm.s32 $0x6800;
	s17 =	simm.s32 $0x1  }
0x5: {  	s18 =	simm.s32 $0xA800;
	s19 =	simm.s32 $0x2;
	s20 =	simm.s32 $0xE800  }
0x6: {  	s21 =	simm.s32 $0x3;
	s22 =	simm.s32 $0x4;
	s24 =	simm.s32 $0x6  }
0x7: {  	s28 =	simm.s32 $0x0;
	s0 =	sand.u32 $0x1, s0;
	s8 =	smul.u32 $0x28, s9  }
0x8: {  	[smem:$0x7FF] =	sst s2;
	s31 =	smul.u32 $0x14000, s9;
	s3 =	sshll.u32 s0, $0x4  }
0x9: {  	s4 =	sadd.s32 $0x36E00, s1;
	s6 =	smul.u32 $0x280, s0;
	s3 =	sor.u32 s9, s3  }
0xa: {  	s10 =	sadd.s32 $0x30F200, s1;
	s7 =	ssub.s32 $0x2, s0;
	s5 =	smul.u32 $0x280, s3  }
0xb: {  	_ =	strace $0x8000004A;
	s0 =	smul.u32 $0x140000, s0;
	s25 =	sshrl.u32 s7, $0x1  }
0xc: {  	s3 =	sadd.s32 $0xFC00, s1;
	s29 =	sadd.s32 s8, s6;
	s5 =	sadd.s32 s5, s1  }
0xd: {  	s0 =	sadd.s32 s0, s10;
	s30 =	sshll.u32 s29, $0xB;
	s26 =	sadd.s32 $0x305200, s5  }
0xe: {  	s1 =	ssub.s32 s7, s25;
	s5 =	sadd.s32 $0x30A200, s5;
	[dreg:$0x2] =	wrdreg s26  }
0xf: {  	s25 =	simm.s32 $0x7;
	s1 =	smax.u32 s1, $0x1;
	[dreg:$0x3] =	wrdreg s5  }
0x10: {  	[dreg:$0x4] =	wrdreg s1;
	s5 =	sadd.s32 s30, s10;
	s10 =	sadd.s32 s31, s0  }
0x11: {  	s26 =	simm.s32 $0x8;
	s1 =	sadd.s32 $0x1800, s5;
	s9 =	sadd.s32 $0x1000, s5  }
.LBB2_1:
0x12: {  	s0 =	rddreg [dreg:$0x2]  }
0x13: {  	[tilespmem:s2], [sflag:$0x9] =	stream.linear.gather [hbm4b:s0+s2], $0x1400, $0x38;
	[tilespmem:$0x12800] =	vst v63  }
0x14: {  	_ =	swait.ge [sflag:s11], $0x1400  }
0x15: {  	[sflag:s11] =	ssyncset.done $0x0  }
0x16: {  	s5 =	simm.s32 $0x1400;
	s12 =	rddreg [dreg:$0x3];
	[sflag:s11] =	ssyncadd.s32 $0xFFFFEC00  }
0x17: {  	[tilespmem:s5], [sflag:$0x9] =	stream.linear.gather [hbm4b:s12+s2], $0x1400, $0x38;
	[tilespmem:$0x12800] =	vst v63  }
0x18: {  	_ =	swait.ge [sflag:s11], $0x1400  }
0x19: {  	[sflag:s11] =	ssyncset.done $0x0  }
0x1a: {  	[sflag:s11] =	ssyncadd.s32 $0xFFFFEC00  }
0x1b: {  	[tilespmem:s14], [sflag:$0x1] =	stream.indirect.gather [hbm4b:s3+s13], $0x80, s5, s13, $0xb8;
	[tilespmem:$0x12800] =	vst v63  }
0x1c: {  	s15 =	simm.s32 $0x1480  }
0x1d: {  	[tilespmem:s16], [sflag:$0x2] =	stream.indirect.gather [hbm4b:s3+s13], $0x80, s15, s13, $0xb8;
	[tilespmem:$0x12800] =	vst v63  }
0x1e: {  	_ =	swait.ge [sflag:s17], $0x4000  }
0x1f: {  	p0 =	por $0x1, $0x1;
	[sflag:s17] =	ssyncset.done $0x0  }
0x20: {  	s23 =	simm.s32 $0x0;
	s5 =	simm.s32 @!p0 $0x7;
	[sflag:s17] =	ssyncadd.s32 $0xFFFFC000  }
0x21: {  	[tilespmem:s14], [sflag:$0x1] =	stream.indirect.gather.add.f32 [hbm:s4], $0x80, s23, s13, $0xb8;
	[tilespmem:$0x12800] =	vst v63  }
0x22: {  	_ =	swait.ge @!p0 [sflag:s5], $0x4000  }
0x23: {  	[sflag:s5] =	ssyncset.done @!p0 $0x0  }
0x24: {  	s6 =	simm.s32 $0x1500;
	[sflag:s5] =	ssyncadd.s32 @!p0 $0xFFFFC000  }
0x25: {  	[tilespmem:s18], [sflag:$0x3] =	stream.indirect.gather [hbm4b:s3+s13], $0x80, s6, s13, $0xb8;
	[tilespmem:$0x12800] =	vst v63  }
0x26: {  	_ =	swait.ge [sflag:s17], $0x4000  }
0x27: {  	[sflag:s17] =	ssyncset.done $0x0  }
0x28: {  	[sflag:s17] =	ssyncadd.s32 $0xFFFFC000  }
0x29: {  	[hbm4b:s10+s2] =	stream.linear.scatter [tilespmem:s14], [sflag:$0x5], $0x4000, $0x38;
	[tilespmem:$0x12800] =	vst v63  }
0x2a: {  	_ =	swait.ge [sflag:s19], $0x4000  }
0x2b: {  	[sflag:s19] =	ssyncset.done $0x0  }
0x2c: {  	s7 =	simm.s32 $0x80;
	s5 =	simm.s32 @!p0 $0x8;
	[sflag:s19] =	ssyncadd.s32 $0xFFFFC000  }
0x2d: {  	[tilespmem:s16], [sflag:$0x2] =	stream.indirect.gather.add.f32 [hbm:s4], $0x80, s7, s13, $0xb8;
	[tilespmem:$0x12800] =	vst v63  }
0x2e: {  	_ =	swait.ge @!p0 [sflag:s5], $0x4000  }
0x2f: {  	[sflag:s5] =	ssyncset.done @!p0 $0x0  }
0x30: {  	s8 =	simm.s32 $0x1580;
	[sflag:s5] =	ssyncadd.s32 @!p0 $0xFFFFC000  }
0x31: {  	[tilespmem:s20], [sflag:$0x4] =	stream.indirect.gather [hbm4b:s3+s13], $0x80, s8, s13, $0xb8;
	[tilespmem:$0x12800] =	vst v63  }
0x32: {  	_ =	swait.ge [sflag:s19], $0x4000  }
0x33: {  	[sflag:s19] =	ssyncset.done $0x0  }
0x34: {  	s12 =	sadd.s32 $0xFFFFF000, s1;
	[sflag:s19] =	ssyncadd.s32 $0xFFFFC000  }
0x35: {  	[hbm4b:s12+s2] =	stream.linear.scatter [tilespmem:s16], [sflag:$0x6], $0x4000, $0x38;
	[tilespmem:$0x12800] =	vst v63  }
0x36: {  	_ =	swait.ge [sflag:s21], $0x4000  }
0x37: {  	p0 =	por $0x0, $0x0;
	[sflag:s21] =	ssyncset.done $0x0  }
0x38: {  	s15 =	simm.s32 $0x100;
	s5 =	simm.s32 @!p0 $0x5;
	[sflag:s21] =	ssyncadd.s32 $0xFFFFC000  }
0x39: {  	[tilespmem:s18], [sflag:$0x3] =	stream.indirect.gather.add.f32 [hbm:s4], $0x80, s15, s13, $0xb8;
	[tilespmem:$0x12800] =	vst v63  }
0x3a: {  	_ =	swait.ge @!p0 [sflag:s5], $0x4000  }
0x3b: {  	s0 =	simm.s32 @!p0 $0x1600;
	[sflag:s5] =	ssyncset.done @!p0 $0x0  }
0x3c: {  	s8 =	simm.s32 @!p0 $0x80;
	s15 =	simm.s32 @!p0 $0x2800;
	[sflag:s5] =	ssyncadd.s32 @!p0 $0xFFFFC000  }
0x3d: {  	[tilespmem:s15], [sflag:$0x1] =	stream.indirect.gather @!p0 [hbm4b:s3+s8], $0x80, s0, s8, $0xb8;
	[tilespmem:$0x12800] =	vst v63  }
0x3e: {  	_ =	swait.ge [sflag:s21], $0x4000  }
0x3f: {  	[sflag:s21] =	ssyncset.done $0x0  }
0x40: {  	[sflag:s21] =	ssyncadd.s32 $0xFFFFC000  }
0x41: {  	[hbm4b:s9+s2] =	stream.linear.scatter [tilespmem:s18], [sflag:$0x7], $0x4000, $0x38;
	[tilespmem:$0x12800] =	vst v63  }
0x42: {  	_ =	swait.ge [sflag:s22], $0x4000  }
0x43: {  	[sflag:s22] =	ssyncset.done $0x0  }
0x44: {  	s23 =	simm.s32 $0x180;
	s5 =	simm.s32 @!p0 $0x6;
	[sflag:s22] =	ssyncadd.s32 $0xFFFFC000  }
0x45: {  	[tilespmem:s20], [sflag:$0x4] =	stream.indirect.gather.add.f32 [hbm:s4], $0x80, s23, s13, $0xb8;
	[tilespmem:$0x12800] =	vst v63  }
0x46: {  	_ =	swait.ge @!p0 [sflag:s5], $0x4000  }
0x47: {  	s29 =	simm.s32 $0x800;
	[sflag:s5] =	ssyncset.done @!p0 $0x0  }
0x48: {  	s0 =	simm.s32 @!p0 $0x1680;
	s15 =	simm.s32 @!p0 $0x6800;
	[sflag:s5] =	ssyncadd.s32 @!p0 $0xFFFFC000  }
0x49: {  	[tilespmem:s15], [sflag:$0x2] =	stream.indirect.gather @!p0 [hbm4b:s3+s8], $0x80, s0, s8, $0xb8;
	[tilespmem:$0x12800] =	vst v63  }
0x4a: {  	s30 =	sadd.s32 $0x2000, s9;
	s31 =	sadd.s32 $0x2000, s10;
	_ =	swait.ge [sflag:s22], $0x4000  }
0x4b: {  	s8 =	smov.u32 s1;
	s0 =	smov.u32 s1;
	[sflag:s22] =	ssyncset.done $0x0  }
.LBB2_2:
0x4c: {  	[sflag:s22] =	ssyncadd.s32 $0xFFFFC000  }
0x4d: {  	s8 =	sadd.s32 $0x2000, s8;
	s5 =	smov.u32 s29;
	s29 =	sadd.s32 $0x800, s29  }
0x4e: {  	[hbm4b:s0+s2] =	stream.linear.scatter [tilespmem:s20], [sflag:$0x8], $0x4000, $0x38;
	[tilespmem:$0x12800] =	vst v63  }
0x4f: {  	p0 =	sne.s32 s29, $0x5000;
	s0 =	smov.u32 s8;
	_ =	swait.ge [sflag:s17], $0x4000  }
0x50: {  	s15 =	sshra.s32 s5, $0x2;
	p1 =	seq.s32 s5, $0x0;
	[sflag:s17] =	ssyncset.done $0x0  }
0x51: {  	s6 =	simm.s32 @!p1 $0x7;
	[sflag:s17] =	ssyncadd.s32 $0xFFFFC000  }
0x52: {  	[tilespmem:s14], [sflag:$0x1] =	stream.indirect.gather.add.f32 [hbm:s4], $0x80, s15, s13, $0xb8;
	[tilespmem:$0x12800] =	vst v63  }
0x53: {  	_ =	swait.ge @!p1 [sflag:s6], $0x4000  }
0x54: {  	s7 =	sadd.s32 $0x1500, s15;
	[sflag:s6] =	ssyncset.done @!p1 $0x0  }
0x55: {  	[sflag:s6] =	ssyncadd.s32 @!p1 $0xFFFFC000  }
0x56: {  	[tilespmem:s18], [sflag:$0x3] =	stream.indirect.gather [hbm4b:s3+s13], $0x80, s7, s13, $0xb8;
	[tilespmem:$0x12800] =	vst v63  }
0x57: {  	_ =	swait.ge [sflag:s17], $0x4000  }
0x58: {  	[sflag:s17] =	ssyncset.done $0x0  }
0x59: {  	[sflag:s17] =	ssyncadd.s32 $0xFFFFC000  }
0x5a: {  	[hbm4b:s31+s2] =	stream.linear.scatter [tilespmem:s14], [sflag:$0x5], $0x4000, $0x38;
	[tilespmem:$0x12800] =	vst v63  }
0x5b: {  	_ =	swait.ge [sflag:s19], $0x4000  }
0x5c: {  	s6 =	sadd.s32 $0x80, s15;
	[sflag:s19] =	ssyncset.done $0x0  }
0x5d: {  	s7 =	simm.s32 @!p1 $0x8;
	[sflag:s19] =	ssyncadd.s32 $0xFFFFC000  }
0x5e: {  	[tilespmem:s16], [sflag:$0x2] =	stream.indirect.gather.add.f32 [hbm:s4], $0x80, s6, s13, $0xb8;
	[tilespmem:$0x12800] =	vst v63  }
0x5f: {  	_ =	swait.ge @!p1 [sflag:s7], $0x4000  }
0x60: {  	s6 =	sadd.s32 $0x1580, s15;
	[sflag:s7] =	ssyncset.done @!p1 $0x0  }
0x61: {  	[sflag:s7] =	ssyncadd.s32 @!p1 $0xFFFFC000  }
0x62: {  	[tilespmem:s20], [sflag:$0x4] =	stream.indirect.gather [hbm4b:s3+s13], $0x80, s6, s13, $0xb8;
	[tilespmem:$0x12800] =	vst v63  }
0x63: {  	_ =	swait.ge [sflag:s19], $0x4000  }
0x64: {  	s6 =	sadd.s32 $0xFFFFF000, s8;
	[sflag:s19] =	ssyncset.done $0x0  }
0x65: {  	[sflag:s19] =	ssyncadd.s32 $0xFFFFC000  }
0x66: {  	[hbm4b:s6+s2] =	stream.linear.scatter [tilespmem:s16], [sflag:$0x6], $0x4000, $0x38;
	[tilespmem:$0x12800] =	vst v63  }
0x67: {  	_ =	swait.ge [sflag:s21], $0x4000  }
0x68: {  	p1 =	seq.s32 s5, $0x4800;
	s6 =	sadd.s32 $0x100, s15;
	[sflag:s21] =	ssyncset.done $0x0  }
0x69: {  	s7 =	simm.s32 @!p1 $0x5;
	s5 =	sshra.s32 @!p1 s5, $0x2;
	[sflag:s21] =	ssyncadd.s32 $0xFFFFC000  }
0x6a: {  	[tilespmem:s18], [sflag:$0x3] =	stream.indirect.gather.add.f32 [hbm:s4], $0x80, s6, s13, $0xb8;
	[tilespmem:$0x12800] =	vst v63  }
0x6b: {  	s6 =	sadd.s32 @!p1 $0x1600, s5;
	s5 =	sadd.s32 @!p1 $0x1680, s5;
	_ =	swait.ge @!p1 [sflag:s7], $0x4000  }
0x6c: {  	s12 =	simm.s32 @!p1 $0x80;
	s23 =	simm.s32 @!p1 $0x2800;
	[sflag:s7] =	ssyncset.done @!p1 $0x0  }
0x6d: {  	[sflag:s7] =	ssyncadd.s32 @!p1 $0xFFFFC000  }
0x6e: {  	[tilespmem:s23], [sflag:$0x1] =	stream.indirect.gather @!p1 [hbm4b:s3+s12], $0x80, s6, s12, $0xb8;
	[tilespmem:$0x12800] =	vst v63  }
0x6f: {  	_ =	swait.ge [sflag:s21], $0x4000  }
0x70: {  	[sflag:s21] =	ssyncset.done $0x0  }
0x71: {  	[sflag:s21] =	ssyncadd.s32 $0xFFFFC000  }
0x72: {  	[hbm4b:s30+s2] =	stream.linear.scatter [tilespmem:s18], [sflag:$0x7], $0x4000, $0x38;
	[tilespmem:$0x12800] =	vst v63  }
0x73: {  	_ =	swait.ge [sflag:s22], $0x4000  }
0x74: {  	s6 =	sadd.s32 $0x180, s15;
	[sflag:s22] =	ssyncset.done $0x0  }
0x75: {  	s7 =	simm.s32 @!p1 $0x6;
	[sflag:s22] =	ssyncadd.s32 $0xFFFFC000  }
0x76: {  	[tilespmem:s20], [sflag:$0x4] =	stream.indirect.gather.add.f32 [hbm:s4], $0x80, s6, s13, $0xb8;
	[tilespmem:$0x12800] =	vst v63  }
0x77: {  	_ =	swait.ge @!p1 [sflag:s7], $0x4000  }
.Ltmp0:
0x78: {  	s6 =	simm.s32 @!p1 $0x6800;
	[sflag:s7] =	ssyncset.done @!p1 $0x0;
	(pc) =	sbr.rel @p0 .LBB2_2-.Ltmp0, $4  }
0x79: {  	[sflag:s7] =	ssyncadd.s32 @!p1 $0xFFFFC000  }
0x7a: {  	[tilespmem:s6], [sflag:$0x2] =	stream.indirect.gather @!p1 [hbm4b:s3+s12], $0x80, s5, s12, $0xb8;
	[tilespmem:$0x12800] =	vst v63  }
0x7b: {  	_ =	swait.ge [sflag:s22], $0x4000  }
0x7c: {  	s31 =	sadd.s32 $0x2000, s31;
	s30 =	sadd.s32 $0x2000, s30;
	[sflag:s22] =	ssyncset.done $0x0  }
0x7d: {  	[sflag:s22] =	ssyncadd.s32 $0xFFFFC000;
	s30 =	simm.s32 $0x5  }
0x7e: {  	[hbm4b:s0+s2] =	stream.linear.scatter [tilespmem:s20], [sflag:$0x8], $0x4000, $0x38;
	[tilespmem:$0x12800] =	vst v63  }
0x7f: {  	_ =	swait.ge [sflag:s30], $0x4000  }
0x80: {  	[sflag:s30] =	ssyncset.done $0x0  }
0x81: {  	[sflag:s30] =	ssyncadd.s32 $0xFFFFC000  }
0x82: {  	_ =	swait.ge [sflag:s24], $0x4000  }
0x83: {  	[sflag:s24] =	ssyncset.done $0x0  }
0x84: {  	[sflag:s24] =	ssyncadd.s32 $0xFFFFC000  }
0x85: {  	_ =	swait.ge [sflag:s25], $0x4000  }
0x86: {  	[sflag:s25] =	ssyncset.done $0x0  }
0x87: {  	[sflag:s25] =	ssyncadd.s32 $0xFFFFC000  }
0x88: {  	_ =	swait.ge [sflag:s26], $0x4000  }
0x89: {  	s28 =	sadd.s32 $0x1, s28;
	s31 =	rddreg [dreg:$0x4]  }
0x8a: {  	p0 =	sne.s32 s28, s31  }
.Ltmp1:
0x8b: {  	_ = 	snop;
	(pc) =	sbr.rel @p0 .LBB2_1-.Ltmp1, $3  }
0x8c: {  	_ =	sdelay $0x1  }
0x8d: {  	[sflag:s26] =	ssyncset.done $0x0  }
0x8e: {  	[sflag:s26] =	ssyncadd.s32 $0xFFFFC000  }
0x8f: {  	_ =	sfence.sel $0x180000  }
0x90: {  	[bflag:$0x0] =	sbarrier.arrive $0xFFFF  }
0x91: {  	_ =	strace $0x9000004A  }
0x92: {  	s0 =	stileid.u32;
	[bflag:$0x2] =	sbarrier.arrive $0xFFFF  }
0x93: {  	p0 =	sne.s32 s0, $0x0;
	s0 =	rddreg [dreg:$0x1]  }
0x94: {  	s0 =	sadd.s32 @!p0 $0x100000, s0  }
0x95: {  	[sflag:s0] =	ssyncadd.tile.s32 @!p0 $0x1;
	_ =	shalt  }
.Lfunc_end2:
_tile_overlayer_lowered:
.L_overlay_start_2:
0x96: {  	(tag) =	ssettag $0x2  }
0x97: {  	s0 =	rddreg [dreg:$0x0];
	s2 =	stileid.u32  }
0x98: {  	s1 =	rddreg [dreg:$0x1];
	p0 =	sne.s32 s2, $0x0  }
0x99: {  	s3 =	rddreg [dreg:$0x2];
	[bflag:$0x3] =	sbarrier.arrive $0xFFFF;
	s2 =	simm.s32 @!p0 $0x1C09  }
0x9a: {  	[timem:s3], [sflag:s2] =	dma.local @!p0 [hbm:s0], s1  }
0x9b: {  	s0 =	simm.s32 @!p0 $0x9  }
0x9c: {  	_ =	swait.ge @!p0 [sflag:s0], s1  }
0x9d: {  	s1 =	ssub.s32 @!p0 $0x0, s1;
	[sflag:s0] =	ssyncset.done @!p0 $0x0  }
0x9e: {  	[sflag:s0] =	ssyncadd.s32 @!p0 s1  }
0x9f: {  	[bflag:$0x3] =	sbarrier.arrive $0xFFFF  }
0xa0: {  	_ =	shalt  }

// kernel: kernel.13.cloned.1.call-start
scs
__scs_entry_jumppad:
0x0: {  	(pc) =	sbr.rel $0x88, $3  }
0x1: {  	(tag) =	ssettag $0x0;
	lr =	simm.s32 $0x1  }
0x2: {  	[smem:$0x3F8A] =	sst lr;
	_ =	strace $0xD0000000  }
0x3: {  	_ = 	snop  }
0x4: {  	_ = 	snop  }
0x5: {  	_ = 	snop  }
0x6: {  	_ = 	snop  }
0x7: {  	_ = 	snop  }
__scs_overlays_trampoline_lowered:
0x8: {  	[smem:$0x3F99] =	sst s0  }
0x9: {  	[smem:$0x3F9A] =	sst s1  }
0xa: {  	[smem:$0x3F9B] =	sst s2  }
0xb: {  	[smem:$0x3F9C] =	sst s3  }
0xc: {  	[smem:$0x3F9D] =	sst s4  }
0xd: {  	[smem:$0x3F9E] =	sst s5  }
0xe: {  	[smem:$0x3F9F] =	sst s6  }
0xf: {  	[smem:$0x3FA0] =	sst s7  }
0x10: {  	[smem:$0x3FA1] =	sst s8  }
0x11: {  	[smem:$0x3FA2] =	sst s9;
	s0 =	simm.s32 @!p0 $0x0  }
0x12: {  	s1 =	sld [smem:$0x3F88];
	s0 =	simm.s32 @p0 $0x1  }
0x13: {  	[smem:$0x3FA3] =	sst s0;
	s0 =	simm.s32 @!p1 $0x0  }
0x14: {  	s2 =	sld [smem:$0x3F87];
	s0 =	simm.s32 @p1 $0x1  }
0x15: {  	[smem:$0x3FA4] =	sst s0;
	s0 =	simm.s32 @!p2 $0x0  }
0x16: {  	s3 =	sld [smem:$0x3FDB];
	s0 =	simm.s32 @p2 $0x1  }
0x17: {  	s4 =	simm.s32 $0x1BF5;
	[smem:$0x3FA6] =	sst s0  }
0x18: {  	s0 =	sld [smem:$0x3F89];
	_ =	swait.ge [sflag:s4], $0x0  }
0x19: {  	s7 =	sld [smem:$0x3F8A]  }
0x1a: {  	s8 =	sadd.s32 $0xFFFFE003, lr  }
0x1b: {  	s9 =	sadd.s32 $0xFFFFFEF7, lr;
	s5 =	simm.s32 $0xFFFFFFFF;
	p2 =	slt.u32 s8, $0xFFFFF086  }
0x1c: {  	p1 =	slt.u32 s9, $0xF7A;
	s5 =	simm.s32 @!p2 $0x0  }
0x1d: {  	s5 =	simm.s32 @p1 $0x1;
	p0 =	seq.s32 s7, s2  }
0x1e: {  	s7 =	smul.u32 @!p0 $0xF7A, s2;
	p2 =	seq.s32 @!p0 s5, $0x0  }
0x1f: {  	s9 =	smul.u32 $0xF7A, s1;
	s8 =	simm.s32 @!p0 $0x1BF5;
	p2 =	por !p2, p0  }
0x20: {  	[sflag:s8] =	ssyncset.s32 @!p0 $0xFFFFF086;
	s6 =	sadd.s32 @!p0 s3, s7;
	s7 =	simm.s32 @!p0 $0x108  }
0x21: {  	s3 =	sadd.s32 s3, s9;
	s6 =	sadd.s32 @!p0 $0x88, s6;
	s7 =	simm.s32 @p2 $0x1082  }
0x22: {  	[simem:s7], [sflag:s8] =	dma.local @!p0 [hbm:s6], $0xF7A  }
0x23: {  	s9 =	sor.u32 $0xD0000000, s2;
	s6 =	simm.s32 $0x108;
	_ =	swait.ge @!p0 [sflag:s8], $0x0  }
0x24: {  	s3 =	sadd.s32 $0x88, s3;
	s6 =	simm.s32 @!p1 $0x1082;
	[sflag:s4] =	ssyncset.s32 $0xFFFFF086  }
0x25: {  	[simem:s6], [sflag:s4] =	dma.local [hbm:s3], $0xF7A  }
0x26: {  	[smem:$0x3F8A] =	sst s1;
	(tag) =	ssettag s2;
	_ =	strace s9  }
0x27: {  	s1 =	sld [smem:$0x3F9A]  }
0x28: {  	s2 =	sld [smem:$0x3F9B]  }
0x29: {  	s4 =	sld [smem:$0x3F9D]  }
0x2a: {  	p0 =	seq.s32 s5, $0x0;
	s5 =	sld [smem:$0x3F9E]  }
0x2b: {  	s6 =	sld [smem:$0x3F9F]  }
0x2c: {  	s7 =	sld [smem:$0x3FA0]  }
0x2d: {  	s3 =	simm.s32 $0x108;
	s8 =	sld [smem:$0x3FA1]  }
0x2e: {  	s3 =	simm.s32 @!p0 $0x1082;
	s9 =	sld [smem:$0x3FA2]  }
0x2f: {  	lr =	sadd.s32 s0, s3;
	s0 =	sld [smem:$0x3F99]  }
0x30: {  	s3 =	sld [smem:$0x3F9C]  }
0x31: {  	[smem:$0x3FA5] =	sst s10  }
0x32: {  	s10 =	sld [smem:$0x3FA3];
	_ =	sdelay $0x3  }
0x33: {  	p0 =	seq.s32 s10, $0x1;
	s10 =	sld [smem:$0x3FA5];
	_ =	sdelay $0x3  }
0x34: {  	[smem:$0x3FA5] =	sst s10  }
0x35: {  	s10 =	sld [smem:$0x3FA4];
	_ =	sdelay $0x3  }
0x36: {  	p1 =	seq.s32 s10, $0x1;
	s10 =	sld [smem:$0x3FA5];
	_ =	sdelay $0x3  }
0x37: {  	[smem:$0x3FA5] =	sst s10  }
0x38: {  	s10 =	sld [smem:$0x3FA6]  }
0x39: {  	_ = 	snop;
	(pc) =	sbr.ind lr, $3  }
0x3a: {  	_ = 	snop  }
0x3b: {  	_ = 	snop  }
0x3c: {  	p2 =	seq.s32 s10, $0x1;
	s10 =	sld [smem:$0x3FA5]  }
0x3d: {  	_ =	shalt  }
0x3e: {  	_ =	shalt  }
0x3f: {  	_ =	shalt  }
0x40: {  	_ =	shalt  }
0x41: {  	_ =	shalt  }
0x42: {  	_ =	shalt  }
0x43: {  	_ =	shalt  }
0x44: {  	_ =	shalt  }
0x45: {  	_ =	shalt  }
0x46: {  	_ =	shalt  }
0x47: {  	_ =	shalt  }
0x48: {  	_ =	shalt  }
0x49: {  	_ =	shalt  }
0x4a: {  	_ =	shalt  }
0x4b: {  	_ =	shalt  }
0x4c: {  	_ =	shalt  }
0x4d: {  	_ =	shalt  }
0x4e: {  	_ =	shalt  }
0x4f: {  	_ =	shalt  }
0x50: {  	_ =	shalt  }
0x51: {  	_ =	shalt  }
0x52: {  	_ =	shalt  }
0x53: {  	_ =	shalt  }
0x54: {  	_ =	shalt  }
0x55: {  	_ =	shalt  }
0x56: {  	_ =	shalt  }
0x57: {  	_ =	shalt  }
0x58: {  	_ =	shalt  }
0x59: {  	_ =	shalt  }
0x5a: {  	_ =	shalt  }
0x5b: {  	_ =	shalt  }
0x5c: {  	_ =	shalt  }
0x5d: {  	_ =	shalt  }
0x5e: {  	_ =	shalt  }
0x5f: {  	_ =	shalt  }
0x60: {  	_ =	shalt  }
0x61: {  	_ =	shalt  }
0x62: {  	_ =	shalt  }
0x63: {  	_ =	shalt  }
0x64: {  	_ =	shalt  }
0x65: {  	_ =	shalt  }
0x66: {  	_ =	shalt  }
0x67: {  	_ =	shalt  }
0x68: {  	_ =	shalt  }
0x69: {  	_ =	shalt  }
0x6a: {  	_ =	shalt  }
0x6b: {  	_ =	shalt  }
0x6c: {  	_ =	shalt  }
0x6d: {  	_ =	shalt  }
0x6e: {  	_ =	shalt  }
0x6f: {  	_ =	shalt  }
0x70: {  	_ =	shalt  }
0x71: {  	_ =	shalt  }
0x72: {  	_ =	shalt  }
0x73: {  	_ =	shalt  }
0x74: {  	_ =	shalt  }
0x75: {  	_ =	shalt  }
0x76: {  	_ =	shalt  }
0x77: {  	_ =	shalt  }
0x78: {  	_ =	shalt  }
0x79: {  	_ =	shalt  }
0x7a: {  	_ =	shalt  }
0x7b: {  	_ =	shalt  }
0x7c: {  	_ =	shalt  }
0x7d: {  	_ =	shalt  }
0x7e: {  	_ =	shalt  }
0x7f: {  	_ =	shalt  }
0x80: {  	_ =	shalt  }
0x81: {  	_ =	shalt  }
0x82: {  	_ =	shalt  }
0x83: {  	_ =	shalt  }
0x84: {  	_ =	shalt  }
0x85: {  	_ =	shalt  }
0x86: {  	_ =	shalt  }
0x87: {  	_ =	shalt  }
.Lfunc_end0:
.L_simem_size_0:
called_computation.1_lowered:
.L_overlay_start_0:
0x88: {  	s2 =	sld [smem:$0x3FD9]  }
0x89: {  	s3 =	sld [smem:$0x3FFE];
	_ =	sdelay $0x1  }
0x8a: {  	s1 =	srdreg.scid  }
0x8b: {  	s0 =	sand.u32 $0x1, s1  }
0x8c: {  	s16 =	sshll.u32 s0, $0xA;
	s2 =	sadd.s32 s3, s2  }
0x8d: {  	s2 =	sadd.s32 s2, s16  }
0x8e: {  	[smem:$0x3FB1] =	sst s2  }
0x8f: {  	_ = 	snop  }
0x90: {  	(tm) =	ssettm $0x1  }
0x91: {  	s17 =	sld [smem:$0x3FFB];
	_ =	sdelay $0x3  }
0x92: {  	_ =	strace s17  }
0x93: {  	s2 =	sld [smem:$0x3FFC];
	_ =	sdelay $0x3  }
0x94: {  	_ =	strace s2  }
0x95: {  	s2 =	sld [smem:$0x3FFD];
	_ =	sdelay $0x3  }
0x96: {  	_ =	strace s2  }
0x97: {  	_ =	strace $0x8FFFFFFF  }
0x98: {  	s18 =	sld [smem:$0x3FDB];
	_ =	sdelay $0x1  }
0x99: {  	s19 =	simm.s32 $_scs_section_size  }
0x9a: {  	s4 =	simm.s32 $_size__tile_overlayer_lowered;
	s5 =	simm.s32 $_tile_overlayer_lowered  }
0x9b: {  	s22 =	simm.s32 $0x1BFF;
	s21 =	sshll.u32 s5, $0x1;
	s2 =	sadd.s32 s19, s18  }
0x9c: {  	s6 =	simm.s32 $0x0;
	s20 =	sshll.u32 s4, $0x1;
	s4 =	sadd.s32 s21, s2  }
0x9d: {  	[timem:s6], [sflag:s22] =	dma.local [hbm:s4], s20  }
0x9e: {  	_ =	swait.ge [sflag:s22], s20  }
0x9f: {  	s3 =	ssub.s32 $0x0, s20;
	[sflag:s22] =	ssyncset.done $0x0  }
0xa0: {  	[sflag:s22] =	ssyncadd.s32 s3;
	_ =	sdelay $0x1  }
0xa1: {  	s23 =	simm.s32 $0x1B8B  }
0xa2: {  	_ =	swait.ge [sflag:s23], $0x1  }
0xa3: {  	[sflag:s23] =	ssyncset.done $0x0  }
0xa4: {  	s25 =	simm.s32 $0x1B8E;
	s24 =	sld [smem:$0x3FFE];
	[sflag:s23] =	ssyncadd.s32 $0xFFFFFFFF  }
0xa5: {  	s26 =	simm.s32 $execute0_lowered;
	[smem:$0x3FD2] =	sst s25  }
0xa6: {  	s4 =	sshll.u32 s26, $0x1;
	_ =	strace $0x80000046;
	[dreg:$0x1] =	wrdreg $0xFFFFFFFF  }
0xa7: {  	s28 =	simm.s32 $_size_execute0_lowered;
	s2 =	sadd.s32 s2, s4;
	[dreg:$0x0] =	wrdreg $0x0  }
0xa8: {  	s4 =	sshll.u32 s28, $0x1;
	[dreg:$0x2] =	wrdreg s2  }
0xa9: {  	[dreg:$0x3] =	wrdreg s4  }
0xaa: {  	[dreg:$0x4] =	wrdreg $0xC0  }
0xab: {  	_ =	task [dreg:s6], $0x5FFFF  }
0xac: {  	[dreg:$0x1] =	wrdreg $0xFFFFFFFF  }
0xad: {  	[dreg:$0x0] =	wrdreg $0x60  }
0xae: {  	[dreg:$0x2] =	wrdreg s24  }
0xaf: {  	[dreg:$0x3] =	wrdreg $0xA  }
0xb0: {  	_ =	task.clear_ibuf [dreg:s6], $0x4FFFF;
	_ =	strace $0x90000046  }
0xb1: {  	s29 =	simm.s32 $0xA;
	_ =	strace $0x80000048  }
0xb2: {  	_ =	swait.ge [sflag:s29], $0x1  }
0xb3: {  	[sflag:s29] =	ssyncadd.s32 $0xFFFFFFFF  }
0xb4: {  	_ =	strace $0x90000048  }
0xb5: {  	_ =	sfence  }
0xb6: {  	s30 =	sld [smem:$0x0];
	_ =	sdelay $0x2  }
0xb7: {  	s31 =	sshll.u32 s1, $0xD;
	s1 =	sshrl.u32 s1, $0x2  }
0xb8: {  	s3 =	sand.u32 $0x4000, s31;
	s1 =	sadd.s32 s1, s30  }
0xb9: {  	s0 =	sor.u32 s3, s0;
	s1 =	sshll.u32 s1, $0x11  }
0xba: {  	s0 =	sor.u32 s1, s0  }
0xbb: {  	s0 =	sadd.s32 $0x8F2B, s0  }
0xbc: {  	[sflag:s0] =	ssyncadd.remote.s32 $0x1  }
0xbd: {  	_ =	sfence.sel $0xFFFF  }
0xbe: {  	[dreg:$0x0] =	wrdreg $0xFFFFFFFF;
	(pc) =	sbr.abs _section_cstart, $3  }
0xbf: {  	[dreg:$0x1] =	wrdreg $0xFFFFFFFF  }
0xc0: {  	_ =	task.clear_ibuf [dreg:s6], $0x2FFFF;
	_ =	strace $0x9FFFFFFF  }
0xc1: {  	(tm) =	ssettm $0x7FFFFFFF  }
tec
execute0_lowered:
.L_overlay_start_1:
0x0: {  	(tag) =	ssettag $0x1  }
0x1: {  	s0 =	srdreg.scid  }
0x2: {  	s1 =	rddreg [dreg:$0x0];
	s9 =	stileid.u32  }
0x3: {  	s2 =	simm.s32 $0x0;
	s11 =	simm.s32 $0x9;
	s13 =	simm.s32 $0x80  }
0x4: {  	s14 =	simm.s32 $0x2800;
	s16 =	simm.s32 $0x6800;
	s17 =	simm.s32 $0x1  }
0x5: {  	s18 =	simm.s32 $0xA800;
	s19 =	simm.s32 $0x2;
	s20 =	simm.s32 $0xE800  }
0x6: {  	s21 =	simm.s32 $0x3;
	s22 =	simm.s32 $0x4;
	s24 =	simm.s32 $0x6  }
0x7: {  	s28 =	simm.s32 $0x0;
	s0 =	sand.u32 $0x1, s0;
	s8 =	smul.u32 $0x28, s9  }
0x8: {  	[smem:$0x7FF] =	sst s2;
	s31 =	smul.u32 $0x14000, s9;
	s3 =	sshll.u32 s0, $0x4  }
0x9: {  	s4 =	sadd.s32 $0x36E00, s1;
	s6 =	smul.u32 $0x280, s0;
	s3 =	sor.u32 s9, s3  }
0xa: {  	s10 =	sadd.s32 $0x85200, s1;
	s7 =	ssub.s32 $0x2, s0;
	s5 =	smul.u32 $0x280, s3  }
0xb: {  	_ =	strace $0x80000047;
	s0 =	smul.u32 $0x140000, s0;
	s25 =	sshrl.u32 s7, $0x1  }
0xc: {  	s3 =	sadd.s32 $0xFC00, s1;
	s29 =	sadd.s32 s8, s6;
	s5 =	sadd.s32 s5, s1  }
0xd: {  	s0 =	sadd.s32 s0, s10;
	s30 =	sshll.u32 s29, $0xB;
	s26 =	sadd.s32 $0x5C00, s5  }
0xe: {  	s1 =	ssub.s32 s7, s25;
	s5 =	sadd.s32 $0xAC00, s5;
	[dreg:$0x2] =	wrdreg s26  }
0xf: {  	s25 =	simm.s32 $0x7;
	s1 =	smax.u32 s1, $0x1;
	[dreg:$0x3] =	wrdreg s5  }
0x10: {  	[dreg:$0x4] =	wrdreg s1;
	s5 =	sadd.s32 s30, s10;
	s10 =	sadd.s32 s31, s0  }
0x11: {  	s26 =	simm.s32 $0x8;
	s1 =	sadd.s32 $0x1800, s5;
	s9 =	sadd.s32 $0x1000, s5  }
.LBB2_1:
0x12: {  	s0 =	rddreg [dreg:$0x2]  }
0x13: {  	[tilespmem:s2], [sflag:$0x9] =	stream.linear.gather [hbm4b:s0+s2], $0x1400, $0x38;
	[tilespmem:$0x12800] =	vst v63  }
0x14: {  	_ =	swait.ge [sflag:s11], $0x1400  }
0x15: {  	[sflag:s11] =	ssyncset.done $0x0  }
0x16: {  	s5 =	simm.s32 $0x1400;
	s12 =	rddreg [dreg:$0x3];
	[sflag:s11] =	ssyncadd.s32 $0xFFFFEC00  }
0x17: {  	[tilespmem:s5], [sflag:$0x9] =	stream.linear.gather [hbm4b:s12+s2], $0x1400, $0x38;
	[tilespmem:$0x12800] =	vst v63  }
0x18: {  	_ =	swait.ge [sflag:s11], $0x1400  }
0x19: {  	[sflag:s11] =	ssyncset.done $0x0  }
0x1a: {  	[sflag:s11] =	ssyncadd.s32 $0xFFFFEC00  }
0x1b: {  	[tilespmem:s14], [sflag:$0x1] =	stream.indirect.gather [hbm4b:s3+s13], $0x80, s5, s13, $0xb8;
	[tilespmem:$0x12800] =	vst v63  }
0x1c: {  	s15 =	simm.s32 $0x1480  }
0x1d: {  	[tilespmem:s16], [sflag:$0x2] =	stream.indirect.gather [hbm4b:s3+s13], $0x80, s15, s13, $0xb8;
	[tilespmem:$0x12800] =	vst v63  }
0x1e: {  	_ =	swait.ge [sflag:s17], $0x4000  }
0x1f: {  	p0 =	por $0x1, $0x1;
	[sflag:s17] =	ssyncset.done $0x0  }
0x20: {  	s23 =	simm.s32 $0x0;
	s5 =	simm.s32 @!p0 $0x7;
	[sflag:s17] =	ssyncadd.s32 $0xFFFFC000  }
0x21: {  	[tilespmem:s14], [sflag:$0x1] =	stream.indirect.gather.add.f32 [hbm:s4], $0x80, s23, s13, $0xb8;
	[tilespmem:$0x12800] =	vst v63  }
0x22: {  	_ =	swait.ge @!p0 [sflag:s5], $0x4000  }
0x23: {  	[sflag:s5] =	ssyncset.done @!p0 $0x0  }
0x24: {  	s6 =	simm.s32 $0x1500;
	[sflag:s5] =	ssyncadd.s32 @!p0 $0xFFFFC000  }
0x25: {  	[tilespmem:s18], [sflag:$0x3] =	stream.indirect.gather [hbm4b:s3+s13], $0x80, s6, s13, $0xb8;
	[tilespmem:$0x12800] =	vst v63  }
0x26: {  	_ =	swait.ge [sflag:s17], $0x4000  }
0x27: {  	[sflag:s17] =	ssyncset.done $0x0  }
0x28: {  	[sflag:s17] =	ssyncadd.s32 $0xFFFFC000  }
0x29: {  	[hbm4b:s10+s2] =	stream.linear.scatter [tilespmem:s14], [sflag:$0x5], $0x4000, $0x38;
	[tilespmem:$0x12800] =	vst v63  }
0x2a: {  	_ =	swait.ge [sflag:s19], $0x4000  }
0x2b: {  	[sflag:s19] =	ssyncset.done $0x0  }
0x2c: {  	s7 =	simm.s32 $0x80;
	s5 =	simm.s32 @!p0 $0x8;
	[sflag:s19] =	ssyncadd.s32 $0xFFFFC000  }
0x2d: {  	[tilespmem:s16], [sflag:$0x2] =	stream.indirect.gather.add.f32 [hbm:s4], $0x80, s7, s13, $0xb8;
	[tilespmem:$0x12800] =	vst v63  }
0x2e: {  	_ =	swait.ge @!p0 [sflag:s5], $0x4000  }
0x2f: {  	[sflag:s5] =	ssyncset.done @!p0 $0x0  }
0x30: {  	s8 =	simm.s32 $0x1580;
	[sflag:s5] =	ssyncadd.s32 @!p0 $0xFFFFC000  }
0x31: {  	[tilespmem:s20], [sflag:$0x4] =	stream.indirect.gather [hbm4b:s3+s13], $0x80, s8, s13, $0xb8;
	[tilespmem:$0x12800] =	vst v63  }
0x32: {  	_ =	swait.ge [sflag:s19], $0x4000  }
0x33: {  	[sflag:s19] =	ssyncset.done $0x0  }
0x34: {  	s12 =	sadd.s32 $0xFFFFF000, s1;
	[sflag:s19] =	ssyncadd.s32 $0xFFFFC000  }
0x35: {  	[hbm4b:s12+s2] =	stream.linear.scatter [tilespmem:s16], [sflag:$0x6], $0x4000, $0x38;
	[tilespmem:$0x12800] =	vst v63  }
0x36: {  	_ =	swait.ge [sflag:s21], $0x4000  }
0x37: {  	p0 =	por $0x0, $0x0;
	[sflag:s21] =	ssyncset.done $0x0  }
0x38: {  	s15 =	simm.s32 $0x100;
	s5 =	simm.s32 @!p0 $0x5;
	[sflag:s21] =	ssyncadd.s32 $0xFFFFC000  }
0x39: {  	[tilespmem:s18], [sflag:$0x3] =	stream.indirect.gather.add.f32 [hbm:s4], $0x80, s15, s13, $0xb8;
	[tilespmem:$0x12800] =	vst v63  }
0x3a: {  	_ =	swait.ge @!p0 [sflag:s5], $0x4000  }
0x3b: {  	s0 =	simm.s32 @!p0 $0x1600;
	[sflag:s5] =	ssyncset.done @!p0 $0x0  }
0x3c: {  	s8 =	simm.s32 @!p0 $0x80;
	s15 =	simm.s32 @!p0 $0x2800;
	[sflag:s5] =	ssyncadd.s32 @!p0 $0xFFFFC000  }
0x3d: {  	[tilespmem:s15], [sflag:$0x1] =	stream.indirect.gather @!p0 [hbm4b:s3+s8], $0x80, s0, s8, $0xb8;
	[tilespmem:$0x12800] =	vst v63  }
0x3e: {  	_ =	swait.ge [sflag:s21], $0x4000  }
0x3f: {  	[sflag:s21] =	ssyncset.done $0x0  }
0x40: {  	[sflag:s21] =	ssyncadd.s32 $0xFFFFC000  }
0x41: {  	[hbm4b:s9+s2] =	stream.linear.scatter [tilespmem:s18], [sflag:$0x7], $0x4000, $0x38;
	[tilespmem:$0x12800] =	vst v63  }
0x42: {  	_ =	swait.ge [sflag:s22], $0x4000  }
0x43: {  	[sflag:s22] =	ssyncset.done $0x0  }
0x44: {  	s23 =	simm.s32 $0x180;
	s5 =	simm.s32 @!p0 $0x6;
	[sflag:s22] =	ssyncadd.s32 $0xFFFFC000  }
0x45: {  	[tilespmem:s20], [sflag:$0x4] =	stream.indirect.gather.add.f32 [hbm:s4], $0x80, s23, s13, $0xb8;
	[tilespmem:$0x12800] =	vst v63  }
0x46: {  	_ =	swait.ge @!p0 [sflag:s5], $0x4000  }
0x47: {  	s29 =	simm.s32 $0x800;
	[sflag:s5] =	ssyncset.done @!p0 $0x0  }
0x48: {  	s0 =	simm.s32 @!p0 $0x1680;
	s15 =	simm.s32 @!p0 $0x6800;
	[sflag:s5] =	ssyncadd.s32 @!p0 $0xFFFFC000  }
0x49: {  	[tilespmem:s15], [sflag:$0x2] =	stream.indirect.gather @!p0 [hbm4b:s3+s8], $0x80, s0, s8, $0xb8;
	[tilespmem:$0x12800] =	vst v63  }
0x4a: {  	s30 =	sadd.s32 $0x2000, s9;
	s31 =	sadd.s32 $0x2000, s10;
	_ =	swait.ge [sflag:s22], $0x4000  }
0x4b: {  	s8 =	smov.u32 s1;
	s0 =	smov.u32 s1;
	[sflag:s22] =	ssyncset.done $0x0  }
.LBB2_2:
0x4c: {  	[sflag:s22] =	ssyncadd.s32 $0xFFFFC000  }
0x4d: {  	s8 =	sadd.s32 $0x2000, s8;
	s5 =	smov.u32 s29;
	s29 =	sadd.s32 $0x800, s29  }
0x4e: {  	[hbm4b:s0+s2] =	stream.linear.scatter [tilespmem:s20], [sflag:$0x8], $0x4000, $0x38;
	[tilespmem:$0x12800] =	vst v63  }
0x4f: {  	p0 =	sne.s32 s29, $0x5000;
	s0 =	smov.u32 s8;
	_ =	swait.ge [sflag:s17], $0x4000  }
0x50: {  	s15 =	sshra.s32 s5, $0x2;
	p1 =	seq.s32 s5, $0x0;
	[sflag:s17] =	ssyncset.done $0x0  }
0x51: {  	s6 =	simm.s32 @!p1 $0x7;
	[sflag:s17] =	ssyncadd.s32 $0xFFFFC000  }
0x52: {  	[tilespmem:s14], [sflag:$0x1] =	stream.indirect.gather.add.f32 [hbm:s4], $0x80, s15, s13, $0xb8;
	[tilespmem:$0x12800] =	vst v63  }
0x53: {  	_ =	swait.ge @!p1 [sflag:s6], $0x4000  }
0x54: {  	s7 =	sadd.s32 $0x1500, s15;
	[sflag:s6] =	ssyncset.done @!p1 $0x0  }
0x55: {  	[sflag:s6] =	ssyncadd.s32 @!p1 $0xFFFFC000  }
0x56: {  	[tilespmem:s18], [sflag:$0x3] =	stream.indirect.gather [hbm4b:s3+s13], $0x80, s7, s13, $0xb8;
	[tilespmem:$0x12800] =	vst v63  }
0x57: {  	_ =	swait.ge [sflag:s17], $0x4000  }
0x58: {  	[sflag:s17] =	ssyncset.done $0x0  }
0x59: {  	[sflag:s17] =	ssyncadd.s32 $0xFFFFC000  }
0x5a: {  	[hbm4b:s31+s2] =	stream.linear.scatter [tilespmem:s14], [sflag:$0x5], $0x4000, $0x38;
	[tilespmem:$0x12800] =	vst v63  }
0x5b: {  	_ =	swait.ge [sflag:s19], $0x4000  }
0x5c: {  	s6 =	sadd.s32 $0x80, s15;
	[sflag:s19] =	ssyncset.done $0x0  }
0x5d: {  	s7 =	simm.s32 @!p1 $0x8;
	[sflag:s19] =	ssyncadd.s32 $0xFFFFC000  }
0x5e: {  	[tilespmem:s16], [sflag:$0x2] =	stream.indirect.gather.add.f32 [hbm:s4], $0x80, s6, s13, $0xb8;
	[tilespmem:$0x12800] =	vst v63  }
0x5f: {  	_ =	swait.ge @!p1 [sflag:s7], $0x4000  }
0x60: {  	s6 =	sadd.s32 $0x1580, s15;
	[sflag:s7] =	ssyncset.done @!p1 $0x0  }
0x61: {  	[sflag:s7] =	ssyncadd.s32 @!p1 $0xFFFFC000  }
0x62: {  	[tilespmem:s20], [sflag:$0x4] =	stream.indirect.gather [hbm4b:s3+s13], $0x80, s6, s13, $0xb8;
	[tilespmem:$0x12800] =	vst v63  }
0x63: {  	_ =	swait.ge [sflag:s19], $0x4000  }
0x64: {  	s6 =	sadd.s32 $0xFFFFF000, s8;
	[sflag:s19] =	ssyncset.done $0x0  }
0x65: {  	[sflag:s19] =	ssyncadd.s32 $0xFFFFC000  }
0x66: {  	[hbm4b:s6+s2] =	stream.linear.scatter [tilespmem:s16], [sflag:$0x6], $0x4000, $0x38;
	[tilespmem:$0x12800] =	vst v63  }
0x67: {  	_ =	swait.ge [sflag:s21], $0x4000  }
0x68: {  	p1 =	seq.s32 s5, $0x4800;
	s6 =	sadd.s32 $0x100, s15;
	[sflag:s21] =	ssyncset.done $0x0  }
0x69: {  	s7 =	simm.s32 @!p1 $0x5;
	s5 =	sshra.s32 @!p1 s5, $0x2;
	[sflag:s21] =	ssyncadd.s32 $0xFFFFC000  }
0x6a: {  	[tilespmem:s18], [sflag:$0x3] =	stream.indirect.gather.add.f32 [hbm:s4], $0x80, s6, s13, $0xb8;
	[tilespmem:$0x12800] =	vst v63  }
0x6b: {  	s6 =	sadd.s32 @!p1 $0x1600, s5;
	s5 =	sadd.s32 @!p1 $0x1680, s5;
	_ =	swait.ge @!p1 [sflag:s7], $0x4000  }
0x6c: {  	s12 =	simm.s32 @!p1 $0x80;
	s23 =	simm.s32 @!p1 $0x2800;
	[sflag:s7] =	ssyncset.done @!p1 $0x0  }
0x6d: {  	[sflag:s7] =	ssyncadd.s32 @!p1 $0xFFFFC000  }
0x6e: {  	[tilespmem:s23], [sflag:$0x1] =	stream.indirect.gather @!p1 [hbm4b:s3+s12], $0x80, s6, s12, $0xb8;
	[tilespmem:$0x12800] =	vst v63  }
0x6f: {  	_ =	swait.ge [sflag:s21], $0x4000  }
0x70: {  	[sflag:s21] =	ssyncset.done $0x0  }
0x71: {  	[sflag:s21] =	ssyncadd.s32 $0xFFFFC000  }
0x72: {  	[hbm4b:s30+s2] =	stream.linear.scatter [tilespmem:s18], [sflag:$0x7], $0x4000, $0x38;
	[tilespmem:$0x12800] =	vst v63  }
0x73: {  	_ =	swait.ge [sflag:s22], $0x4000  }
0x74: {  	s6 =	sadd.s32 $0x180, s15;
	[sflag:s22] =	ssyncset.done $0x0  }
0x75: {  	s7 =	simm.s32 @!p1 $0x6;
	[sflag:s22] =	ssyncadd.s32 $0xFFFFC000  }
0x76: {  	[tilespmem:s20], [sflag:$0x4] =	stream.indirect.gather.add.f32 [hbm:s4], $0x80, s6, s13, $0xb8;
	[tilespmem:$0x12800] =	vst v63  }
0x77: {  	_ =	swait.ge @!p1 [sflag:s7], $0x4000  }
.Ltmp0:
0x78: {  	s6 =	simm.s32 @!p1 $0x6800;
	[sflag:s7] =	ssyncset.done @!p1 $0x0;
	(pc) =	sbr.rel @p0 .LBB2_2-.Ltmp0, $4  }
0x79: {  	[sflag:s7] =	ssyncadd.s32 @!p1 $0xFFFFC000  }
0x7a: {  	[tilespmem:s6], [sflag:$0x2] =	stream.indirect.gather @!p1 [hbm4b:s3+s12], $0x80, s5, s12, $0xb8;
	[tilespmem:$0x12800] =	vst v63  }
0x7b: {  	_ =	swait.ge [sflag:s22], $0x4000  }
0x7c: {  	s31 =	sadd.s32 $0x2000, s31;
	s30 =	sadd.s32 $0x2000, s30;
	[sflag:s22] =	ssyncset.done $0x0  }
0x7d: {  	[sflag:s22] =	ssyncadd.s32 $0xFFFFC000;
	s30 =	simm.s32 $0x5  }
0x7e: {  	[hbm4b:s0+s2] =	stream.linear.scatter [tilespmem:s20], [sflag:$0x8], $0x4000, $0x38;
	[tilespmem:$0x12800] =	vst v63  }
0x7f: {  	_ =	swait.ge [sflag:s30], $0x4000  }
0x80: {  	[sflag:s30] =	ssyncset.done $0x0  }
0x81: {  	[sflag:s30] =	ssyncadd.s32 $0xFFFFC000  }
0x82: {  	_ =	swait.ge [sflag:s24], $0x4000  }
0x83: {  	[sflag:s24] =	ssyncset.done $0x0  }
0x84: {  	[sflag:s24] =	ssyncadd.s32 $0xFFFFC000  }
0x85: {  	_ =	swait.ge [sflag:s25], $0x4000  }
0x86: {  	[sflag:s25] =	ssyncset.done $0x0  }
0x87: {  	[sflag:s25] =	ssyncadd.s32 $0xFFFFC000  }
0x88: {  	_ =	swait.ge [sflag:s26], $0x4000  }
0x89: {  	s28 =	sadd.s32 $0x1, s28;
	s31 =	rddreg [dreg:$0x4]  }
0x8a: {  	p0 =	sne.s32 s28, s31  }
.Ltmp1:
0x8b: {  	_ = 	snop;
	(pc) =	sbr.rel @p0 .LBB2_1-.Ltmp1, $3  }
0x8c: {  	_ =	sdelay $0x1  }
0x8d: {  	[sflag:s26] =	ssyncset.done $0x0  }
0x8e: {  	[sflag:s26] =	ssyncadd.s32 $0xFFFFC000  }
0x8f: {  	_ =	sfence.sel $0x180000  }
0x90: {  	[bflag:$0x0] =	sbarrier.arrive $0xFFFF  }
0x91: {  	_ =	strace $0x90000047  }
0x92: {  	s0 =	stileid.u32;
	[bflag:$0x2] =	sbarrier.arrive $0xFFFF  }
0x93: {  	p0 =	sne.s32 s0, $0x0;
	s0 =	rddreg [dreg:$0x1]  }
0x94: {  	s0 =	sadd.s32 @!p0 $0x100000, s0  }
0x95: {  	[sflag:s0] =	ssyncadd.tile.s32 @!p0 $0x1;
	_ =	shalt  }
.Lfunc_end2:
_tile_overlayer_lowered:
.L_overlay_start_2:
0x96: {  	(tag) =	ssettag $0x2  }
0x97: {  	s0 =	rddreg [dreg:$0x0];
	s2 =	stileid.u32  }
0x98: {  	s1 =	rddreg [dreg:$0x1];
	p0 =	sne.s32 s2, $0x0  }
0x99: {  	s3 =	rddreg [dreg:$0x2];
	[bflag:$0x3] =	sbarrier.arrive $0xFFFF;
	s2 =	simm.s32 @!p0 $0x1C09  }
0x9a: {  	[timem:s3], [sflag:s2] =	dma.local @!p0 [hbm:s0], s1  }
0x9b: {  	s0 =	simm.s32 @!p0 $0x9  }
0x9c: {  	_ =	swait.ge @!p0 [sflag:s0], s1  }
0x9d: {  	s1 =	ssub.s32 @!p0 $0x0, s1;
	[sflag:s0] =	ssyncset.done @!p0 $0x0  }
0x9e: {  	[sflag:s0] =	ssyncadd.s32 @!p0 s1  }
0x9f: {  	[bflag:$0x3] =	sbarrier.arrive $0xFFFF  }
0xa0: {  	_ =	shalt  }

// kernel: kernel.16.cloned.1.call-start
scs
__scs_entry_jumppad:
0x0: {  	(pc) =	sbr.rel $0x88, $3  }
0x1: {  	(tag) =	ssettag $0x0;
	lr =	simm.s32 $0x1  }
0x2: {  	[smem:$0x3F8A] =	sst lr;
	_ =	strace $0xD0000000  }
0x3: {  	_ = 	snop  }
0x4: {  	_ = 	snop  }
0x5: {  	_ = 	snop  }
0x6: {  	_ = 	snop  }
0x7: {  	_ = 	snop  }
__scs_overlays_trampoline_lowered:
0x8: {  	[smem:$0x3F99] =	sst s0  }
0x9: {  	[smem:$0x3F9A] =	sst s1  }
0xa: {  	[smem:$0x3F9B] =	sst s2  }
0xb: {  	[smem:$0x3F9C] =	sst s3  }
0xc: {  	[smem:$0x3F9D] =	sst s4  }
0xd: {  	[smem:$0x3F9E] =	sst s5  }
0xe: {  	[smem:$0x3F9F] =	sst s6  }
0xf: {  	[smem:$0x3FA0] =	sst s7  }
0x10: {  	[smem:$0x3FA1] =	sst s8  }
0x11: {  	[smem:$0x3FA2] =	sst s9;
	s0 =	simm.s32 @!p0 $0x0  }
0x12: {  	s1 =	sld [smem:$0x3F88];
	s0 =	simm.s32 @p0 $0x1  }
0x13: {  	[smem:$0x3FA3] =	sst s0;
	s0 =	simm.s32 @!p1 $0x0  }
0x14: {  	s2 =	sld [smem:$0x3F87];
	s0 =	simm.s32 @p1 $0x1  }
0x15: {  	[smem:$0x3FA4] =	sst s0;
	s0 =	simm.s32 @!p2 $0x0  }
0x16: {  	s3 =	sld [smem:$0x3FDB];
	s0 =	simm.s32 @p2 $0x1  }
0x17: {  	s4 =	simm.s32 $0x1BF5;
	[smem:$0x3FA6] =	sst s0  }
0x18: {  	s0 =	sld [smem:$0x3F89];
	_ =	swait.ge [sflag:s4], $0x0  }
0x19: {  	s7 =	sld [smem:$0x3F8A]  }
0x1a: {  	s8 =	sadd.s32 $0xFFFFE003, lr  }
0x1b: {  	s9 =	sadd.s32 $0xFFFFFEF7, lr;
	s5 =	simm.s32 $0xFFFFFFFF;
	p2 =	slt.u32 s8, $0xFFFFF086  }
0x1c: {  	p1 =	slt.u32 s9, $0xF7A;
	s5 =	simm.s32 @!p2 $0x0  }
0x1d: {  	s5 =	simm.s32 @p1 $0x1;
	p0 =	seq.s32 s7, s2  }
0x1e: {  	s7 =	smul.u32 @!p0 $0xF7A, s2;
	p2 =	seq.s32 @!p0 s5, $0x0  }
0x1f: {  	s9 =	smul.u32 $0xF7A, s1;
	s8 =	simm.s32 @!p0 $0x1BF5;
	p2 =	por !p2, p0  }
0x20: {  	[sflag:s8] =	ssyncset.s32 @!p0 $0xFFFFF086;
	s6 =	sadd.s32 @!p0 s3, s7;
	s7 =	simm.s32 @!p0 $0x108  }
0x21: {  	s3 =	sadd.s32 s3, s9;
	s6 =	sadd.s32 @!p0 $0x88, s6;
	s7 =	simm.s32 @p2 $0x1082  }
0x22: {  	[simem:s7], [sflag:s8] =	dma.local @!p0 [hbm:s6], $0xF7A  }
0x23: {  	s9 =	sor.u32 $0xD0000000, s2;
	s6 =	simm.s32 $0x108;
	_ =	swait.ge @!p0 [sflag:s8], $0x0  }
0x24: {  	s3 =	sadd.s32 $0x88, s3;
	s6 =	simm.s32 @!p1 $0x1082;
	[sflag:s4] =	ssyncset.s32 $0xFFFFF086  }
0x25: {  	[simem:s6], [sflag:s4] =	dma.local [hbm:s3], $0xF7A  }
0x26: {  	[smem:$0x3F8A] =	sst s1;
	(tag) =	ssettag s2;
	_ =	strace s9  }
0x27: {  	s1 =	sld [smem:$0x3F9A]  }
0x28: {  	s2 =	sld [smem:$0x3F9B]  }
0x29: {  	s4 =	sld [smem:$0x3F9D]  }
0x2a: {  	p0 =	seq.s32 s5, $0x0;
	s5 =	sld [smem:$0x3F9E]  }
0x2b: {  	s6 =	sld [smem:$0x3F9F]  }
0x2c: {  	s7 =	sld [smem:$0x3FA0]  }
0x2d: {  	s3 =	simm.s32 $0x108;
	s8 =	sld [smem:$0x3FA1]  }
0x2e: {  	s3 =	simm.s32 @!p0 $0x1082;
	s9 =	sld [smem:$0x3FA2]  }
0x2f: {  	lr =	sadd.s32 s0, s3;
	s0 =	sld [smem:$0x3F99]  }
0x30: {  	s3 =	sld [smem:$0x3F9C]  }
0x31: {  	[smem:$0x3FA5] =	sst s10  }
0x32: {  	s10 =	sld [smem:$0x3FA3];
	_ =	sdelay $0x3  }
0x33: {  	p0 =	seq.s32 s10, $0x1;
	s10 =	sld [smem:$0x3FA5];
	_ =	sdelay $0x3  }
0x34: {  	[smem:$0x3FA5] =	sst s10  }
0x35: {  	s10 =	sld [smem:$0x3FA4];
	_ =	sdelay $0x3  }
0x36: {  	p1 =	seq.s32 s10, $0x1;
	s10 =	sld [smem:$0x3FA5];
	_ =	sdelay $0x3  }
0x37: {  	[smem:$0x3FA5] =	sst s10  }
0x38: {  	s10 =	sld [smem:$0x3FA6]  }
0x39: {  	_ = 	snop;
	(pc) =	sbr.ind lr, $3  }
0x3a: {  	_ = 	snop  }
0x3b: {  	_ = 	snop  }
0x3c: {  	p2 =	seq.s32 s10, $0x1;
	s10 =	sld [smem:$0x3FA5]  }
0x3d: {  	_ =	shalt  }
0x3e: {  	_ =	shalt  }
0x3f: {  	_ =	shalt  }
0x40: {  	_ =	shalt  }
0x41: {  	_ =	shalt  }
0x42: {  	_ =	shalt  }
0x43: {  	_ =	shalt  }
0x44: {  	_ =	shalt  }
0x45: {  	_ =	shalt  }
0x46: {  	_ =	shalt  }
0x47: {  	_ =	shalt  }
0x48: {  	_ =	shalt  }
0x49: {  	_ =	shalt  }
0x4a: {  	_ =	shalt  }
0x4b: {  	_ =	shalt  }
0x4c: {  	_ =	shalt  }
0x4d: {  	_ =	shalt  }
0x4e: {  	_ =	shalt  }
0x4f: {  	_ =	shalt  }
0x50: {  	_ =	shalt  }
0x51: {  	_ =	shalt  }
0x52: {  	_ =	shalt  }
0x53: {  	_ =	shalt  }
0x54: {  	_ =	shalt  }
0x55: {  	_ =	shalt  }
0x56: {  	_ =	shalt  }
0x57: {  	_ =	shalt  }
0x58: {  	_ =	shalt  }
0x59: {  	_ =	shalt  }
0x5a: {  	_ =	shalt  }
0x5b: {  	_ =	shalt  }
0x5c: {  	_ =	shalt  }
0x5d: {  	_ =	shalt  }
0x5e: {  	_ =	shalt  }
0x5f: {  	_ =	shalt  }
0x60: {  	_ =	shalt  }
0x61: {  	_ =	shalt  }
0x62: {  	_ =	shalt  }
0x63: {  	_ =	shalt  }
0x64: {  	_ =	shalt  }
0x65: {  	_ =	shalt  }
0x66: {  	_ =	shalt  }
0x67: {  	_ =	shalt  }
0x68: {  	_ =	shalt  }
0x69: {  	_ =	shalt  }
0x6a: {  	_ =	shalt  }
0x6b: {  	_ =	shalt  }
0x6c: {  	_ =	shalt  }
0x6d: {  	_ =	shalt  }
0x6e: {  	_ =	shalt  }
0x6f: {  	_ =	shalt  }
0x70: {  	_ =	shalt  }
0x71: {  	_ =	shalt  }
0x72: {  	_ =	shalt  }
0x73: {  	_ =	shalt  }
0x74: {  	_ =	shalt  }
0x75: {  	_ =	shalt  }
0x76: {  	_ =	shalt  }
0x77: {  	_ =	shalt  }
0x78: {  	_ =	shalt  }
0x79: {  	_ =	shalt  }
0x7a: {  	_ =	shalt  }
0x7b: {  	_ =	shalt  }
0x7c: {  	_ =	shalt  }
0x7d: {  	_ =	shalt  }
0x7e: {  	_ =	shalt  }
0x7f: {  	_ =	shalt  }
0x80: {  	_ =	shalt  }
0x81: {  	_ =	shalt  }
0x82: {  	_ =	shalt  }
0x83: {  	_ =	shalt  }
0x84: {  	_ =	shalt  }
0x85: {  	_ =	shalt  }
0x86: {  	_ =	shalt  }
0x87: {  	_ =	shalt  }
.Lfunc_end0:
.L_simem_size_0:
called_computation.2_lowered:
.L_overlay_start_0:
0x88: {  	s2 =	sld [smem:$0x3FD9]  }
0x89: {  	s3 =	sld [smem:$0x3FFE];
	_ =	sdelay $0x1  }
0x8a: {  	s1 =	srdreg.scid  }
0x8b: {  	s0 =	sand.u32 $0x1, s1  }
0x8c: {  	s17 =	sshll.u32 s0, $0xA;
	s2 =	sadd.s32 s3, s2  }
0x8d: {  	s2 =	sadd.s32 s2, s17  }
0x8e: {  	[smem:$0x3FB1] =	sst s2  }
0x8f: {  	_ = 	snop  }
0x90: {  	(tm) =	ssettm $0x1  }
0x91: {  	s18 =	sld [smem:$0x3FFB];
	_ =	sdelay $0x3  }
0x92: {  	_ =	strace s18  }
0x93: {  	s2 =	sld [smem:$0x3FFC];
	_ =	sdelay $0x3  }
0x94: {  	_ =	strace s2  }
0x95: {  	s2 =	sld [smem:$0x3FFD];
	_ =	sdelay $0x3  }
0x96: {  	_ =	strace s2  }
0x97: {  	_ =	strace $0x8FFFFFFF  }
0x98: {  	s19 =	sld [smem:$0x3FDB];
	_ =	sdelay $0x1  }
0x99: {  	s20 =	simm.s32 $_scs_section_size  }
0x9a: {  	s4 =	simm.s32 $_size__tile_overlayer_lowered;
	s5 =	simm.s32 $_tile_overlayer_lowered  }
0x9b: {  	s6 =	simm.s32 $0x1BFF;
	s21 =	sshll.u32 s5, $0x1;
	s3 =	sadd.s32 s20, s19  }
0x9c: {  	s22 =	simm.s32 $0x0;
	s4 =	sshll.u32 s4, $0x1;
	s5 =	sadd.s32 s21, s3  }
0x9d: {  	[timem:s22], [sflag:s6] =	dma.local [hbm:s5], s4  }
0x9e: {  	_ =	swait.ge [sflag:s6], s4  }
0x9f: {  	s4 =	ssub.s32 $0x0, s4;
	[sflag:s6] =	ssyncset.done $0x0  }
0xa0: {  	[sflag:s6] =	ssyncadd.s32 s4;
	_ =	sdelay $0x1  }
0xa1: {  	s23 =	simm.s32 $0x1B8B  }
0xa2: {  	_ =	swait.ge [sflag:s23], $0x1  }
0xa3: {  	[sflag:s23] =	ssyncset.done $0x0  }
0xa4: {  	[sflag:s23] =	ssyncadd.s32 $0xFFFFFFFF  }
0xa5: {  	s4 =	sld [smem:$0x0]  }
0xa6: {  	s5 =	sand.u32 $0xFFFFFFFE, s1  }
0xa7: {  	p0 =	sne.s32 s1, s5  }
0xa8: {  	s5 =	sshll.u32 @p0 s5, $0xE  }
0xa9: {  	s5 =	sadd.s32 @p0 $0x11B8D, s5;
	s6 =	sshll.u32 @p0 s4, $0x11  }
0xaa: {  	s5 =	sor.u32 @p0 s6, s5  }
0xab: {  	[sflag:s5] =	ssyncadd.remote.s32 @p0 $0x1;
	_ =	sdelay $0x1  }
0xac: {  	s5 =	simm.s32 @p0 $0x1B8D  }
0xad: {  	_ =	swait.eq @p0 [sflag:s5], $0x1  }
0xae: {  	[sflag:s5] =	ssyncadd.s32 @p0 $0xFFFFFFFF  }
0xaf: {  	s6 =	sshll.u32 @!p0 s1, $0xE  }
0xb0: {  	s6 =	sor.u32 @!p0 $0x4000, s6;
	s5 =	simm.s32 @!p0 $0x1B8D  }
0xb1: {  	s4 =	sshll.u32 @!p0 s4, $0x11;
	s6 =	sadd.s32 @!p0 $0x11B8D, s6;
	_ =	swait.eq @!p0 [sflag:s5], $0x1  }
0xb2: {  	s4 =	sor.u32 @!p0 s4, s6;
	[sflag:s5] =	ssyncadd.s32 @!p0 $0xFFFFFFFF  }
0xb3: {  	s25 =	simm.s32 $0x1B8E;
	s24 =	sld [smem:$0x3FFE];
	[sflag:s4] =	ssyncadd.remote.s32 @!p0 $0x1  }
0xb4: {  	s26 =	simm.s32 $execute0_lowered;
	[smem:$0x3FD2] =	sst s25  }
0xb5: {  	s5 =	sshll.u32 s26, $0x1;
	_ =	strace $0x8000004F;
	[dreg:$0x1] =	wrdreg $0xFFFFFFFF  }
0xb6: {  	s28 =	simm.s32 $_size_execute0_lowered;
	s3 =	sadd.s32 s3, s5;
	[dreg:$0x0] =	wrdreg $0x0  }
0xb7: {  	s5 =	sshll.u32 s28, $0x1;
	[dreg:$0x2] =	wrdreg s3  }
0xb8: {  	[dreg:$0x3] =	wrdreg s5  }
0xb9: {  	[dreg:$0x4] =	wrdreg $0xC0  }
0xba: {  	_ =	task [dreg:s22], $0x5FFFF  }
0xbb: {  	[dreg:$0x1] =	wrdreg $0xFFFFFFFF  }
0xbc: {  	[dreg:$0x0] =	wrdreg $0x60  }
0xbd: {  	[dreg:$0x2] =	wrdreg s24  }
0xbe: {  	[dreg:$0x3] =	wrdreg $0x94000  }
0xbf: {  	[dreg:$0x4] =	wrdreg $0x9  }
0xc0: {  	_ =	task.clear_ibuf [dreg:s22], $0x5FFFF;
	_ =	strace $0x9000004F  }
0xc1: {  	s29 =	simm.s32 $0x9;
	_ =	strace $0x80000051  }
0xc2: {  	_ =	swait.ge [sflag:s29], $0x1  }
0xc3: {  	[sflag:s29] =	ssyncadd.s32 $0xFFFFFFFF  }
0xc4: {  	_ =	strace $0x90000051  }
0xc5: {  	_ =	sfence  }
0xc6: {  	s30 =	sld [smem:$0x0];
	_ =	sdelay $0x2  }
0xc7: {  	s31 =	sshll.u32 s1, $0xD;
	s1 =	sshrl.u32 s1, $0x2  }
0xc8: {  	s4 =	sand.u32 $0x4000, s31;
	s1 =	sadd.s32 s1, s30  }
0xc9: {  	s0 =	sor.u32 s4, s0;
	s1 =	sshll.u32 s1, $0x11  }
0xca: {  	s0 =	sor.u32 s1, s0  }
0xcb: {  	s0 =	sadd.s32 $0x8F2B, s0  }
0xcc: {  	[sflag:s0] =	ssyncadd.remote.s32 $0x1  }
0xcd: {  	_ =	sfence.sel $0xFFFF  }
0xce: {  	[dreg:$0x0] =	wrdreg $0xFFFFFFFF;
	(pc) =	sbr.abs _section_cstart, $3  }
0xcf: {  	[dreg:$0x1] =	wrdreg $0xFFFFFFFF  }
0xd0: {  	_ =	task.clear_ibuf [dreg:s22], $0x2FFFF;
	_ =	strace $0x9FFFFFFF  }
0xd1: {  	(tm) =	ssettm $0x7FFFFFFF  }
tec
execute0_lowered:
.L_overlay_start_1:
0x0: {  	(tag) =	ssettag $0x1  }
0x1: {  	s1 =	srdreg.scid;
	s5 =	rddreg [dreg:$0x0]  }
0x2: {  	s0 =	stileid.u32;
	s2 =	rddreg [dreg:$0x1];
	s3 =	simm.s32 $0x0  }
0x3: {  	s15 =	simm.s32 $0x1400;
	s16 =	simm.s32 $0x5400;
	s17 =	simm.s32 $0x1  }
0x4: {  	s18 =	simm.s32 $0x80;
	s19 =	simm.s32 $0x2;
	s20 =	simm.s32 $0x1300  }
0x5: {  	s21 =	simm.s32 $0x1380;
	s22 =	simm.s32 $0x0;
	s8 =	smul.u32 $0x14000, s0  }
0x6: {  	s4 =	sand.u32 $0x1, s1;
	s1 =	rddreg [dreg:$0x2];
	s10 =	smul.u32 $0x50000, s0  }
0x7: {  	s25 =	sshll.u32 s0, $0x1;
	[smem:$0x7FF] =	sst s3;
	s13 =	smul.u32 $0x50, s0  }
0x8: {  	s11 =	sadd.s32 $0x80F200, s5;
	s29 =	sshll.u32 s0, $0x6;
	s9 =	smul.u32 $0x140000, s4  }
0x9: {  	s6 =	sor.u32 s4, s25;
	s26 =	ssub.s32 $0x2, s4;
	s28 =	smul.u32 $0x28, s4  }
0xa: {  	_ =	strace $0x80000050;
	s7 =	smul.u32 $0x280, s6;
	s12 =	sshrl.u32 s26, $0x1  }
0xb: {  	s10 =	sshrl.u32 s10, $0x2;
	s30 =	smul.u32 $0x14000, s6;
	s9 =	sadd.s32 s8, s9  }
0xc: {  	s8 =	sshrl.u32 s8, $0x3;
	s12 =	ssub.s32 s26, s12;
	s14 =	sadd.s32 s10, s2  }
0xd: {  	s10 =	sadd.s32 s28, s13;
	s7 =	sadd.s32 s7, s5;
	s9 =	sshrl.u32 s9, $0x3  }
0xe: {  	s8 =	sadd.s32 s8, s5;
	s13 =	sshll.u32 s10, $0xB;
	s9 =	sadd.s32 s9, s5  }
0xf: {  	s4 =	sadd.s32 $0x85200, s8;
	s5 =	sor.u32 $0x1C03, s29;
	s6 =	sadd.s32 $0x30A200, s7  }
0x10: {  	s7 =	sadd.s32 s11, s30;
	s31 =	sadd.s32 s13, s11;
	s13 =	sshrl.u32 s14, $0x3  }
0x11: {  	s14 =	simm.s32 $0x3;
	s8 =	sadd.s32 $0xFD200, s9;
	s9 =	smax.u32 s12, $0x1  }
0x12: {  	s10 =	sadd.s32 $0x13800, s7;
	s11 =	sadd.s32 $0x1000, s31;
	s12 =	sadd.s32 $0x800, s31  }
.LBB2_1:
0x13: {  	[spmem:s13], [sflag:s5] =	dma.local [hbm:s4], $0x2800  }
0x14: {  	_ =	swait.ge [sflag:s14], $0x2800  }
0x15: {  	[sflag:s14] =	ssyncset.done $0x0  }
0x16: {  	[sflag:s14] =	ssyncadd.s32 $0xFFFFD800  }
0x17: {  	[tilespmem:s3], [sflag:$0x3] =	stream.linear.gather [hbm4b:s6+s3], $0x1400, $0x38;
	[tilespmem:$0x1D400] =	vst v63  }
0x18: {  	_ =	swait.ge [sflag:s14], $0x1400  }
0x19: {  	[sflag:s14] =	ssyncset.done $0x0  }
0x1a: {  	[sflag:s14] =	ssyncadd.s32 $0xFFFFEC00  }
0x1b: {  	[bflag:$0x0] =	sbarrier.arrive $0xFFFF  }
0x1c: {  	[tilespmem:s15], [sflag:$0x1] =	stream.linear.gather [hbm4b:s7+s3], $0x4000, $0x38;
	[tilespmem:$0x1D400] =	vst v63  }
0x1d: {  	s23 =	sadd.s32 $0x0, s12  }
0x1e: {  	[tilespmem:s16], [sflag:$0x2] =	stream.linear.gather [hbm4b:s23+s3], $0x4000, $0x38;
	[tilespmem:$0x1D400] =	vst v63  }
0x1f: {  	_ =	swait.ge [sflag:s17], $0x4000  }
0x20: {  	[sflag:s17] =	ssyncset.done $0x0  }
0x21: {  	[sflag:s17] =	ssyncadd.s32 $0xFFFFC000  }
0x22: {  	[spmem:s2] =	stream.indirect.scatter.add.f32 [tilespmem:s15], [sflag:$0x3], $0x80, s3, s18, $0xb8;
	[tilespmem:$0x1D400] =	vst v63  }
0x23: {  	_ =	swait.ge [sflag:s14], $0x4000  }
0x24: {  	[sflag:s14] =	ssyncset.done $0x0  }
0x25: {  	s30 =	sadd.s32 $0x0, s11;
	[sflag:s14] =	ssyncadd.s32 $0xFFFFC000  }
0x26: {  	[tilespmem:s15], [sflag:$0x1] =	stream.linear.gather [hbm4b:s30+s3], $0x4000, $0x38;
	[tilespmem:$0x1D400] =	vst v63  }
0x27: {  	_ =	swait.ge [sflag:s19], $0x4000  }
0x28: {  	[sflag:s19] =	ssyncset.done $0x0  }
0x29: {  	s31 =	simm.s32 $0x80;
	[sflag:s19] =	ssyncadd.s32 $0xFFFFC000  }
0x2a: {  	[spmem:s2] =	stream.indirect.scatter.add.f32 [tilespmem:s16], [sflag:$0x3], $0x80, s31, s18, $0xb8;
	[tilespmem:$0x1D400] =	vst v63  }
0x2b: {  	s24 =	simm.s32 $0x1000;
	_ =	swait.ge [sflag:s14], $0x4000  }
0x2c: {  	s25 =	simm.s32 $0x2000;
	s23 =	simm.s32 $0x100;
	[sflag:s14] =	ssyncset.done $0x0  }
.LBB2_2:
0x2d: {  	s26 =	sadd.s32 s24, s12  }
0x2e: {  	[sflag:s14] =	ssyncadd.s32 $0xFFFFC000;
	s28 =	smov.u32 s25;
	s29 =	sadd.s32 $0x1000, s25  }
0x2f: {  	[tilespmem:s16], [sflag:$0x2] =	stream.linear.gather [hbm4b:s26+s3], $0x4000, $0x38;
	[tilespmem:$0x1D400] =	vst v63  }
0x30: {  	p0 =	sne.s32 s25, $0x12000;
	_ =	swait.ge [sflag:s17], $0x4000  }
0x31: {  	[sflag:s17] =	ssyncset.done $0x0  }
0x32: {  	[sflag:s17] =	ssyncadd.s32 $0xFFFFC000  }
0x33: {  	[spmem:s2] =	stream.indirect.scatter.add.f32 [tilespmem:s15], [sflag:$0x3], $0x80, s23, s18, $0xb8;
	[tilespmem:$0x1D400] =	vst v63  }
0x34: {  	_ =	swait.ge [sflag:s14], $0x4000  }
0x35: {  	[sflag:s14] =	ssyncset.done $0x0  }
0x36: {  	s25 =	sadd.s32 s24, s11;
	s24 =	smov.u32 s28;
	[sflag:s14] =	ssyncadd.s32 $0xFFFFC000  }
0x37: {  	[tilespmem:s15], [sflag:$0x1] =	stream.linear.gather [hbm4b:s25+s3], $0x4000, $0x38;
	[tilespmem:$0x1D400] =	vst v63  }
0x38: {  	_ =	swait.ge [sflag:s19], $0x4000  }
.Ltmp0:
0x39: {  	[sflag:s19] =	ssyncset.done $0x0;
	(pc) =	sbr.rel @p0 .LBB2_2-.Ltmp0, $4  }
0x3a: {  	s25 =	sadd.s32 $0x80, s23;
	[sflag:s19] =	ssyncadd.s32 $0xFFFFC000  }
0x3b: {  	[spmem:s2] =	stream.indirect.scatter.add.f32 [tilespmem:s16], [sflag:$0x3], $0x80, s25, s18, $0xb8;
	[tilespmem:$0x1D400] =	vst v63  }
0x3c: {  	_ =	swait.ge [sflag:s14], $0x4000  }
0x3d: {  	s23 =	sadd.s32 $0x100, s23;
	s25 =	smov.u32 s29;
	[sflag:s14] =	ssyncset.done $0x0  }
0x3e: {  	s25 =	sadd.s32 s24, s12;
	[sflag:s14] =	ssyncadd.s32 $0xFFFFC000  }
0x3f: {  	[tilespmem:s16], [sflag:$0x2] =	stream.linear.gather [hbm4b:s25+s3], $0x4000, $0x38;
	[tilespmem:$0x1D400] =	vst v63  }
0x40: {  	_ =	swait.ge [sflag:s17], $0x4000  }
0x41: {  	[sflag:s17] =	ssyncset.done $0x0  }
0x42: {  	[sflag:s17] =	ssyncadd.s32 $0xFFFFC000  }
0x43: {  	[spmem:s2] =	stream.indirect.scatter.add.f32 [tilespmem:s15], [sflag:$0x3], $0x80, s23, s18, $0xb8;
	[tilespmem:$0x1D400] =	vst v63  }
0x44: {  	_ =	swait.ge [sflag:s14], $0x4000  }
0x45: {  	[sflag:s14] =	ssyncset.done $0x0  }
0x46: {  	s30 =	sadd.s32 s24, s11;
	[sflag:s14] =	ssyncadd.s32 $0xFFFFC000  }
0x47: {  	[tilespmem:s15], [sflag:$0x1] =	stream.linear.gather [hbm4b:s30+s3], $0x4000, $0x38;
	[tilespmem:$0x1D400] =	vst v63  }
0x48: {  	_ =	swait.ge [sflag:s19], $0x4000  }
0x49: {  	[sflag:s19] =	ssyncset.done $0x0  }
0x4a: {  	s31 =	sadd.s32 $0x80, s23;
	[sflag:s19] =	ssyncadd.s32 $0xFFFFC000  }
0x4b: {  	[spmem:s2] =	stream.indirect.scatter.add.f32 [tilespmem:s16], [sflag:$0x3], $0x80, s31, s18, $0xb8;
	[tilespmem:$0x1D400] =	vst v63  }
0x4c: {  	_ =	swait.ge [sflag:s14], $0x4000  }
0x4d: {  	[sflag:s14] =	ssyncset.done $0x0  }
0x4e: {  	[sflag:s14] =	ssyncadd.s32 $0xFFFFC000  }
0x4f: {  	[tilespmem:s16], [sflag:$0x2] =	stream.linear.gather [hbm4b:s10+s3], $0x4000, $0x38;
	[tilespmem:$0x1D400] =	vst v63  }
0x50: {  	_ =	swait.ge [sflag:s17], $0x4000  }
0x51: {  	[sflag:s17] =	ssyncset.done $0x0  }
0x52: {  	[sflag:s17] =	ssyncadd.s32 $0xFFFFC000  }
0x53: {  	[spmem:s2] =	stream.indirect.scatter.add.f32 [tilespmem:s15], [sflag:$0x3], $0x80, s20, s18, $0xb8;
	[tilespmem:$0x1D400] =	vst v63  }
0x54: {  	_ =	swait.ge [sflag:s14], $0x4000  }
0x55: {  	[sflag:s14] =	ssyncset.done $0x0  }
0x56: {  	[sflag:s14] =	ssyncadd.s32 $0xFFFFC000  }
0x57: {  	_ =	swait.ge [sflag:s19], $0x4000  }
0x58: {  	[sflag:s19] =	ssyncset.done $0x0  }
0x59: {  	[sflag:s19] =	ssyncadd.s32 $0xFFFFC000  }
0x5a: {  	[spmem:s2] =	stream.indirect.scatter.add.f32 [tilespmem:s16], [sflag:$0x3], $0x80, s21, s18, $0xb8;
	[tilespmem:$0x1D400] =	vst v63  }
0x5b: {  	_ =	swait.ge [sflag:s14], $0x4000  }
0x5c: {  	s22 =	sadd.s32 $0x1, s22;
	[sflag:s14] =	ssyncset.done $0x0  }
0x5d: {  	p0 =	sne.s32 s22, s9;
	[sflag:s14] =	ssyncadd.s32 $0xFFFFC000  }
.Ltmp1:
0x5e: {  	[bflag:$0x0] =	sbarrier.arrive $0xFFFF;
	(pc) =	sbr.rel @p0 .LBB2_1-.Ltmp1, $4  }
0x5f: {  	[hbm:s8], [sflag:s5] =	dma.local [spmem:s13], $0x2800  }
0x60: {  	_ =	swait.ge [sflag:s14], $0x2800  }
0x61: {  	[sflag:s14] =	ssyncset.done $0x0  }
0x62: {  	[sflag:s14] =	ssyncadd.s32 $0xFFFFD800  }
0x63: {  	_ =	sfence.sel $0x180000  }
0x64: {  	[bflag:$0x0] =	sbarrier.arrive $0xFFFF  }
0x65: {  	p0 =	sne.s32 s0, $0x0;
	_ =	strace $0x90000050  }
0x66: {  	s0 =	sadd.s32 @!p0 $0x100000, s1;
	[bflag:$0x2] =	sbarrier.arrive $0xFFFF  }
0x67: {  	[sflag:s0] =	ssyncadd.tile.s32 @!p0 $0x1;
	_ =	shalt  }
.Lfunc_end2:
_tile_overlayer_lowered:
.L_overlay_start_2:
0x68: {  	(tag) =	ssettag $0x2  }
0x69: {  	s0 =	rddreg [dreg:$0x0];
	s2 =	stileid.u32  }
0x6a: {  	s1 =	rddreg [dreg:$0x1];
	p0 =	sne.s32 s2, $0x0  }
0x6b: {  	s3 =	rddreg [dreg:$0x2];
	[bflag:$0x3] =	sbarrier.arrive $0xFFFF;
	s2 =	simm.s32 @!p0 $0x1C03  }
0x6c: {  	[timem:s3], [sflag:s2] =	dma.local @!p0 [hbm:s0], s1  }
0x6d: {  	s0 =	simm.s32 @!p0 $0x3  }
0x6e: {  	_ =	swait.ge @!p0 [sflag:s0], s1  }
0x6f: {  	s1 =	ssub.s32 @!p0 $0x0, s1;
	[sflag:s0] =	ssyncset.done @!p0 $0x0  }
0x70: {  	[sflag:s0] =	ssyncadd.s32 @!p0 s1  }
0x71: {  	[bflag:$0x3] =	sbarrier.arrive $0xFFFF  }
0x72: {  	_ =	shalt  }

// kernel: kernel.19.cloned.1.call-start
scs
__scs_entry_jumppad:
0x0: {  	(pc) =	sbr.rel $0x88, $3  }
0x1: {  	(tag) =	ssettag $0x0;
	lr =	simm.s32 $0x1  }
0x2: {  	[smem:$0x3F8A] =	sst lr;
	_ =	strace $0xD0000000  }
0x3: {  	_ = 	snop  }
0x4: {  	_ = 	snop  }
0x5: {  	_ = 	snop  }
0x6: {  	_ = 	snop  }
0x7: {  	_ = 	snop  }
__scs_overlays_trampoline_lowered:
0x8: {  	[smem:$0x3F99] =	sst s0  }
0x9: {  	[smem:$0x3F9A] =	sst s1  }
0xa: {  	[smem:$0x3F9B] =	sst s2  }
0xb: {  	[smem:$0x3F9C] =	sst s3  }
0xc: {  	[smem:$0x3F9D] =	sst s4  }
0xd: {  	[smem:$0x3F9E] =	sst s5  }
0xe: {  	[smem:$0x3F9F] =	sst s6  }
0xf: {  	[smem:$0x3FA0] =	sst s7  }
0x10: {  	[smem:$0x3FA1] =	sst s8  }
0x11: {  	[smem:$0x3FA2] =	sst s9;
	s0 =	simm.s32 @!p0 $0x0  }
0x12: {  	s1 =	sld [smem:$0x3F88];
	s0 =	simm.s32 @p0 $0x1  }
0x13: {  	[smem:$0x3FA3] =	sst s0;
	s0 =	simm.s32 @!p1 $0x0  }
0x14: {  	s2 =	sld [smem:$0x3F87];
	s0 =	simm.s32 @p1 $0x1  }
0x15: {  	[smem:$0x3FA4] =	sst s0;
	s0 =	simm.s32 @!p2 $0x0  }
0x16: {  	s3 =	sld [smem:$0x3FDB];
	s0 =	simm.s32 @p2 $0x1  }
0x17: {  	s4 =	simm.s32 $0x1BF5;
	[smem:$0x3FA6] =	sst s0  }
0x18: {  	s0 =	sld [smem:$0x3F89];
	_ =	swait.ge [sflag:s4], $0x0  }
0x19: {  	s7 =	sld [smem:$0x3F8A]  }
0x1a: {  	s8 =	sadd.s32 $0xFFFFE003, lr  }
0x1b: {  	s9 =	sadd.s32 $0xFFFFFEF7, lr;
	s5 =	simm.s32 $0xFFFFFFFF;
	p2 =	slt.u32 s8, $0xFFFFF086  }
0x1c: {  	p1 =	slt.u32 s9, $0xF7A;
	s5 =	simm.s32 @!p2 $0x0  }
0x1d: {  	s5 =	simm.s32 @p1 $0x1;
	p0 =	seq.s32 s7, s2  }
0x1e: {  	s7 =	smul.u32 @!p0 $0xF7A, s2;
	p2 =	seq.s32 @!p0 s5, $0x0  }
0x1f: {  	s9 =	smul.u32 $0xF7A, s1;
	s8 =	simm.s32 @!p0 $0x1BF5;
	p2 =	por !p2, p0  }
0x20: {  	[sflag:s8] =	ssyncset.s32 @!p0 $0xFFFFF086;
	s6 =	sadd.s32 @!p0 s3, s7;
	s7 =	simm.s32 @!p0 $0x108  }
0x21: {  	s3 =	sadd.s32 s3, s9;
	s6 =	sadd.s32 @!p0 $0x88, s6;
	s7 =	simm.s32 @p2 $0x1082  }
0x22: {  	[simem:s7], [sflag:s8] =	dma.local @!p0 [hbm:s6], $0xF7A  }
0x23: {  	s9 =	sor.u32 $0xD0000000, s2;
	s6 =	simm.s32 $0x108;
	_ =	swait.ge @!p0 [sflag:s8], $0x0  }
0x24: {  	s3 =	sadd.s32 $0x88, s3;
	s6 =	simm.s32 @!p1 $0x1082;
	[sflag:s4] =	ssyncset.s32 $0xFFFFF086  }
0x25: {  	[simem:s6], [sflag:s4] =	dma.local [hbm:s3], $0xF7A  }
0x26: {  	[smem:$0x3F8A] =	sst s1;
	(tag) =	ssettag s2;
	_ =	strace s9  }
0x27: {  	s1 =	sld [smem:$0x3F9A]  }
0x28: {  	s2 =	sld [smem:$0x3F9B]  }
0x29: {  	s4 =	sld [smem:$0x3F9D]  }
0x2a: {  	p0 =	seq.s32 s5, $0x0;
	s5 =	sld [smem:$0x3F9E]  }
0x2b: {  	s6 =	sld [smem:$0x3F9F]  }
0x2c: {  	s7 =	sld [smem:$0x3FA0]  }
0x2d: {  	s3 =	simm.s32 $0x108;
	s8 =	sld [smem:$0x3FA1]  }
0x2e: {  	s3 =	simm.s32 @!p0 $0x1082;
	s9 =	sld [smem:$0x3FA2]  }
0x2f: {  	lr =	sadd.s32 s0, s3;
	s0 =	sld [smem:$0x3F99]  }
0x30: {  	s3 =	sld [smem:$0x3F9C]  }
0x31: {  	[smem:$0x3FA5] =	sst s10  }
0x32: {  	s10 =	sld [smem:$0x3FA3];
	_ =	sdelay $0x3  }
0x33: {  	p0 =	seq.s32 s10, $0x1;
	s10 =	sld [smem:$0x3FA5];
	_ =	sdelay $0x3  }
0x34: {  	[smem:$0x3FA5] =	sst s10  }
0x35: {  	s10 =	sld [smem:$0x3FA4];
	_ =	sdelay $0x3  }
0x36: {  	p1 =	seq.s32 s10, $0x1;
	s10 =	sld [smem:$0x3FA5];
	_ =	sdelay $0x3  }
0x37: {  	[smem:$0x3FA5] =	sst s10  }
0x38: {  	s10 =	sld [smem:$0x3FA6]  }
0x39: {  	_ = 	snop;
	(pc) =	sbr.ind lr, $3  }
0x3a: {  	_ = 	snop  }
0x3b: {  	_ = 	snop  }
0x3c: {  	p2 =	seq.s32 s10, $0x1;
	s10 =	sld [smem:$0x3FA5]  }
0x3d: {  	_ =	shalt  }
0x3e: {  	_ =	shalt  }
0x3f: {  	_ =	shalt  }
0x40: {  	_ =	shalt  }
0x41: {  	_ =	shalt  }
0x42: {  	_ =	shalt  }
0x43: {  	_ =	shalt  }
0x44: {  	_ =	shalt  }
0x45: {  	_ =	shalt  }
0x46: {  	_ =	shalt  }
0x47: {  	_ =	shalt  }
0x48: {  	_ =	shalt  }
0x49: {  	_ =	shalt  }
0x4a: {  	_ =	shalt  }
0x4b: {  	_ =	shalt  }
0x4c: {  	_ =	shalt  }
0x4d: {  	_ =	shalt  }
0x4e: {  	_ =	shalt  }
0x4f: {  	_ =	shalt  }
0x50: {  	_ =	shalt  }
0x51: {  	_ =	shalt  }
0x52: {  	_ =	shalt  }
0x53: {  	_ =	shalt  }
0x54: {  	_ =	shalt  }
0x55: {  	_ =	shalt  }
0x56: {  	_ =	shalt  }
0x57: {  	_ =	shalt  }
0x58: {  	_ =	shalt  }
0x59: {  	_ =	shalt  }
0x5a: {  	_ =	shalt  }
0x5b: {  	_ =	shalt  }
0x5c: {  	_ =	shalt  }
0x5d: {  	_ =	shalt  }
0x5e: {  	_ =	shalt  }
0x5f: {  	_ =	shalt  }
0x60: {  	_ =	shalt  }
0x61: {  	_ =	shalt  }
0x62: {  	_ =	shalt  }
0x63: {  	_ =	shalt  }
0x64: {  	_ =	shalt  }
0x65: {  	_ =	shalt  }
0x66: {  	_ =	shalt  }
0x67: {  	_ =	shalt  }
0x68: {  	_ =	shalt  }
0x69: {  	_ =	shalt  }
0x6a: {  	_ =	shalt  }
0x6b: {  	_ =	shalt  }
0x6c: {  	_ =	shalt  }
0x6d: {  	_ =	shalt  }
0x6e: {  	_ =	shalt  }
0x6f: {  	_ =	shalt  }
0x70: {  	_ =	shalt  }
0x71: {  	_ =	shalt  }
0x72: {  	_ =	shalt  }
0x73: {  	_ =	shalt  }
0x74: {  	_ =	shalt  }
0x75: {  	_ =	shalt  }
0x76: {  	_ =	shalt  }
0x77: {  	_ =	shalt  }
0x78: {  	_ =	shalt  }
0x79: {  	_ =	shalt  }
0x7a: {  	_ =	shalt  }
0x7b: {  	_ =	shalt  }
0x7c: {  	_ =	shalt  }
0x7d: {  	_ =	shalt  }
0x7e: {  	_ =	shalt  }
0x7f: {  	_ =	shalt  }
0x80: {  	_ =	shalt  }
0x81: {  	_ =	shalt  }
0x82: {  	_ =	shalt  }
0x83: {  	_ =	shalt  }
0x84: {  	_ =	shalt  }
0x85: {  	_ =	shalt  }
0x86: {  	_ =	shalt  }
0x87: {  	_ =	shalt  }
.Lfunc_end0:
.L_simem_size_0:
called_computation.3_lowered:
.L_overlay_start_0:
0x88: {  	s2 =	sld [smem:$0x3FD9]  }
0x89: {  	s3 =	sld [smem:$0x3FFE];
	_ =	sdelay $0x1  }
0x8a: {  	s1 =	srdreg.scid  }
0x8b: {  	s0 =	sand.u32 $0x1, s1  }
0x8c: {  	s17 =	sshll.u32 s0, $0xA;
	s2 =	sadd.s32 s3, s2  }
0x8d: {  	s2 =	sadd.s32 s2, s17  }
0x8e: {  	[smem:$0x3FB1] =	sst s2  }
0x8f: {  	_ = 	snop  }
0x90: {  	(tm) =	ssettm $0x1  }
0x91: {  	s18 =	sld [smem:$0x3FFB];
	_ =	sdelay $0x3  }
0x92: {  	_ =	strace s18  }
0x93: {  	s2 =	sld [smem:$0x3FFC];
	_ =	sdelay $0x3  }
0x94: {  	_ =	strace s2  }
0x95: {  	s2 =	sld [smem:$0x3FFD];
	_ =	sdelay $0x3  }
0x96: {  	_ =	strace s2  }
0x97: {  	_ =	strace $0x8FFFFFFF  }
0x98: {  	s19 =	sld [smem:$0x3FDB];
	_ =	sdelay $0x1  }
0x99: {  	s20 =	simm.s32 $_scs_section_size  }
0x9a: {  	s4 =	simm.s32 $_size__tile_overlayer_lowered;
	s5 =	simm.s32 $_tile_overlayer_lowered  }
0x9b: {  	s6 =	simm.s32 $0x1BFF;
	s21 =	sshll.u32 s5, $0x1;
	s3 =	sadd.s32 s20, s19  }
0x9c: {  	s22 =	simm.s32 $0x0;
	s4 =	sshll.u32 s4, $0x1;
	s5 =	sadd.s32 s21, s3  }
0x9d: {  	[timem:s22], [sflag:s6] =	dma.local [hbm:s5], s4  }
0x9e: {  	_ =	swait.ge [sflag:s6], s4  }
0x9f: {  	s4 =	ssub.s32 $0x0, s4;
	[sflag:s6] =	ssyncset.done $0x0  }
0xa0: {  	[sflag:s6] =	ssyncadd.s32 s4;
	_ =	sdelay $0x1  }
0xa1: {  	s23 =	simm.s32 $0x1B8B  }
0xa2: {  	_ =	swait.ge [sflag:s23], $0x1  }
0xa3: {  	[sflag:s23] =	ssyncset.done $0x0  }
0xa4: {  	[sflag:s23] =	ssyncadd.s32 $0xFFFFFFFF  }
0xa5: {  	s4 =	sld [smem:$0x0]  }
0xa6: {  	s5 =	sand.u32 $0xFFFFFFFE, s1  }
0xa7: {  	p0 =	sne.s32 s1, s5  }
0xa8: {  	s5 =	sshll.u32 @p0 s5, $0xE  }
0xa9: {  	s5 =	sadd.s32 @p0 $0x11B8D, s5;
	s6 =	sshll.u32 @p0 s4, $0x11  }
0xaa: {  	s5 =	sor.u32 @p0 s6, s5  }
0xab: {  	[sflag:s5] =	ssyncadd.remote.s32 @p0 $0x1;
	_ =	sdelay $0x1  }
0xac: {  	s5 =	simm.s32 @p0 $0x1B8D  }
0xad: {  	_ =	swait.eq @p0 [sflag:s5], $0x1  }
0xae: {  	[sflag:s5] =	ssyncadd.s32 @p0 $0xFFFFFFFF  }
0xaf: {  	s6 =	sshll.u32 @!p0 s1, $0xE  }
0xb0: {  	s6 =	sor.u32 @!p0 $0x4000, s6;
	s5 =	simm.s32 @!p0 $0x1B8D  }
0xb1: {  	s4 =	sshll.u32 @!p0 s4, $0x11;
	s6 =	sadd.s32 @!p0 $0x11B8D, s6;
	_ =	swait.eq @!p0 [sflag:s5], $0x1  }
0xb2: {  	s4 =	sor.u32 @!p0 s4, s6;
	[sflag:s5] =	ssyncadd.s32 @!p0 $0xFFFFFFFF  }
0xb3: {  	s25 =	simm.s32 $0x1B8E;
	s24 =	sld [smem:$0x3FFE];
	[sflag:s4] =	ssyncadd.remote.s32 @!p0 $0x1  }
0xb4: {  	s26 =	simm.s32 $execute0_lowered;
	[smem:$0x3FD2] =	sst s25  }
0xb5: {  	s5 =	sshll.u32 s26, $0x1;
	_ =	strace $0x8000004C;
	[dreg:$0x1] =	wrdreg $0xFFFFFFFF  }
0xb6: {  	s28 =	simm.s32 $_size_execute0_lowered;
	s3 =	sadd.s32 s3, s5;
	[dreg:$0x0] =	wrdreg $0x0  }
0xb7: {  	s5 =	sshll.u32 s28, $0x1;
	[dreg:$0x2] =	wrdreg s3  }
0xb8: {  	[dreg:$0x3] =	wrdreg s5  }
0xb9: {  	[dreg:$0x4] =	wrdreg $0xC0  }
0xba: {  	_ =	task [dreg:s22], $0x5FFFF  }
0xbb: {  	[dreg:$0x1] =	wrdreg $0xFFFFFFFF  }
0xbc: {  	[dreg:$0x0] =	wrdreg $0x60  }
0xbd: {  	[dreg:$0x2] =	wrdreg s24  }
0xbe: {  	[dreg:$0x3] =	wrdreg $0x94000  }
0xbf: {  	[dreg:$0x4] =	wrdreg $0xA  }
0xc0: {  	_ =	task.clear_ibuf [dreg:s22], $0x5FFFF;
	_ =	strace $0x9000004C  }
0xc1: {  	s29 =	simm.s32 $0xA;
	_ =	strace $0x8000004E  }
0xc2: {  	_ =	swait.ge [sflag:s29], $0x1  }
0xc3: {  	[sflag:s29] =	ssyncadd.s32 $0xFFFFFFFF  }
0xc4: {  	_ =	strace $0x9000004E  }
0xc5: {  	_ =	sfence  }
0xc6: {  	s30 =	sld [smem:$0x0];
	_ =	sdelay $0x2  }
0xc7: {  	s31 =	sshll.u32 s1, $0xD;
	s1 =	sshrl.u32 s1, $0x2  }
0xc8: {  	s4 =	sand.u32 $0x4000, s31;
	s1 =	sadd.s32 s1, s30  }
0xc9: {  	s0 =	sor.u32 s4, s0;
	s1 =	sshll.u32 s1, $0x11  }
0xca: {  	s0 =	sor.u32 s1, s0  }
0xcb: {  	s0 =	sadd.s32 $0x8F2B, s0  }
0xcc: {  	[sflag:s0] =	ssyncadd.remote.s32 $0x1  }
0xcd: {  	_ =	sfence.sel $0xFFFF  }
0xce: {  	[dreg:$0x0] =	wrdreg $0xFFFFFFFF;
	(pc) =	sbr.abs _section_cstart, $3  }
0xcf: {  	[dreg:$0x1] =	wrdreg $0xFFFFFFFF  }
0xd0: {  	_ =	task.clear_ibuf [dreg:s22], $0x2FFFF;
	_ =	strace $0x9FFFFFFF  }
0xd1: {  	(tm) =	ssettm $0x7FFFFFFF  }
tec
execute0_lowered:
.L_overlay_start_1:
0x0: {  	(tag) =	ssettag $0x1  }
0x1: {  	s1 =	srdreg.scid;
	s5 =	rddreg [dreg:$0x0]  }
0x2: {  	s0 =	stileid.u32;
	s2 =	rddreg [dreg:$0x1];
	s3 =	simm.s32 $0x0  }
0x3: {  	s15 =	simm.s32 $0x1400;
	s16 =	simm.s32 $0x5400;
	s17 =	simm.s32 $0x1  }
0x4: {  	s18 =	simm.s32 $0x80;
	s19 =	simm.s32 $0x2;
	s20 =	simm.s32 $0x1300  }
0x5: {  	s21 =	simm.s32 $0x1380;
	s22 =	simm.s32 $0x0;
	s8 =	smul.u32 $0x14000, s0  }
0x6: {  	s4 =	sand.u32 $0x1, s1;
	s1 =	rddreg [dreg:$0x2];
	s10 =	smul.u32 $0x50000, s0  }
0x7: {  	s25 =	sshll.u32 s0, $0x1;
	[smem:$0x7FF] =	sst s3;
	s13 =	smul.u32 $0x50, s0  }
0x8: {  	s11 =	sadd.s32 $0x58F200, s5;
	s29 =	sshll.u32 s0, $0x6;
	s9 =	smul.u32 $0x140000, s4  }
0x9: {  	s6 =	sor.u32 s4, s25;
	s26 =	ssub.s32 $0x2, s4;
	s28 =	smul.u32 $0x28, s4  }
0xa: {  	_ =	strace $0x8000004D;
	s7 =	smul.u32 $0x280, s6;
	s12 =	sshrl.u32 s26, $0x1  }
0xb: {  	s10 =	sshrl.u32 s10, $0x2;
	s30 =	smul.u32 $0x14000, s6;
	s9 =	sadd.s32 s8, s9  }
0xc: {  	s8 =	sshrl.u32 s8, $0x3;
	s12 =	ssub.s32 s26, s12;
	s14 =	sadd.s32 s10, s2  }
0xd: {  	s10 =	sadd.s32 s28, s13;
	s7 =	sadd.s32 s7, s5;
	s9 =	sshrl.u32 s9, $0x3  }
0xe: {  	s8 =	sadd.s32 s8, s5;
	s13 =	sshll.u32 s10, $0xB;
	s9 =	sadd.s32 s9, s5  }
0xf: {  	s4 =	sadd.s32 $0x85200, s8;
	s5 =	sor.u32 $0x1C03, s29;
	s6 =	sadd.s32 $0xAC00, s7  }
0x10: {  	s7 =	sadd.s32 s11, s30;
	s31 =	sadd.s32 s13, s11;
	s13 =	sshrl.u32 s14, $0x3  }
0x11: {  	s14 =	simm.s32 $0x3;
	s8 =	sadd.s32 $0xAD200, s9;
	s9 =	smax.u32 s12, $0x1  }
0x12: {  	s10 =	sadd.s32 $0x13800, s7;
	s11 =	sadd.s32 $0x1000, s31;
	s12 =	sadd.s32 $0x800, s31  }
.LBB2_1:
0x13: {  	[spmem:s13], [sflag:s5] =	dma.local [hbm:s4], $0x2800  }
0x14: {  	_ =	swait.ge [sflag:s14], $0x2800  }
0x15: {  	[sflag:s14] =	ssyncset.done $0x0  }
0x16: {  	[sflag:s14] =	ssyncadd.s32 $0xFFFFD800  }
0x17: {  	[tilespmem:s3], [sflag:$0x3] =	stream.linear.gather [hbm4b:s6+s3], $0x1400, $0x38;
	[tilespmem:$0x1D400] =	vst v63  }
0x18: {  	_ =	swait.ge [sflag:s14], $0x1400  }
0x19: {  	[sflag:s14] =	ssyncset.done $0x0  }
0x1a: {  	[sflag:s14] =	ssyncadd.s32 $0xFFFFEC00  }
0x1b: {  	[bflag:$0x0] =	sbarrier.arrive $0xFFFF  }
0x1c: {  	[tilespmem:s15], [sflag:$0x1] =	stream.linear.gather [hbm4b:s7+s3], $0x4000, $0x38;
	[tilespmem:$0x1D400] =	vst v63  }
0x1d: {  	s23 =	sadd.s32 $0x0, s12  }
0x1e: {  	[tilespmem:s16], [sflag:$0x2] =	stream.linear.gather [hbm4b:s23+s3], $0x4000, $0x38;
	[tilespmem:$0x1D400] =	vst v63  }
0x1f: {  	_ =	swait.ge [sflag:s17], $0x4000  }
0x20: {  	[sflag:s17] =	ssyncset.done $0x0  }
0x21: {  	[sflag:s17] =	ssyncadd.s32 $0xFFFFC000  }
0x22: {  	[spmem:s2] =	stream.indirect.scatter.add.f32 [tilespmem:s15], [sflag:$0x3], $0x80, s3, s18, $0xb8;
	[tilespmem:$0x1D400] =	vst v63  }
0x23: {  	_ =	swait.ge [sflag:s14], $0x4000  }
0x24: {  	[sflag:s14] =	ssyncset.done $0x0  }
0x25: {  	s30 =	sadd.s32 $0x0, s11;
	[sflag:s14] =	ssyncadd.s32 $0xFFFFC000  }
0x26: {  	[tilespmem:s15], [sflag:$0x1] =	stream.linear.gather [hbm4b:s30+s3], $0x4000, $0x38;
	[tilespmem:$0x1D400] =	vst v63  }
0x27: {  	_ =	swait.ge [sflag:s19], $0x4000  }
0x28: {  	[sflag:s19] =	ssyncset.done $0x0  }
0x29: {  	s31 =	simm.s32 $0x80;
	[sflag:s19] =	ssyncadd.s32 $0xFFFFC000  }
0x2a: {  	[spmem:s2] =	stream.indirect.scatter.add.f32 [tilespmem:s16], [sflag:$0x3], $0x80, s31, s18, $0xb8;
	[tilespmem:$0x1D400] =	vst v63  }
0x2b: {  	s24 =	simm.s32 $0x1000;
	_ =	swait.ge [sflag:s14], $0x4000  }
0x2c: {  	s25 =	simm.s32 $0x2000;
	s23 =	simm.s32 $0x100;
	[sflag:s14] =	ssyncset.done $0x0  }
.LBB2_2:
0x2d: {  	s26 =	sadd.s32 s24, s12  }
0x2e: {  	[sflag:s14] =	ssyncadd.s32 $0xFFFFC000;
	s28 =	smov.u32 s25;
	s29 =	sadd.s32 $0x1000, s25  }
0x2f: {  	[tilespmem:s16], [sflag:$0x2] =	stream.linear.gather [hbm4b:s26+s3], $0x4000, $0x38;
	[tilespmem:$0x1D400] =	vst v63  }
0x30: {  	p0 =	sne.s32 s25, $0x12000;
	_ =	swait.ge [sflag:s17], $0x4000  }
0x31: {  	[sflag:s17] =	ssyncset.done $0x0  }
0x32: {  	[sflag:s17] =	ssyncadd.s32 $0xFFFFC000  }
0x33: {  	[spmem:s2] =	stream.indirect.scatter.add.f32 [tilespmem:s15], [sflag:$0x3], $0x80, s23, s18, $0xb8;
	[tilespmem:$0x1D400] =	vst v63  }
0x34: {  	_ =	swait.ge [sflag:s14], $0x4000  }
0x35: {  	[sflag:s14] =	ssyncset.done $0x0  }
0x36: {  	s25 =	sadd.s32 s24, s11;
	s24 =	smov.u32 s28;
	[sflag:s14] =	ssyncadd.s32 $0xFFFFC000  }
0x37: {  	[tilespmem:s15], [sflag:$0x1] =	stream.linear.gather [hbm4b:s25+s3], $0x4000, $0x38;
	[tilespmem:$0x1D400] =	vst v63  }
0x38: {  	_ =	swait.ge [sflag:s19], $0x4000  }
.Ltmp0:
0x39: {  	[sflag:s19] =	ssyncset.done $0x0;
	(pc) =	sbr.rel @p0 .LBB2_2-.Ltmp0, $4  }
0x3a: {  	s25 =	sadd.s32 $0x80, s23;
	[sflag:s19] =	ssyncadd.s32 $0xFFFFC000  }
0x3b: {  	[spmem:s2] =	stream.indirect.scatter.add.f32 [tilespmem:s16], [sflag:$0x3], $0x80, s25, s18, $0xb8;
	[tilespmem:$0x1D400] =	vst v63  }
0x3c: {  	_ =	swait.ge [sflag:s14], $0x4000  }
0x3d: {  	s23 =	sadd.s32 $0x100, s23;
	s25 =	smov.u32 s29;
	[sflag:s14] =	ssyncset.done $0x0  }
0x3e: {  	s25 =	sadd.s32 s24, s12;
	[sflag:s14] =	ssyncadd.s32 $0xFFFFC000  }
0x3f: {  	[tilespmem:s16], [sflag:$0x2] =	stream.linear.gather [hbm4b:s25+s3], $0x4000, $0x38;
	[tilespmem:$0x1D400] =	vst v63  }
0x40: {  	_ =	swait.ge [sflag:s17], $0x4000  }
0x41: {  	[sflag:s17] =	ssyncset.done $0x0  }
0x42: {  	[sflag:s17] =	ssyncadd.s32 $0xFFFFC000  }
0x43: {  	[spmem:s2] =	stream.indirect.scatter.add.f32 [tilespmem:s15], [sflag:$0x3], $0x80, s23, s18, $0xb8;
	[tilespmem:$0x1D400] =	vst v63  }
0x44: {  	_ =	swait.ge [sflag:s14], $0x4000  }
0x45: {  	[sflag:s14] =	ssyncset.done $0x0  }
0x46: {  	s30 =	sadd.s32 s24, s11;
	[sflag:s14] =	ssyncadd.s32 $0xFFFFC000  }
0x47: {  	[tilespmem:s15], [sflag:$0x1] =	stream.linear.gather [hbm4b:s30+s3], $0x4000, $0x38;
	[tilespmem:$0x1D400] =	vst v63  }
0x48: {  	_ =	swait.ge [sflag:s19], $0x4000  }
0x49: {  	[sflag:s19] =	ssyncset.done $0x0  }
0x4a: {  	s31 =	sadd.s32 $0x80, s23;
	[sflag:s19] =	ssyncadd.s32 $0xFFFFC000  }
0x4b: {  	[spmem:s2] =	stream.indirect.scatter.add.f32 [tilespmem:s16], [sflag:$0x3], $0x80, s31, s18, $0xb8;
	[tilespmem:$0x1D400] =	vst v63  }
0x4c: {  	_ =	swait.ge [sflag:s14], $0x4000  }
0x4d: {  	[sflag:s14] =	ssyncset.done $0x0  }
0x4e: {  	[sflag:s14] =	ssyncadd.s32 $0xFFFFC000  }
0x4f: {  	[tilespmem:s16], [sflag:$0x2] =	stream.linear.gather [hbm4b:s10+s3], $0x4000, $0x38;
	[tilespmem:$0x1D400] =	vst v63  }
0x50: {  	_ =	swait.ge [sflag:s17], $0x4000  }
0x51: {  	[sflag:s17] =	ssyncset.done $0x0  }
0x52: {  	[sflag:s17] =	ssyncadd.s32 $0xFFFFC000  }
0x53: {  	[spmem:s2] =	stream.indirect.scatter.add.f32 [tilespmem:s15], [sflag:$0x3], $0x80, s20, s18, $0xb8;
	[tilespmem:$0x1D400] =	vst v63  }
0x54: {  	_ =	swait.ge [sflag:s14], $0x4000  }
0x55: {  	[sflag:s14] =	ssyncset.done $0x0  }
0x56: {  	[sflag:s14] =	ssyncadd.s32 $0xFFFFC000  }
0x57: {  	_ =	swait.ge [sflag:s19], $0x4000  }
0x58: {  	[sflag:s19] =	ssyncset.done $0x0  }
0x59: {  	[sflag:s19] =	ssyncadd.s32 $0xFFFFC000  }
0x5a: {  	[spmem:s2] =	stream.indirect.scatter.add.f32 [tilespmem:s16], [sflag:$0x3], $0x80, s21, s18, $0xb8;
	[tilespmem:$0x1D400] =	vst v63  }
0x5b: {  	_ =	swait.ge [sflag:s14], $0x4000  }
0x5c: {  	s22 =	sadd.s32 $0x1, s22;
	[sflag:s14] =	ssyncset.done $0x0  }
0x5d: {  	p0 =	sne.s32 s22, s9;
	[sflag:s14] =	ssyncadd.s32 $0xFFFFC000  }
.Ltmp1:
0x5e: {  	[bflag:$0x0] =	sbarrier.arrive $0xFFFF;
	(pc) =	sbr.rel @p0 .LBB2_1-.Ltmp1, $4  }
0x5f: {  	[hbm:s8], [sflag:s5] =	dma.local [spmem:s13], $0x2800  }
0x60: {  	_ =	swait.ge [sflag:s14], $0x2800  }
0x61: {  	[sflag:s14] =	ssyncset.done $0x0  }
0x62: {  	[sflag:s14] =	ssyncadd.s32 $0xFFFFD800  }
0x63: {  	_ =	sfence.sel $0x180000  }
0x64: {  	[bflag:$0x0] =	sbarrier.arrive $0xFFFF  }
0x65: {  	p0 =	sne.s32 s0, $0x0;
	_ =	strace $0x9000004D  }
0x66: {  	s0 =	sadd.s32 @!p0 $0x100000, s1;
	[bflag:$0x2] =	sbarrier.arrive $0xFFFF  }
0x67: {  	[sflag:s0] =	ssyncadd.tile.s32 @!p0 $0x1;
	_ =	shalt  }
.Lfunc_end2:
_tile_overlayer_lowered:
.L_overlay_start_2:
0x68: {  	(tag) =	ssettag $0x2  }
0x69: {  	s0 =	rddreg [dreg:$0x0];
	s2 =	stileid.u32  }
0x6a: {  	s1 =	rddreg [dreg:$0x1];
	p0 =	sne.s32 s2, $0x0  }
0x6b: {  	s3 =	rddreg [dreg:$0x2];
	[bflag:$0x3] =	sbarrier.arrive $0xFFFF;
	s2 =	simm.s32 @!p0 $0x1C03  }
0x6c: {  	[timem:s3], [sflag:s2] =	dma.local @!p0 [hbm:s0], s1  }
0x6d: {  	s0 =	simm.s32 @!p0 $0x3  }
0x6e: {  	_ =	swait.ge @!p0 [sflag:s0], s1  }
0x6f: {  	s1 =	ssub.s32 @!p0 $0x0, s1;
	[sflag:s0] =	ssyncset.done @!p0 $0x0  }
0x70: {  	[sflag:s0] =	ssyncadd.s32 @!p0 s1  }
0x71: {  	[bflag:$0x3] =	sbarrier.arrive $0xFFFF  }
0x72: {  	_ =	shalt  }

</sc_bundles>
